<compile_context>
chip_gen: v7x
topology: tpu7x:2x2x1
jax: 0.10.2.dev20260603
libtpu: 0.0.44.dev20260713+nightly
codegen_flags: <defaults>
</compile_context>

<pallas_src>
import functools

import jax
import jax.numpy as jnp
from jax import lax
from jax.experimental import pallas as pl
from jax.experimental.pallas import tpu as pltpu
from jax.experimental.pallas import tpu_sc as plsc

N = 10000
E = 160000
D = 128
H = 128
C = 40
NEG_SLOPE = 0.01
EPS = 1e-5

NS = 16
CHUNK = 128
N_ACC = 10112
ROWS_PT = N_ACC // NS
E_PAD = 163840
EC_PT = E_PAD // NS // CHUNK
IDX_ROWS = E_PAD // CHUNK
DEG_ROWS_PT = 2 * E_PAD // NS // CHUNK
DEG_ACC = 20480
DEG_PT = DEG_ACC // NS

_PREC = jax.lax.Precision.HIGHEST
_mesh = plsc.VectorSubcoreMesh(core_axis_name="c", subcore_axis_name="s")


def _mm(a, b):
    return jnp.dot(a, b, precision=_PREC, preferred_element_type=jnp.float32)


def _bn(h, g, b):
    mu = jnp.mean(h, axis=0, keepdims=True)
    var = jnp.mean((h - mu) ** 2, axis=0, keepdims=True)
    return g * (h - mu) * lax.rsqrt(var + EPS) + b



@functools.partial(
    pl.kernel,
    out_type=jax.ShapeDtypeStruct((2, DEG_ACC), jnp.float32),
    mesh=_mesh,
    scratch_types=[
        pltpu.VMEM((DEG_ROWS_PT, CHUNK), jnp.int32),
        pltpu.VMEM((CHUNK,), jnp.float32),
        pltpu.VMEM_SHARED((DEG_ACC,), jnp.float32),
    ],
)
def _sc_degrees(idx_hbm, zeros_hbm, ones_hbm, out_hbm, idx_v, ones_v, acc_sh):
    c = lax.axis_index("c")
    s = lax.axis_index("s")
    pltpu.sync_copy(idx_hbm.at[pl.ds(c * 2 * IDX_ROWS + s * DEG_ROWS_PT, DEG_ROWS_PT)], idx_v)
    pltpu.sync_copy(ones_hbm, ones_v)
    pltpu.sync_copy(zeros_hbm, acc_sh.at[pl.ds(s * DEG_PT, DEG_PT)])
    plsc.subcore_barrier()

    @pl.loop(0, DEG_ROWS_PT)
    def _(j):
        pltpu.sync_copy(ones_v, acc_sh.at[idx_v.at[j]], add=True)

    plsc.subcore_barrier()
    pltpu.sync_copy(acc_sh.at[pl.ds(s * DEG_PT, DEG_PT)],
                    out_hbm.at[c].at[pl.ds(s * DEG_PT, DEG_PT)])


@functools.partial(
    pl.kernel,
    out_type=jax.ShapeDtypeStruct((2 * N_ACC, H), jnp.float32),
    mesh=_mesh,
    scratch_types=[
        pltpu.VMEM((EC_PT, CHUNK), jnp.int32),
        pltpu.VMEM((8, CHUNK), jnp.int32),
        pltpu.VMEM((CHUNK, H), jnp.float32),
        pltpu.VMEM((CHUNK, H), jnp.float32),
        pltpu.VMEM_SHARED((N_ACC, H), jnp.float32),
        pltpu.SemaphoreType.DMA,
        pltpu.SemaphoreType.DMA,
        pltpu.SemaphoreType.DMA,
        pltpu.SemaphoreType.DMA,
    ],
)
def _sc_scatter(y_hbm, src_hbm, dst_hbm, zeros_hbm, out_hbm,
                src_v, dst_v, rows0_v, rows1_v, acc_sh,
                semg0, semg1, sems0, sems1):
    c = lax.axis_index("c")
    s = lax.axis_index("s")
    row0 = c * IDX_ROWS + s * EC_PT
    pltpu.sync_copy(src_hbm.at[pl.ds(row0, EC_PT)], src_v)
    pltpu.sync_copy(zeros_hbm.at[pl.ds(0, ROWS_PT)],
                    acc_sh.at[pl.ds(s * ROWS_PT, ROWS_PT)])
    plsc.subcore_barrier()

    HB = CHUNK // 2

    def _gather(t, buf, sem):
        pltpu.async_copy(y_hbm.at[src_v.at[t].at[pl.ds(0, HB)]], buf.at[pl.ds(0, HB)], sem)
        pltpu.async_copy(y_hbm.at[src_v.at[t].at[pl.ds(HB, HB)]], buf.at[pl.ds(HB, HB)], sem)

    def _gwait(t, buf, sem):
        pltpu.make_async_copy(y_hbm.at[src_v.at[t].at[pl.ds(0, HB)]], buf.at[pl.ds(0, HB)], sem).wait()
        pltpu.make_async_copy(y_hbm.at[src_v.at[t].at[pl.ds(HB, HB)]], buf.at[pl.ds(HB, HB)], sem).wait()

    _gather(0, rows0_v, semg0)

    @pl.loop(0, EC_PT, step=8)
    def _(j):
        pltpu.sync_copy(dst_hbm.at[pl.ds(row0 + j, 8)], dst_v)
        for k in range(0, 8, 2):
            _gwait(j + k, rows0_v, semg0)
            _gather(j + k + 1, rows1_v, semg1)
            _gwait(j + k + 1, rows1_v, semg1)

            @pl.when(j + k + 2 < EC_PT)
            def _():
                _gather(j + k + 2, rows0_v, semg0)
    plsc.subcore_barrier()
    pltpu.sync_copy(acc_sh.at[pl.ds(s * ROWS_PT, ROWS_PT)],
                    out_hbm.at[pl.ds(c * N_ACC + s * ROWS_PT, ROWS_PT)])



def _conv_inputs(h, deg_ref, wsk_ref, bsk_ref, we0_ref, we1_ref, y_ref, hres_ref):
    deg = deg_ref[...]
    hres_ref[...] = _mm(h, wsk_ref[...]) + bsk_ref[...]
    c0 = lax.rsqrt(jnp.clip(deg[0, 0:N], 1.0, None)).reshape(N, 1)
    c1 = lax.rsqrt(jnp.clip(deg[1, 0:N], 1.0, None)).reshape(N, 1)
    y_ref[0:N, :] = _mm(h * c0, we0_ref[...])
    y_ref[N:N_ACC, :] = jnp.zeros((N_ACC - N, H), jnp.float32)
    y_ref[N_ACC:N_ACC + N, :] = _mm(h * c1, we1_ref[...])
    y_ref[N_ACC + N:, :] = jnp.zeros((N_ACC - N, H), jnp.float32)


def _combine(s_ref, deg_ref, hres_ref, b0_ref, b1_ref, g_ref, be_ref):
    deg = deg_ref[...]
    i0 = lax.rsqrt(jnp.clip(deg[0, N_ACC:N_ACC + N], 1.0, None)).reshape(N, 1)
    i1 = lax.rsqrt(jnp.clip(deg[1, N_ACC:N_ACC + N], 1.0, None)).reshape(N, 1)
    rel0 = s_ref[0:N, :] * i0 + b0_ref[...]
    rel1 = s_ref[N_ACC:N_ACC + N, :] * i1 + b1_ref[...]
    t = 0.5 * (rel0 + rel1) + hres_ref[...]
    t = _bn(t, g_ref[...], be_ref[...])
    return jnp.where(t >= 0.0, t, NEG_SLOPE * t)


def _tc_pre(x_ref, w_ref, b_ref, g_ref, be_ref, o_ref):
    h = _mm(x_ref[...], w_ref[...]) + b_ref[...]
    o_ref[...] = jnp.maximum(_bn(h, g_ref[...], be_ref[...]), 0.0)


def _tc_a(h_ref, deg_ref, wsk_ref, bsk_ref, we0_ref, we1_ref, y_ref, hres_ref):
    _conv_inputs(h_ref[...], deg_ref, wsk_ref, bsk_ref, we0_ref, we1_ref,
                 y_ref, hres_ref)


def _tc_b(s_ref, deg_ref, hresp_ref, b0_ref, b1_ref, g_ref, be_ref, o_ref):
    o_ref[...] = _combine(s_ref, deg_ref, hresp_ref, b0_ref, b1_ref, g_ref, be_ref)


def _tc_head(h_ref, w1_ref, bc1_ref, gc_ref, bec_ref, w2_ref, bc2_ref, o_ref):
    t = _mm(h_ref[...], w1_ref[...]) + bc1_ref[...]
    t = jnp.maximum(_bn(t, gc_ref[...], bec_ref[...]), 0.0)
    o_ref[...] = _mm(t, w2_ref[...]) + bc2_ref[...]


def _call(body, out_shapes):
    return pl.pallas_call(body, out_shape=out_shapes)



def kernel(x, edge_index_e0, edge_index_e1, params):
    p = params
    f32 = jnp.float32
    pad = N + (jnp.arange(E_PAD - E, dtype=jnp.int32) % (N_ACC - N))
    s0p = jnp.concatenate([edge_index_e0[0], pad])
    d0p = jnp.concatenate([edge_index_e0[1], pad])
    s1p = jnp.concatenate([edge_index_e1[0], pad])
    d1p = jnp.concatenate([edge_index_e1[1], pad])

    deg_idx = jnp.stack([
        jnp.concatenate([s0p, d0p + N_ACC]),
        jnp.concatenate([s1p, d1p + N_ACC]),
    ]).reshape(4 * IDX_ROWS, CHUNK)
    src_all = jnp.concatenate([s0p, s1p + N_ACC]).reshape(2 * IDX_ROWS, CHUNK)
    dst_all = jnp.concatenate([d0p, d1p]).reshape(2 * IDX_ROWS, CHUNK)

    zeros1d = jnp.zeros((DEG_PT,), f32)
    ones1d = jnp.ones((CHUNK,), f32)
    zeros2d = jnp.zeros((ROWS_PT, H), f32)

    deg = _sc_degrees(deg_idx, zeros1d, ones1d)

    def r2(v):
        return v.reshape(1, -1)

    y_shapes = [
        jax.ShapeDtypeStruct((2 * N_ACC, H), f32),
        jax.ShapeDtypeStruct((N, H), f32),
    ]
    h = _call(_tc_pre, jax.ShapeDtypeStruct((N, H), f32))(
        x, p['W_fr'], r2(p['b_fr']), r2(p['g_fr']), r2(p['be_fr']))
    for lp in p['layers']:
        y, hres = _call(_tc_a, y_shapes)(
            h, deg, lp['W_skip'], r2(lp['b_skip']), lp['W_e0'], lp['W_e1'])
        s_out = _sc_scatter(y, src_all, dst_all, zeros2d)
        h = _call(_tc_b, jax.ShapeDtypeStruct((N, H), f32))(
            s_out, deg, hres, r2(lp['b_e0']), r2(lp['b_e1']),
            r2(lp['g']), r2(lp['be']))
    out = _call(_tc_head, jax.ShapeDtypeStruct((N, C), f32))(
        h, p['W_c1'], r2(p['b_c1']), r2(p['g_c']), r2(p['be_c']),
        p['W_c2'], r2(p['b_c2']))
    return out

# --- scband reference (transcript-rebuilt; emitter-appended) ---
"""Pipeline reference for scband-het-graph-model-8160437862810 (READ-ONLY COPY).

The authoritative reference and input builder live on the scoring server;
editing this copy changes nothing except your own understanding.
"""

import jax, jax.numpy as jnp
import numpy as np

N = 10000
E = 160000
D = 128
H = 128
C = 40
L = 2
NEG_SLOPE = 0.01
EPS = 1e-5


def _lin(k, i, o):
    return (jax.random.normal(k, (i, o), jnp.float32) * (1.0 / np.sqrt(i))).astype(jnp.float32)


def batch_norm(h, g, b):
    mu = h.mean(axis=0)
    var = h.var(axis=0)
    return g * (h - mu) / jnp.sqrt(var + EPS) + b


def graph_conv(x, src, dst, W, b, n):
    # DGL GraphConv with norm='both', allow_zero_in_degree=True
    ones = jnp.ones((src.shape[0],), x.dtype)
    out_deg = jnp.clip(jax.ops.segment_sum(ones, src, num_segments=n), 1.0)
    in_deg = jnp.clip(jax.ops.segment_sum(ones, dst, num_segments=n), 1.0)
    h = x * (out_deg ** -0.5)[:, None]
    agg = jax.ops.segment_sum(h[src], dst, num_segments=n)
    agg = agg * (in_deg ** -0.5)[:, None]
    return agg @ W + b


def setup_inputs(seed: int = 0) -> dict:
    key = jax.random.key(seed)
    ks = jax.random.split(key, 40)
    x = jax.random.normal(ks[0], (N, D), jnp.float32)
    edge_index_e0 = jax.random.randint(ks[1], (2, E), 0, N, dtype=jnp.int32)
    edge_index_e1 = jax.random.randint(ks[2], (2, E), 0, N, dtype=jnp.int32)
    layers = []
    ki = 5
    for l in range(L):
        layers.append({
            'W_skip': _lin(ks[ki], H, H), 'b_skip': jnp.zeros((H,), jnp.float32),
            'W_e0': _lin(ks[ki + 1], H, H), 'b_e0': jnp.zeros((H,), jnp.float32),
            'W_e1': _lin(ks[ki + 2], H, H), 'b_e1': jnp.zeros((H,), jnp.float32),
            'g': jnp.ones((H,), jnp.float32), 'be': jnp.zeros((H,), jnp.float32),
        })
        ki += 3
    params = {
        'W_fr': _lin(ks[3], D, H), 'b_fr': jnp.zeros((H,), jnp.float32),
        'g_fr': jnp.ones((H,), jnp.float32), 'be_fr': jnp.zeros((H,), jnp.float32),
        'layers': layers,
        'W_c1': _lin(ks[ki], H, H), 'b_c1': jnp.zeros((H,), jnp.float32),
        'g_c': jnp.ones((H,), jnp.float32), 'be_c': jnp.zeros((H,), jnp.float32),
        'W_c2': _lin(ks[ki + 1], H, C), 'b_c2': jnp.zeros((C,), jnp.float32),
    }
    return {'x': x, 'edge_index_e0': edge_index_e0, 'edge_index_e1': edge_index_e1, 'params': params}


def reference(x, edge_index_e0, edge_index_e1, params):
    # feat_reduce: Linear -> BatchNorm1d -> ReLU
    h = jax.nn.relu(batch_norm(x @ params['W_fr'] + params['b_fr'], params['g_fr'], params['be_fr']))
    eis = [edge_index_e0, edge_index_e1]
    for lp in params['layers']:
        h_res = h @ lp['W_skip'] + lp['b_skip']
        rel0 = graph_conv(h, eis[0][0], eis[0][1], lp['W_e0'], lp['b_e0'], N)
        rel1 = graph_conv(h, eis[1][0], eis[1][1], lp['W_e1'], lp['b_e1'], N)
        rel_embs = jnp.stack([rel0, rel1], axis=0)
        h = rel_embs.mean(axis=0)  # het_combine='mean' over edge types
        h = h + h_res
        h = batch_norm(h, lp['g'], lp['be'])
        h = jax.nn.leaky_relu(h, NEG_SLOPE)
        # dropout p=0.0 -> identity
    # classification head: Linear -> BN -> ReLU -> (dropout p=0) -> Linear
    h = jax.nn.relu(batch_norm(h @ params['W_c1'] + params['b_c1'], params['g_c'], params['be_c']))
    h = h @ params['W_c2'] + params['b_c2']
    return h

if __name__ == "__main__":
    import jax
    _d = setup_inputs()
    print(jax.jit(kernel)(*tuple(_d.values())))

</pallas_src>

<mosaic_0001>
#map = affine_map<(d0, d1) -> (0, 0)>
module attributes {stable_mosaic.version = 14 : i64} {
  func.func @_sc_scatter(%arg0: i32, %arg1: i32, %arg2: memref<20224x128xf32, #tpu.memory_space<hbm>>, %arg3: memref<2560x128xi32, #tpu.memory_space<hbm>>, %arg4: memref<2560x128xi32, #tpu.memory_space<hbm>>, %arg5: memref<632x128xf32, #tpu.memory_space<hbm>>, %arg6: memref<20224x128xf32, #tpu.memory_space<hbm>>, %arg7: memref<80x128xi32, #tpu.memory_space<vmem>>, %arg8: memref<8x128xi32, #tpu.memory_space<vmem>>, %arg9: memref<128x128xf32, #tpu.memory_space<vmem>>, %arg10: memref<128x128xf32, #tpu.memory_space<vmem>>, %arg11: memref<10112x128xf32, #tpu.memory_space<vmem_shared>>, %arg12: memref<!tpu.dma_semaphore, #tpu.memory_space<semaphore_mem>>, %arg13: memref<!tpu.dma_semaphore, #tpu.memory_space<semaphore_mem>>, %arg14: memref<!tpu.dma_semaphore, #tpu.memory_space<semaphore_mem>>, %arg15: memref<!tpu.dma_semaphore, #tpu.memory_space<semaphore_mem>>) attributes {dimension_semantics = [#tpu.dimension_semantics<core_parallel>, #tpu.dimension_semantics<subcore_parallel>], iteration_bounds = array<i64: 2, 16>, scalar_prefetch = 0 : i64, scratch_operands = 9 : i64, tpu.core_type = #tpu.core_type<sc_vector_subcore>, window_params = [{transform_indices = #map}, {transform_indices = #map}, {transform_indices = #map}, {transform_indices = #map}, {transform_indices = #map}]} {
    %mul3A = arith.constant 1280 : i32
    %mul3A_0 = arith.muli %arg0, %mul3A : i32
    %mul3A_1 = arith.constant 80 : i32
    %mul3A_2 = arith.muli %arg1, %mul3A_1 : i32
    %add3A = arith.addi %mul3A_0, %mul3A_2 : i32
    "tpu.region"() ({
      %run_scoped3A = tpu.sem_alloc : memref<!tpu.dma_semaphore, #tpu.memory_space<semaphore_mem>>
      %dma_start3A_40 = arith.constant 0 : i32
      %dma_start3A_41 = tpu.memref_slice %arg3[%add3A, %dma_start3A_40] : memref<2560x128xi32, #tpu.memory_space<hbm>> -> memref<80x128xi32, #tpu.memory_space<hbm>>
      %dma_start3A_42 = arith.constant 0 : i32
      %dma_start3A_43 = tpu.memref_slice %arg3[%add3A, %dma_start3A_42] : memref<2560x128xi32, #tpu.memory_space<hbm>> -> memref<80x128xi32, #tpu.memory_space<hbm>>
      tpu.enqueue_dma source(%dma_start3A_43 : memref<80x128xi32, #tpu.memory_space<hbm>>) target(%arg7 : memref<80x128xi32, #tpu.memory_space<vmem>>) target_semaphore(%run_scoped3A : memref<!tpu.dma_semaphore, #tpu.memory_space<semaphore_mem>>)
      %dma_wait3A = arith.constant 0 : i32
      %dma_wait3A_44 = tpu.memref_slice %arg3[%add3A, %dma_wait3A] : memref<2560x128xi32, #tpu.memory_space<hbm>> -> memref<80x128xi32, #tpu.memory_space<hbm>>
      %dma_wait3A_45 = arith.constant 0 : i32
      %dma_wait3A_46 = tpu.memref_slice %arg3[%add3A, %dma_wait3A_45] : memref<2560x128xi32, #tpu.memory_space<hbm>> -> memref<80x128xi32, #tpu.memory_space<hbm>>
      tpu.wait_dma2 semaphore(%run_scoped3A : memref<!tpu.dma_semaphore, #tpu.memory_space<semaphore_mem>>) src(%dma_wait3A_46 : memref<80x128xi32, #tpu.memory_space<hbm>>) dst(%arg7 : memref<80x128xi32, #tpu.memory_space<vmem>>)
      tpu.yield
    }) : () -> ()
    %mul3A_3 = arith.constant 632 : i32
    %mul3A_4 = arith.muli %arg1, %mul3A_3 : i32
    "tpu.region"() ({
      %run_scoped3A = tpu.sem_alloc : memref<!tpu.dma_semaphore, #tpu.memory_space<semaphore_mem>>
      %dma_start3A_40 = arith.constant 0 : i32
      %dma_start3A_41 = tpu.memref_slice %arg11[%mul3A_4, %dma_start3A_40] : memref<10112x128xf32, #tpu.memory_space<vmem_shared>> -> memref<632x128xf32, #tpu.memory_space<vmem_shared>>
      %dma_start3A_42 = arith.constant 0 : i32
      %dma_start3A_43 = arith.constant 0 : i32
      %dma_start3A_44 = tpu.memref_slice %arg5[%dma_start3A_42, %dma_start3A_43] : memref<632x128xf32, #tpu.memory_space<hbm>> -> memref<632x128xf32, #tpu.memory_space<hbm>>
      tpu.enqueue_dma source(%dma_start3A_44 : memref<632x128xf32, #tpu.memory_space<hbm>>) target(%dma_start3A_41 : memref<632x128xf32, #tpu.memory_space<vmem_shared>>) target_semaphore(%run_scoped3A : memref<!tpu.dma_semaphore, #tpu.memory_space<semaphore_mem>>)
      %dma_wait3A = arith.constant 0 : i32
      %dma_wait3A_45 = tpu.memref_slice %arg11[%mul3A_4, %dma_wait3A] : memref<10112x128xf32, #tpu.memory_space<vmem_shared>> -> memref<632x128xf32, #tpu.memory_space<vmem_shared>>
      %dma_wait3A_46 = arith.constant 0 : i32
      %dma_wait3A_47 = arith.constant 0 : i32
      %dma_wait3A_48 = tpu.memref_slice %arg5[%dma_wait3A_46, %dma_wait3A_47] : memref<632x128xf32, #tpu.memory_space<hbm>> -> memref<632x128xf32, #tpu.memory_space<hbm>>
      tpu.wait_dma2 semaphore(%run_scoped3A : memref<!tpu.dma_semaphore, #tpu.memory_space<semaphore_mem>>) src(%dma_wait3A_48 : memref<632x128xf32, #tpu.memory_space<hbm>>) dst(%dma_wait3A_45 : memref<632x128xf32, #tpu.memory_space<vmem_shared>>)
      tpu.yield
    }) : () -> ()
    %barrier3A = arith.constant 0 : index
    tpu.barrier barrier_id(%barrier3A)
    %dma_start3A = arith.constant 0 : i32
    %dma_start3A_5 = arith.constant 0 : i32
    %dma_start3A_6 = arith.constant 0 : i32
    %dma_start3A_7 = tpu.memref_slice %arg9[%dma_start3A_5, %dma_start3A_6] : memref<128x128xf32, #tpu.memory_space<vmem>> -> memref<64x128xf32, #tpu.memory_space<vmem>>
    %dma_start3A_8 = arith.constant 0 : i32
    %dma_start3A_9 = tpu.memref_slice %arg7[%dma_start3A, %dma_start3A_8] : memref<80x128xi32, #tpu.memory_space<vmem>> -> memref<1x128xi32, #tpu.memory_space<vmem>>
    %dma_start3A_10 = tpu.memref_squeeze %dma_start3A_9 : memref<1x128xi32, #tpu.memory_space<vmem>> -> memref<128xi32, #tpu.memory_space<vmem>>
    %dma_start3A_11 = arith.constant 0 : i32
    %dma_start3A_12 = tpu.memref_slice %dma_start3A_10[%dma_start3A_11] : memref<128xi32, #tpu.memory_space<vmem>> -> memref<64xi32, #tpu.memory_space<vmem>>
    %dma_start3A_13 = arith.constant 0 : i32
    %dma_start3A_14 = arith.constant 0 : i32
    %dma_start3A_15 = tpu.memref_slice %arg2[%dma_start3A_13, %dma_start3A_14] : memref<20224x128xf32, #tpu.memory_space<hbm>> -> memref<20224x128xf32, #tpu.memory_space<hbm>>
    tpu.enqueue_indirect_dma source(%dma_start3A_15 : memref<20224x128xf32, #tpu.memory_space<hbm>>) target(%dma_start3A_7 : memref<64x128xf32, #tpu.memory_space<vmem>>) offsets(%dma_start3A_12 : memref<64xi32, #tpu.memory_space<vmem>>) semaphore(%arg12 : memref<!tpu.dma_semaphore, #tpu.memory_space<semaphore_mem>>)
    %dma_start3A_16 = arith.constant 0 : i32
    %dma_start3A_17 = arith.constant 64 : i32
    %dma_start3A_18 = arith.constant 0 : i32
    %dma_start3A_19 = tpu.memref_slice %arg9[%dma_start3A_17, %dma_start3A_18] : memref<128x128xf32, #tpu.memory_space<vmem>> -> memref<64x128xf32, #tpu.memory_space<vmem>>
    %dma_start3A_20 = arith.constant 0 : i32
    %dma_start3A_21 = tpu.memref_slice %arg7[%dma_start3A_16, %dma_start3A_20] : memref<80x128xi32, #tpu.memory_space<vmem>> -> memref<1x128xi32, #tpu.memory_space<vmem>>
    %dma_start3A_22 = tpu.memref_squeeze %dma_start3A_21 : memref<1x128xi32, #tpu.memory_space<vmem>> -> memref<128xi32, #tpu.memory_space<vmem>>
    %dma_start3A_23 = arith.constant 64 : i32
    %dma_start3A_24 = tpu.memref_slice %dma_start3A_22[%dma_start3A_23] : memref<128xi32, #tpu.memory_space<vmem>> -> memref<64xi32, #tpu.memory_space<vmem>>
    %dma_start3A_25 = arith.constant 0 : i32
    %dma_start3A_26 = arith.constant 0 : i32
    %dma_start3A_27 = tpu.memref_slice %arg2[%dma_start3A_25, %dma_start3A_26] : memref<20224x128xf32, #tpu.memory_space<hbm>> -> memref<20224x128xf32, #tpu.memory_space<hbm>>
    tpu.enqueue_indirect_dma source(%dma_start3A_27 : memref<20224x128xf32, #tpu.memory_space<hbm>>) target(%dma_start3A_19 : memref<64x128xf32, #tpu.memory_space<vmem>>) offsets(%dma_start3A_24 : memref<64xi32, #tpu.memory_space<vmem>>) semaphore(%arg12 : memref<!tpu.dma_semaphore, #tpu.memory_space<semaphore_mem>>)
    %scan3A = arith.constant 0 : i32
    %scan3A_28 = arith.constant 10 : i32
    %scan3A_29 = arith.addi %scan3A, %scan3A_28 : i32
    %scan3A_30 = arith.constant 1 : i32
    scf.for %scan3A_40 = %scan3A to %scan3A_29 step %scan3A_30  : i32 {
      %mul3A_41 = arith.constant 8 : i32
      %mul3A_42 = arith.muli %scan3A_40, %mul3A_41 : i32
      %add3A_43 = arith.constant 0 : i32
      %add3A_44 = arith.addi %add3A_43, %mul3A_42 : i32
      %add3A_45 = arith.addi %add3A, %add3A_44 : i32
      "tpu.region"() ({
        %run_scoped3A = tpu.sem_alloc : memref<!tpu.dma_semaphore, #tpu.memory_space<semaphore_mem>>
        %dma_start3A_382 = arith.constant 0 : i32
        %dma_start3A_383 = tpu.memref_slice %arg4[%add3A_45, %dma_start3A_382] : memref<2560x128xi32, #tpu.memory_space<hbm>> -> memref<8x128xi32, #tpu.memory_space<hbm>>
        %dma_start3A_384 = arith.constant 0 : i32
        %dma_start3A_385 = tpu.memref_slice %arg4[%add3A_45, %dma_start3A_384] : memref<2560x128xi32, #tpu.memory_space<hbm>> -> memref<8x128xi32, #tpu.memory_space<hbm>>
        tpu.enqueue_dma source(%dma_start3A_385 : memref<8x128xi32, #tpu.memory_space<hbm>>) target(%arg8 : memref<8x128xi32, #tpu.memory_space<vmem>>) target_semaphore(%run_scoped3A : memref<!tpu.dma_semaphore, #tpu.memory_space<semaphore_mem>>)
        %dma_wait3A_386 = arith.constant 0 : i32
        %dma_wait3A_387 = tpu.memref_slice %arg4[%add3A_45, %dma_wait3A_386] : memref<2560x128xi32, #tpu.memory_space<hbm>> -> memref<8x128xi32, #tpu.memory_space<hbm>>
        %dma_wait3A_388 = arith.constant 0 : i32
        %dma_wait3A_389 = tpu.memref_slice %arg4[%add3A_45, %dma_wait3A_388] : memref<2560x128xi32, #tpu.memory_space<hbm>> -> memref<8x128xi32, #tpu.memory_space<hbm>>
        tpu.wait_dma2 semaphore(%run_scoped3A : memref<!tpu.dma_semaphore, #tpu.memory_space<semaphore_mem>>) src(%dma_wait3A_389 : memref<8x128xi32, #tpu.memory_space<hbm>>) dst(%arg8 : memref<8x128xi32, #tpu.memory_space<vmem>>)
        tpu.yield
      }) : () -> ()
      %add3A_46 = arith.constant 0 : i32
      %add3A_47 = arith.addi %add3A_44, %add3A_46 : i32
      %dma_wait3A = arith.constant 0 : i32
      %dma_wait3A_48 = arith.constant 0 : i32
      %dma_wait3A_49 = tpu.memref_slice %arg9[%dma_wait3A, %dma_wait3A_48] : memref<128x128xf32, #tpu.memory_space<vmem>> -> memref<64x128xf32, #tpu.memory_space<vmem>>
      %dma_wait3A_50 = arith.constant 0 : i32
      %dma_wait3A_51 = tpu.memref_slice %arg7[%add3A_47, %dma_wait3A_50] : memref<80x128xi32, #tpu.memory_space<vmem>> -> memref<1x128xi32, #tpu.memory_space<vmem>>
      %dma_wait3A_52 = tpu.memref_squeeze %dma_wait3A_51 : memref<1x128xi32, #tpu.memory_space<vmem>> -> memref<128xi32, #tpu.memory_space<vmem>>
      %dma_wait3A_53 = arith.constant 0 : i32
      %dma_wait3A_54 = tpu.memref_slice %dma_wait3A_52[%dma_wait3A_53] : memref<128xi32, #tpu.memory_space<vmem>> -> memref<64xi32, #tpu.memory_space<vmem>>
      %dma_wait3A_55 = arith.constant 0 : i32
      %dma_wait3A_56 = arith.constant 0 : i32
      %dma_wait3A_57 = tpu.memref_slice %arg2[%dma_wait3A_55, %dma_wait3A_56] : memref<20224x128xf32, #tpu.memory_space<hbm>> -> memref<20224x128xf32, #tpu.memory_space<hbm>>
      tpu.wait_indirect_dma semaphore(%arg12 : memref<!tpu.dma_semaphore, #tpu.memory_space<semaphore_mem>>) src(%dma_wait3A_57 : memref<20224x128xf32, #tpu.memory_space<hbm>>) dst(%dma_wait3A_49 : memref<64x128xf32, #tpu.memory_space<vmem>>)
      %dma_wait3A_58 = arith.constant 64 : i32
      %dma_wait3A_59 = arith.constant 0 : i32
      %dma_wait3A_60 = tpu.memref_slice %arg9[%dma_wait3A_58, %dma_wait3A_59] : memref<128x128xf32, #tpu.memory_space<vmem>> -> memref<64x128xf32, #tpu.memory_space<vmem>>
      %dma_wait3A_61 = arith.constant 0 : i32
      %dma_wait3A_62 = tpu.memref_slice %arg7[%add3A_47, %dma_wait3A_61] : memref<80x128xi32, #tpu.memory_space<vmem>> -> memref<1x128xi32, #tpu.memory_space<vmem>>
      %dma_wait3A_63 = tpu.memref_squeeze %dma_wait3A_62 : memref<1x128xi32, #tpu.memory_space<vmem>> -> memref<128xi32, #tpu.memory_space<vmem>>
      %dma_wait3A_64 = arith.constant 64 : i32
      %dma_wait3A_65 = tpu.memref_slice %dma_wait3A_63[%dma_wait3A_64] : memref<128xi32, #tpu.memory_space<vmem>> -> memref<64xi32, #tpu.memory_space<vmem>>
      %dma_wait3A_66 = arith.constant 0 : i32
      %dma_wait3A_67 = arith.constant 0 : i32
      %dma_wait3A_68 = tpu.memref_slice %arg2[%dma_wait3A_66, %dma_wait3A_67] : memref<20224x128xf32, #tpu.memory_space<hbm>> -> memref<20224x128xf32, #tpu.memory_space<hbm>>
      tpu.wait_indirect_dma semaphore(%arg12 : memref<!tpu.dma_semaphore, #tpu.memory_space<semaphore_mem>>) src(%dma_wait3A_68 : memref<20224x128xf32, #tpu.memory_space<hbm>>) dst(%dma_wait3A_60 : memref<64x128xf32, #tpu.memory_space<vmem>>)
      %add3A_69 = arith.constant 0 : i32
      %add3A_70 = arith.addi %add3A_44, %add3A_69 : i32
      %add3A_71 = arith.constant 1 : i32
      %add3A_72 = arith.addi %add3A_70, %add3A_71 : i32
      %dma_start3A_73 = arith.constant 0 : i32
      %dma_start3A_74 = arith.constant 0 : i32
      %dma_start3A_75 = tpu.memref_slice %arg10[%dma_start3A_73, %dma_start3A_74] : memref<128x128xf32, #tpu.memory_space<vmem>> -> memref<64x128xf32, #tpu.memory_space<vmem>>
      %dma_start3A_76 = arith.constant 0 : i32
      %dma_start3A_77 = tpu.memref_slice %arg7[%add3A_72, %dma_start3A_76] : memref<80x128xi32, #tpu.memory_space<vmem>> -> memref<1x128xi32, #tpu.memory_space<vmem>>
      %dma_start3A_78 = tpu.memref_squeeze %dma_start3A_77 : memref<1x128xi32, #tpu.memory_space<vmem>> -> memref<128xi32, #tpu.memory_space<vmem>>
      %dma_start3A_79 = arith.constant 0 : i32
      %dma_start3A_80 = tpu.memref_slice %dma_start3A_78[%dma_start3A_79] : memref<128xi32, #tpu.memory_space<vmem>> -> memref<64xi32, #tpu.memory_space<vmem>>
      %dma_start3A_81 = arith.constant 0 : i32
      %dma_start3A_82 = arith.constant 0 : i32
      %dma_start3A_83 = tpu.memref_slice %arg2[%dma_start3A_81, %dma_start3A_82] : memref<20224x128xf32, #tpu.memory_space<hbm>> -> memref<20224x128xf32, #tpu.memory_space<hbm>>
      tpu.enqueue_indirect_dma source(%dma_start3A_83 : memref<20224x128xf32, #tpu.memory_space<hbm>>) target(%dma_start3A_75 : memref<64x128xf32, #tpu.memory_space<vmem>>) offsets(%dma_start3A_80 : memref<64xi32, #tpu.memory_space<vmem>>) semaphore(%arg13 : memref<!tpu.dma_semaphore, #tpu.memory_space<semaphore_mem>>)
      %dma_start3A_84 = arith.constant 64 : i32
      %dma_start3A_85 = arith.constant 0 : i32
      %dma_start3A_86 = tpu.memref_slice %arg10[%dma_start3A_84, %dma_start3A_85] : memref<128x128xf32, #tpu.memory_space<vmem>> -> memref<64x128xf32, #tpu.memory_space<vmem>>
      %dma_start3A_87 = arith.constant 0 : i32
      %dma_start3A_88 = tpu.memref_slice %arg7[%add3A_72, %dma_start3A_87] : memref<80x128xi32, #tpu.memory_space<vmem>> -> memref<1x128xi32, #tpu.memory_space<vmem>>
      %dma_start3A_89 = tpu.memref_squeeze %dma_start3A_88 : memref<1x128xi32, #tpu.memory_space<vmem>> -> memref<128xi32, #tpu.memory_space<vmem>>
      %dma_start3A_90 = arith.constant 64 : i32
      %dma_start3A_91 = tpu.memref_slice %dma_start3A_89[%dma_start3A_90] : memref<128xi32, #tpu.memory_space<vmem>> -> memref<64xi32, #tpu.memory_space<vmem>>
      %dma_start3A_92 = arith.constant 0 : i32
      %dma_start3A_93 = arith.constant 0 : i32
      %dma_start3A_94 = tpu.memref_slice %arg2[%dma_start3A_92, %dma_start3A_93] : memref<20224x128xf32, #tpu.memory_space<hbm>> -> memref<20224x128xf32, #tpu.memory_space<hbm>>
      tpu.enqueue_indirect_dma source(%dma_start3A_94 : memref<20224x128xf32, #tpu.memory_space<hbm>>) target(%dma_start3A_86 : memref<64x128xf32, #tpu.memory_space<vmem>>) offsets(%dma_start3A_91 : memref<64xi32, #tpu.memory_space<vmem>>) semaphore(%arg13 : memref<!tpu.dma_semaphore, #tpu.memory_space<semaphore_mem>>)
      %add3A_95 = arith.constant 0 : i32
      %add3A_96 = arith.addi %add3A_44, %add3A_95 : i32
      %add3A_97 = arith.constant 1 : i32
      %add3A_98 = arith.addi %add3A_96, %add3A_97 : i32
      %dma_wait3A_99 = arith.constant 0 : i32
      %dma_wait3A_100 = arith.constant 0 : i32
      %dma_wait3A_101 = tpu.memref_slice %arg10[%dma_wait3A_99, %dma_wait3A_100] : memref<128x128xf32, #tpu.memory_space<vmem>> -> memref<64x128xf32, #tpu.memory_space<vmem>>
      %dma_wait3A_102 = arith.constant 0 : i32
      %dma_wait3A_103 = tpu.memref_slice %arg7[%add3A_98, %dma_wait3A_102] : memref<80x128xi32, #tpu.memory_space<vmem>> -> memref<1x128xi32, #tpu.memory_space<vmem>>
      %dma_wait3A_104 = tpu.memref_squeeze %dma_wait3A_103 : memref<1x128xi32, #tpu.memory_space<vmem>> -> memref<128xi32, #tpu.memory_space<vmem>>
      %dma_wait3A_105 = arith.constant 0 : i32
      %dma_wait3A_106 = tpu.memref_slice %dma_wait3A_104[%dma_wait3A_105] : memref<128xi32, #tpu.memory_space<vmem>> -> memref<64xi32, #tpu.memory_space<vmem>>
      %dma_wait3A_107 = arith.constant 0 : i32
      %dma_wait3A_108 = arith.constant 0 : i32
      %dma_wait3A_109 = tpu.memref_slice %arg2[%dma_wait3A_107, %dma_wait3A_108] : memref<20224x128xf32, #tpu.memory_space<hbm>> -> memref<20224x128xf32, #tpu.memory_space<hbm>>
      tpu.wait_indirect_dma semaphore(%arg13 : memref<!tpu.dma_semaphore, #tpu.memory_space<semaphore_mem>>) src(%dma_wait3A_109 : memref<20224x128xf32, #tpu.memory_space<hbm>>) dst(%dma_wait3A_101 : memref<64x128xf32, #tpu.memory_space<vmem>>)
      %dma_wait3A_110 = arith.constant 64 : i32
      %dma_wait3A_111 = arith.constant 0 : i32
      %dma_wait3A_112 = tpu.memref_slice %arg10[%dma_wait3A_110, %dma_wait3A_111] : memref<128x128xf32, #tpu.memory_space<vmem>> -> memref<64x128xf32, #tpu.memory_space<vmem>>
      %dma_wait3A_113 = arith.constant 0 : i32
      %dma_wait3A_114 = tpu.memref_slice %arg7[%add3A_98, %dma_wait3A_113] : memref<80x128xi32, #tpu.memory_space<vmem>> -> memref<1x128xi32, #tpu.memory_space<vmem>>
      %dma_wait3A_115 = tpu.memref_squeeze %dma_wait3A_114 : memref<1x128xi32, #tpu.memory_space<vmem>> -> memref<128xi32, #tpu.memory_space<vmem>>
      %dma_wait3A_116 = arith.constant 64 : i32
      %dma_wait3A_117 = tpu.memref_slice %dma_wait3A_115[%dma_wait3A_116] : memref<128xi32, #tpu.memory_space<vmem>> -> memref<64xi32, #tpu.memory_space<vmem>>
      %dma_wait3A_118 = arith.constant 0 : i32
      %dma_wait3A_119 = arith.constant 0 : i32
      %dma_wait3A_120 = tpu.memref_slice %arg2[%dma_wait3A_118, %dma_wait3A_119] : memref<20224x128xf32, #tpu.memory_space<hbm>> -> memref<20224x128xf32, #tpu.memory_space<hbm>>
      tpu.wait_indirect_dma semaphore(%arg13 : memref<!tpu.dma_semaphore, #tpu.memory_space<semaphore_mem>>) src(%dma_wait3A_120 : memref<20224x128xf32, #tpu.memory_space<hbm>>) dst(%dma_wait3A_112 : memref<64x128xf32, #tpu.memory_space<vmem>>)
      %add3A_121 = arith.constant 0 : i32
      %add3A_122 = arith.addi %add3A_44, %add3A_121 : i32
      %add3A_123 = arith.constant 2 : i32
      %add3A_124 = arith.addi %add3A_122, %add3A_123 : i32
      %lt3A = arith.constant 80 : i32
      %lt3A_125 = arith.cmpi slt, %add3A_124, %lt3A : i32
      %convert_element_type3A = arith.extui %lt3A_125 : i1 to i32
      %cond3A = arith.constant 0 : i32
      %cond3A_126 = arith.cmpi ne, %convert_element_type3A, %cond3A : i32
      scf.if %cond3A_126 {
        %add3A_382 = arith.constant 0 : i32
        %add3A_383 = arith.addi %add3A_44, %add3A_382 : i32
        %add3A_384 = arith.constant 2 : i32
        %add3A_385 = arith.addi %add3A_383, %add3A_384 : i32
        %dma_start3A_386 = arith.constant 0 : i32
        %dma_start3A_387 = arith.constant 0 : i32
        %dma_start3A_388 = tpu.memref_slice %arg9[%dma_start3A_386, %dma_start3A_387] : memref<128x128xf32, #tpu.memory_space<vmem>> -> memref<64x128xf32, #tpu.memory_space<vmem>>
        %dma_start3A_389 = arith.constant 0 : i32
        %dma_start3A_390 = tpu.memref_slice %arg7[%add3A_385, %dma_start3A_389] : memref<80x128xi32, #tpu.memory_space<vmem>> -> memref<1x128xi32, #tpu.memory_space<vmem>>
        %dma_start3A_391 = tpu.memref_squeeze %dma_start3A_390 : memref<1x128xi32, #tpu.memory_space<vmem>> -> memref<128xi32, #tpu.memory_space<vmem>>
        %dma_start3A_392 = arith.constant 0 : i32
        %dma_start3A_393 = tpu.memref_slice %dma_start3A_391[%dma_start3A_392] : memref<128xi32, #tpu.memory_space<vmem>> -> memref<64xi32, #tpu.memory_space<vmem>>
        %dma_start3A_394 = arith.constant 0 : i32
        %dma_start3A_395 = arith.constant 0 : i32
        %dma_start3A_396 = tpu.memref_slice %arg2[%dma_start3A_394, %dma_start3A_395] : memref<20224x128xf32, #tpu.memory_space<hbm>> -> memref<20224x128xf32, #tpu.memory_space<hbm>>
        tpu.enqueue_indirect_dma source(%dma_start3A_396 : memref<20224x128xf32, #tpu.memory_space<hbm>>) target(%dma_start3A_388 : memref<64x128xf32, #tpu.memory_space<vmem>>) offsets(%dma_start3A_393 : memref<64xi32, #tpu.memory_space<vmem>>) semaphore(%arg12 : memref<!tpu.dma_semaphore, #tpu.memory_space<semaphore_mem>>)
        %dma_start3A_397 = arith.constant 64 : i32
        %dma_start3A_398 = arith.constant 0 : i32
        %dma_start3A_399 = tpu.memref_slice %arg9[%dma_start3A_397, %dma_start3A_398] : memref<128x128xf32, #tpu.memory_space<vmem>> -> memref<64x128xf32, #tpu.memory_space<vmem>>
        %dma_start3A_400 = arith.constant 0 : i32
        %dma_start3A_401 = tpu.memref_slice %arg7[%add3A_385, %dma_start3A_400] : memref<80x128xi32, #tpu.memory_space<vmem>> -> memref<1x128xi32, #tpu.memory_space<vmem>>
        %dma_start3A_402 = tpu.memref_squeeze %dma_start3A_401 : memref<1x128xi32, #tpu.memory_space<vmem>> -> memref<128xi32, #tpu.memory_space<vmem>>
        %dma_start3A_403 = arith.constant 64 : i32
        %dma_start3A_404 = tpu.memref_slice %dma_start3A_402[%dma_start3A_403] : memref<128xi32, #tpu.memory_space<vmem>> -> memref<64xi32, #tpu.memory_space<vmem>>
        %dma_start3A_405 = arith.constant 0 : i32
        %dma_start3A_406 = arith.constant 0 : i32
        %dma_start3A_407 = tpu.memref_slice %arg2[%dma_start3A_405, %dma_start3A_406] : memref<20224x128xf32, #tpu.memory_space<hbm>> -> memref<20224x128xf32, #tpu.memory_space<hbm>>
        tpu.enqueue_indirect_dma source(%dma_start3A_407 : memref<20224x128xf32, #tpu.memory_space<hbm>>) target(%dma_start3A_399 : memref<64x128xf32, #tpu.memory_space<vmem>>) offsets(%dma_start3A_404 : memref<64xi32, #tpu.memory_space<vmem>>) semaphore(%arg12 : memref<!tpu.dma_semaphore, #tpu.memory_space<semaphore_mem>>)
      } else {
      }
      %add3A_127 = arith.constant 2 : i32
      %add3A_128 = arith.addi %add3A_44, %add3A_127 : i32
      %dma_wait3A_129 = arith.constant 0 : i32
      %dma_wait3A_130 = arith.constant 0 : i32
      %dma_wait3A_131 = tpu.memref_slice %arg9[%dma_wait3A_129, %dma_wait3A_130] : memref<128x128xf32, #tpu.memory_space<vmem>> -> memref<64x128xf32, #tpu.memory_space<vmem>>
      %dma_wait3A_132 = arith.constant 0 : i32
      %dma_wait3A_133 = tpu.memref_slice %arg7[%add3A_128, %dma_wait3A_132] : memref<80x128xi32, #tpu.memory_space<vmem>> -> memref<1x128xi32, #tpu.memory_space<vmem>>
      %dma_wait3A_134 = tpu.memref_squeeze %dma_wait3A_133 : memref<1x128xi32, #tpu.memory_space<vmem>> -> memref<128xi32, #tpu.memory_space<vmem>>
      %dma_wait3A_135 = arith.constant 0 : i32
      %dma_wait3A_136 = tpu.memref_slice %dma_wait3A_134[%dma_wait3A_135] : memref<128xi32, #tpu.memory_space<vmem>> -> memref<64xi32, #tpu.memory_space<vmem>>
      %dma_wait3A_137 = arith.constant 0 : i32
      %dma_wait3A_138 = arith.constant 0 : i32
      %dma_wait3A_139 = tpu.memref_slice %arg2[%dma_wait3A_137, %dma_wait3A_138] : memref<20224x128xf32, #tpu.memory_space<hbm>> -> memref<20224x128xf32, #tpu.memory_space<hbm>>
      tpu.wait_indirect_dma semaphore(%arg12 : memref<!tpu.dma_semaphore, #tpu.memory_space<semaphore_mem>>) src(%dma_wait3A_139 : memref<20224x128xf32, #tpu.memory_space<hbm>>) dst(%dma_wait3A_131 : memref<64x128xf32, #tpu.memory_space<vmem>>)
      %dma_wait3A_140 = arith.constant 64 : i32
      %dma_wait3A_141 = arith.constant 0 : i32
      %dma_wait3A_142 = tpu.memref_slice %arg9[%dma_wait3A_140, %dma_wait3A_141] : memref<128x128xf32, #tpu.memory_space<vmem>> -> memref<64x128xf32, #tpu.memory_space<vmem>>
      %dma_wait3A_143 = arith.constant 0 : i32
      %dma_wait3A_144 = tpu.memref_slice %arg7[%add3A_128, %dma_wait3A_143] : memref<80x128xi32, #tpu.memory_space<vmem>> -> memref<1x128xi32, #tpu.memory_space<vmem>>
      %dma_wait3A_145 = tpu.memref_squeeze %dma_wait3A_144 : memref<1x128xi32, #tpu.memory_space<vmem>> -> memref<128xi32, #tpu.memory_space<vmem>>
      %dma_wait3A_146 = arith.constant 64 : i32
      %dma_wait3A_147 = tpu.memref_slice %dma_wait3A_145[%dma_wait3A_146] : memref<128xi32, #tpu.memory_space<vmem>> -> memref<64xi32, #tpu.memory_space<vmem>>
      %dma_wait3A_148 = arith.constant 0 : i32
      %dma_wait3A_149 = arith.constant 0 : i32
      %dma_wait3A_150 = tpu.memref_slice %arg2[%dma_wait3A_148, %dma_wait3A_149] : memref<20224x128xf32, #tpu.memory_space<hbm>> -> memref<20224x128xf32, #tpu.memory_space<hbm>>
      tpu.wait_indirect_dma semaphore(%arg12 : memref<!tpu.dma_semaphore, #tpu.memory_space<semaphore_mem>>) src(%dma_wait3A_150 : memref<20224x128xf32, #tpu.memory_space<hbm>>) dst(%dma_wait3A_142 : memref<64x128xf32, #tpu.memory_space<vmem>>)
      %add3A_151 = arith.constant 2 : i32
      %add3A_152 = arith.addi %add3A_44, %add3A_151 : i32
      %add3A_153 = arith.constant 1 : i32
      %add3A_154 = arith.addi %add3A_152, %add3A_153 : i32
      %dma_start3A_155 = arith.constant 0 : i32
      %dma_start3A_156 = arith.constant 0 : i32
      %dma_start3A_157 = tpu.memref_slice %arg10[%dma_start3A_155, %dma_start3A_156] : memref<128x128xf32, #tpu.memory_space<vmem>> -> memref<64x128xf32, #tpu.memory_space<vmem>>
      %dma_start3A_158 = arith.constant 0 : i32
      %dma_start3A_159 = tpu.memref_slice %arg7[%add3A_154, %dma_start3A_158] : memref<80x128xi32, #tpu.memory_space<vmem>> -> memref<1x128xi32, #tpu.memory_space<vmem>>
      %dma_start3A_160 = tpu.memref_squeeze %dma_start3A_159 : memref<1x128xi32, #tpu.memory_space<vmem>> -> memref<128xi32, #tpu.memory_space<vmem>>
      %dma_start3A_161 = arith.constant 0 : i32
      %dma_start3A_162 = tpu.memref_slice %dma_start3A_160[%dma_start3A_161] : memref<128xi32, #tpu.memory_space<vmem>> -> memref<64xi32, #tpu.memory_space<vmem>>
      %dma_start3A_163 = arith.constant 0 : i32
      %dma_start3A_164 = arith.constant 0 : i32
      %dma_start3A_165 = tpu.memref_slice %arg2[%dma_start3A_163, %dma_start3A_164] : memref<20224x128xf32, #tpu.memory_space<hbm>> -> memref<20224x128xf32, #tpu.memory_space<hbm>>
      tpu.enqueue_indirect_dma source(%dma_start3A_165 : memref<20224x128xf32, #tpu.memory_space<hbm>>) target(%dma_start3A_157 : memref<64x128xf32, #tpu.memory_space<vmem>>) offsets(%dma_start3A_162 : memref<64xi32, #tpu.memory_space<vmem>>) semaphore(%arg13 : memref<!tpu.dma_semaphore, #tpu.memory_space<semaphore_mem>>)
      %dma_start3A_166 = arith.constant 64 : i32
      %dma_start3A_167 = arith.constant 0 : i32
      %dma_start3A_168 = tpu.memref_slice %arg10[%dma_start3A_166, %dma_start3A_167] : memref<128x128xf32, #tpu.memory_space<vmem>> -> memref<64x128xf32, #tpu.memory_space<vmem>>
      %dma_start3A_169 = arith.constant 0 : i32
      %dma_start3A_170 = tpu.memref_slice %arg7[%add3A_154, %dma_start3A_169] : memref<80x128xi32, #tpu.memory_space<vmem>> -> memref<1x128xi32, #tpu.memory_space<vmem>>
      %dma_start3A_171 = tpu.memref_squeeze %dma_start3A_170 : memref<1x128xi32, #tpu.memory_space<vmem>> -> memref<128xi32, #tpu.memory_space<vmem>>
      %dma_start3A_172 = arith.constant 64 : i32
      %dma_start3A_173 = tpu.memref_slice %dma_start3A_171[%dma_start3A_172] : memref<128xi32, #tpu.memory_space<vmem>> -> memref<64xi32, #tpu.memory_space<vmem>>
      %dma_start3A_174 = arith.constant 0 : i32
      %dma_start3A_175 = arith.constant 0 : i32
      %dma_start3A_176 = tpu.memref_slice %arg2[%dma_start3A_174, %dma_start3A_175] : memref<20224x128xf32, #tpu.memory_space<hbm>> -> memref<20224x128xf32, #tpu.memory_space<hbm>>
      tpu.enqueue_indirect_dma source(%dma_start3A_176 : memref<20224x128xf32, #tpu.memory_space<hbm>>) target(%dma_start3A_168 : memref<64x128xf32, #tpu.memory_space<vmem>>) offsets(%dma_start3A_173 : memref<64xi32, #tpu.memory_space<vmem>>) semaphore(%arg13 : memref<!tpu.dma_semaphore, #tpu.memory_space<semaphore_mem>>)
      %add3A_177 = arith.constant 2 : i32
      %add3A_178 = arith.addi %add3A_44, %add3A_177 : i32
      %add3A_179 = arith.constant 1 : i32
      %add3A_180 = arith.addi %add3A_178, %add3A_179 : i32
      %dma_wait3A_181 = arith.constant 0 : i32
      %dma_wait3A_182 = arith.constant 0 : i32
      %dma_wait3A_183 = tpu.memref_slice %arg10[%dma_wait3A_181, %dma_wait3A_182] : memref<128x128xf32, #tpu.memory_space<vmem>> -> memref<64x128xf32, #tpu.memory_space<vmem>>
      %dma_wait3A_184 = arith.constant 0 : i32
      %dma_wait3A_185 = tpu.memref_slice %arg7[%add3A_180, %dma_wait3A_184] : memref<80x128xi32, #tpu.memory_space<vmem>> -> memref<1x128xi32, #tpu.memory_space<vmem>>
      %dma_wait3A_186 = tpu.memref_squeeze %dma_wait3A_185 : memref<1x128xi32, #tpu.memory_space<vmem>> -> memref<128xi32, #tpu.memory_space<vmem>>
      %dma_wait3A_187 = arith.constant 0 : i32
      %dma_wait3A_188 = tpu.memref_slice %dma_wait3A_186[%dma_wait3A_187] : memref<128xi32, #tpu.memory_space<vmem>> -> memref<64xi32, #tpu.memory_space<vmem>>
      %dma_wait3A_189 = arith.constant 0 : i32
      %dma_wait3A_190 = arith.constant 0 : i32
      %dma_wait3A_191 = tpu.memref_slice %arg2[%dma_wait3A_189, %dma_wait3A_190] : memref<20224x128xf32, #tpu.memory_space<hbm>> -> memref<20224x128xf32, #tpu.memory_space<hbm>>
      tpu.wait_indirect_dma semaphore(%arg13 : memref<!tpu.dma_semaphore, #tpu.memory_space<semaphore_mem>>) src(%dma_wait3A_191 : memref<20224x128xf32, #tpu.memory_space<hbm>>) dst(%dma_wait3A_183 : memref<64x128xf32, #tpu.memory_space<vmem>>)
      %dma_wait3A_192 = arith.constant 64 : i32
      %dma_wait3A_193 = arith.constant 0 : i32
      %dma_wait3A_194 = tpu.memref_slice %arg10[%dma_wait3A_192, %dma_wait3A_193] : memref<128x128xf32, #tpu.memory_space<vmem>> -> memref<64x128xf32, #tpu.memory_space<vmem>>
      %dma_wait3A_195 = arith.constant 0 : i32
      %dma_wait3A_196 = tpu.memref_slice %arg7[%add3A_180, %dma_wait3A_195] : memref<80x128xi32, #tpu.memory_space<vmem>> -> memref<1x128xi32, #tpu.memory_space<vmem>>
      %dma_wait3A_197 = tpu.memref_squeeze %dma_wait3A_196 : memref<1x128xi32, #tpu.memory_space<vmem>> -> memref<128xi32, #tpu.memory_space<vmem>>
      %dma_wait3A_198 = arith.constant 64 : i32
      %dma_wait3A_199 = tpu.memref_slice %dma_wait3A_197[%dma_wait3A_198] : memref<128xi32, #tpu.memory_space<vmem>> -> memref<64xi32, #tpu.memory_space<vmem>>
      %dma_wait3A_200 = arith.constant 0 : i32
      %dma_wait3A_201 = arith.constant 0 : i32
      %dma_wait3A_202 = tpu.memref_slice %arg2[%dma_wait3A_200, %dma_wait3A_201] : memref<20224x128xf32, #tpu.memory_space<hbm>> -> memref<20224x128xf32, #tpu.memory_space<hbm>>
      tpu.wait_indirect_dma semaphore(%arg13 : memref<!tpu.dma_semaphore, #tpu.memory_space<semaphore_mem>>) src(%dma_wait3A_202 : memref<20224x128xf32, #tpu.memory_space<hbm>>) dst(%dma_wait3A_194 : memref<64x128xf32, #tpu.memory_space<vmem>>)
      %add3A_203 = arith.constant 2 : i32
      %add3A_204 = arith.addi %add3A_44, %add3A_203 : i32
      %add3A_205 = arith.constant 2 : i32
      %add3A_206 = arith.addi %add3A_204, %add3A_205 : i32
      %lt3A_207 = arith.constant 80 : i32
      %lt3A_208 = arith.cmpi slt, %add3A_206, %lt3A_207 : i32
      %convert_element_type3A_209 = arith.extui %lt3A_208 : i1 to i32
      %cond3A_210 = arith.constant 0 : i32
      %cond3A_211 = arith.cmpi ne, %convert_element_type3A_209, %cond3A_210 : i32
      scf.if %cond3A_211 {
        %add3A_382 = arith.constant 2 : i32
        %add3A_383 = arith.addi %add3A_44, %add3A_382 : i32
        %add3A_384 = arith.constant 2 : i32
        %add3A_385 = arith.addi %add3A_383, %add3A_384 : i32
        %dma_start3A_386 = arith.constant 0 : i32
        %dma_start3A_387 = arith.constant 0 : i32
        %dma_start3A_388 = tpu.memref_slice %arg9[%dma_start3A_386, %dma_start3A_387] : memref<128x128xf32, #tpu.memory_space<vmem>> -> memref<64x128xf32, #tpu.memory_space<vmem>>
        %dma_start3A_389 = arith.constant 0 : i32
        %dma_start3A_390 = tpu.memref_slice %arg7[%add3A_385, %dma_start3A_389] : memref<80x128xi32, #tpu.memory_space<vmem>> -> memref<1x128xi32, #tpu.memory_space<vmem>>
        %dma_start3A_391 = tpu.memref_squeeze %dma_start3A_390 : memref<1x128xi32, #tpu.memory_space<vmem>> -> memref<128xi32, #tpu.memory_space<vmem>>
        %dma_start3A_392 = arith.constant 0 : i32
        %dma_start3A_393 = tpu.memref_slice %dma_start3A_391[%dma_start3A_392] : memref<128xi32, #tpu.memory_space<vmem>> -> memref<64xi32, #tpu.memory_space<vmem>>
        %dma_start3A_394 = arith.constant 0 : i32
        %dma_start3A_395 = arith.constant 0 : i32
        %dma_start3A_396 = tpu.memref_slice %arg2[%dma_start3A_394, %dma_start3A_395] : memref<20224x128xf32, #tpu.memory_space<hbm>> -> memref<20224x128xf32, #tpu.memory_space<hbm>>
        tpu.enqueue_indirect_dma source(%dma_start3A_396 : memref<20224x128xf32, #tpu.memory_space<hbm>>) target(%dma_start3A_388 : memref<64x128xf32, #tpu.memory_space<vmem>>) offsets(%dma_start3A_393 : memref<64xi32, #tpu.memory_space<vmem>>) semaphore(%arg12 : memref<!tpu.dma_semaphore, #tpu.memory_space<semaphore_mem>>)
        %dma_start3A_397 = arith.constant 64 : i32
        %dma_start3A_398 = arith.constant 0 : i32
        %dma_start3A_399 = tpu.memref_slice %arg9[%dma_start3A_397, %dma_start3A_398] : memref<128x128xf32, #tpu.memory_space<vmem>> -> memref<64x128xf32, #tpu.memory_space<vmem>>
        %dma_start3A_400 = arith.constant 0 : i32
        %dma_start3A_401 = tpu.memref_slice %arg7[%add3A_385, %dma_start3A_400] : memref<80x128xi32, #tpu.memory_space<vmem>> -> memref<1x128xi32, #tpu.memory_space<vmem>>
        %dma_start3A_402 = tpu.memref_squeeze %dma_start3A_401 : memref<1x128xi32, #tpu.memory_space<vmem>> -> memref<128xi32, #tpu.memory_space<vmem>>
        %dma_start3A_403 = arith.constant 64 : i32
        %dma_start3A_404 = tpu.memref_slice %dma_start3A_402[%dma_start3A_403] : memref<128xi32, #tpu.memory_space<vmem>> -> memref<64xi32, #tpu.memory_space<vmem>>
        %dma_start3A_405 = arith.constant 0 : i32
        %dma_start3A_406 = arith.constant 0 : i32
        %dma_start3A_407 = tpu.memref_slice %arg2[%dma_start3A_405, %dma_start3A_406] : memref<20224x128xf32, #tpu.memory_space<hbm>> -> memref<20224x128xf32, #tpu.memory_space<hbm>>
        tpu.enqueue_indirect_dma source(%dma_start3A_407 : memref<20224x128xf32, #tpu.memory_space<hbm>>) target(%dma_start3A_399 : memref<64x128xf32, #tpu.memory_space<vmem>>) offsets(%dma_start3A_404 : memref<64xi32, #tpu.memory_space<vmem>>) semaphore(%arg12 : memref<!tpu.dma_semaphore, #tpu.memory_space<semaphore_mem>>)
      } else {
      }
      %add3A_212 = arith.constant 4 : i32
      %add3A_213 = arith.addi %add3A_44, %add3A_212 : i32
      %dma_wait3A_214 = arith.constant 0 : i32
      %dma_wait3A_215 = arith.constant 0 : i32
      %dma_wait3A_216 = tpu.memref_slice %arg9[%dma_wait3A_214, %dma_wait3A_215] : memref<128x128xf32, #tpu.memory_space<vmem>> -> memref<64x128xf32, #tpu.memory_space<vmem>>
      %dma_wait3A_217 = arith.constant 0 : i32
      %dma_wait3A_218 = tpu.memref_slice %arg7[%add3A_213, %dma_wait3A_217] : memref<80x128xi32, #tpu.memory_space<vmem>> -> memref<1x128xi32, #tpu.memory_space<vmem>>
      %dma_wait3A_219 = tpu.memref_squeeze %dma_wait3A_218 : memref<1x128xi32, #tpu.memory_space<vmem>> -> memref<128xi32, #tpu.memory_space<vmem>>
      %dma_wait3A_220 = arith.constant 0 : i32
      %dma_wait3A_221 = tpu.memref_slice %dma_wait3A_219[%dma_wait3A_220] : memref<128xi32, #tpu.memory_space<vmem>> -> memref<64xi32, #tpu.memory_space<vmem>>
      %dma_wait3A_222 = arith.constant 0 : i32
      %dma_wait3A_223 = arith.constant 0 : i32
      %dma_wait3A_224 = tpu.memref_slice %arg2[%dma_wait3A_222, %dma_wait3A_223] : memref<20224x128xf32, #tpu.memory_space<hbm>> -> memref<20224x128xf32, #tpu.memory_space<hbm>>
      tpu.wait_indirect_dma semaphore(%arg12 : memref<!tpu.dma_semaphore, #tpu.memory_space<semaphore_mem>>) src(%dma_wait3A_224 : memref<20224x128xf32, #tpu.memory_space<hbm>>) dst(%dma_wait3A_216 : memref<64x128xf32, #tpu.memory_space<vmem>>)
      %dma_wait3A_225 = arith.constant 64 : i32
      %dma_wait3A_226 = arith.constant 0 : i32
      %dma_wait3A_227 = tpu.memref_slice %arg9[%dma_wait3A_225, %dma_wait3A_226] : memref<128x128xf32, #tpu.memory_space<vmem>> -> memref<64x128xf32, #tpu.memory_space<vmem>>
      %dma_wait3A_228 = arith.constant 0 : i32
      %dma_wait3A_229 = tpu.memref_slice %arg7[%add3A_213, %dma_wait3A_228] : memref<80x128xi32, #tpu.memory_space<vmem>> -> memref<1x128xi32, #tpu.memory_space<vmem>>
      %dma_wait3A_230 = tpu.memref_squeeze %dma_wait3A_229 : memref<1x128xi32, #tpu.memory_space<vmem>> -> memref<128xi32, #tpu.memory_space<vmem>>
      %dma_wait3A_231 = arith.constant 64 : i32
      %dma_wait3A_232 = tpu.memref_slice %dma_wait3A_230[%dma_wait3A_231] : memref<128xi32, #tpu.memory_space<vmem>> -> memref<64xi32, #tpu.memory_space<vmem>>
      %dma_wait3A_233 = arith.constant 0 : i32
      %dma_wait3A_234 = arith.constant 0 : i32
      %dma_wait3A_235 = tpu.memref_slice %arg2[%dma_wait3A_233, %dma_wait3A_234] : memref<20224x128xf32, #tpu.memory_space<hbm>> -> memref<20224x128xf32, #tpu.memory_space<hbm>>
      tpu.wait_indirect_dma semaphore(%arg12 : memref<!tpu.dma_semaphore, #tpu.memory_space<semaphore_mem>>) src(%dma_wait3A_235 : memref<20224x128xf32, #tpu.memory_space<hbm>>) dst(%dma_wait3A_227 : memref<64x128xf32, #tpu.memory_space<vmem>>)
      %add3A_236 = arith.constant 4 : i32
      %add3A_237 = arith.addi %add3A_44, %add3A_236 : i32
      %add3A_238 = arith.constant 1 : i32
      %add3A_239 = arith.addi %add3A_237, %add3A_238 : i32
      %dma_start3A_240 = arith.constant 0 : i32
      %dma_start3A_241 = arith.constant 0 : i32
      %dma_start3A_242 = tpu.memref_slice %arg10[%dma_start3A_240, %dma_start3A_241] : memref<128x128xf32, #tpu.memory_space<vmem>> -> memref<64x128xf32, #tpu.memory_space<vmem>>
      %dma_start3A_243 = arith.constant 0 : i32
      %dma_start3A_244 = tpu.memref_slice %arg7[%add3A_239, %dma_start3A_243] : memref<80x128xi32, #tpu.memory_space<vmem>> -> memref<1x128xi32, #tpu.memory_space<vmem>>
      %dma_start3A_245 = tpu.memref_squeeze %dma_start3A_244 : memref<1x128xi32, #tpu.memory_space<vmem>> -> memref<128xi32, #tpu.memory_space<vmem>>
      %dma_start3A_246 = arith.constant 0 : i32
      %dma_start3A_247 = tpu.memref_slice %dma_start3A_245[%dma_start3A_246] : memref<128xi32, #tpu.memory_space<vmem>> -> memref<64xi32, #tpu.memory_space<vmem>>
      %dma_start3A_248 = arith.constant 0 : i32
      %dma_start3A_249 = arith.constant 0 : i32
      %dma_start3A_250 = tpu.memref_slice %arg2[%dma_start3A_248, %dma_start3A_249] : memref<20224x128xf32, #tpu.memory_space<hbm>> -> memref<20224x128xf32, #tpu.memory_space<hbm>>
      tpu.enqueue_indirect_dma source(%dma_start3A_250 : memref<20224x128xf32, #tpu.memory_space<hbm>>) target(%dma_start3A_242 : memref<64x128xf32, #tpu.memory_space<vmem>>) offsets(%dma_start3A_247 : memref<64xi32, #tpu.memory_space<vmem>>) semaphore(%arg13 : memref<!tpu.dma_semaphore, #tpu.memory_space<semaphore_mem>>)
      %dma_start3A_251 = arith.constant 64 : i32
      %dma_start3A_252 = arith.constant 0 : i32
      %dma_start3A_253 = tpu.memref_slice %arg10[%dma_start3A_251, %dma_start3A_252] : memref<128x128xf32, #tpu.memory_space<vmem>> -> memref<64x128xf32, #tpu.memory_space<vmem>>
      %dma_start3A_254 = arith.constant 0 : i32
      %dma_start3A_255 = tpu.memref_slice %arg7[%add3A_239, %dma_start3A_254] : memref<80x128xi32, #tpu.memory_space<vmem>> -> memref<1x128xi32, #tpu.memory_space<vmem>>
      %dma_start3A_256 = tpu.memref_squeeze %dma_start3A_255 : memref<1x128xi32, #tpu.memory_space<vmem>> -> memref<128xi32, #tpu.memory_space<vmem>>
      %dma_start3A_257 = arith.constant 64 : i32
      %dma_start3A_258 = tpu.memref_slice %dma_start3A_256[%dma_start3A_257] : memref<128xi32, #tpu.memory_space<vmem>> -> memref<64xi32, #tpu.memory_space<vmem>>
      %dma_start3A_259 = arith.constant 0 : i32
      %dma_start3A_260 = arith.constant 0 : i32
      %dma_start3A_261 = tpu.memref_slice %arg2[%dma_start3A_259, %dma_start3A_260] : memref<20224x128xf32, #tpu.memory_space<hbm>> -> memref<20224x128xf32, #tpu.memory_space<hbm>>
      tpu.enqueue_indirect_dma source(%dma_start3A_261 : memref<20224x128xf32, #tpu.memory_space<hbm>>) target(%dma_start3A_253 : memref<64x128xf32, #tpu.memory_space<vmem>>) offsets(%dma_start3A_258 : memref<64xi32, #tpu.memory_space<vmem>>) semaphore(%arg13 : memref<!tpu.dma_semaphore, #tpu.memory_space<semaphore_mem>>)
      %add3A_262 = arith.constant 4 : i32
      %add3A_263 = arith.addi %add3A_44, %add3A_262 : i32
      %add3A_264 = arith.constant 1 : i32
      %add3A_265 = arith.addi %add3A_263, %add3A_264 : i32
      %dma_wait3A_266 = arith.constant 0 : i32
      %dma_wait3A_267 = arith.constant 0 : i32
      %dma_wait3A_268 = tpu.memref_slice %arg10[%dma_wait3A_266, %dma_wait3A_267] : memref<128x128xf32, #tpu.memory_space<vmem>> -> memref<64x128xf32, #tpu.memory_space<vmem>>
      %dma_wait3A_269 = arith.constant 0 : i32
      %dma_wait3A_270 = tpu.memref_slice %arg7[%add3A_265, %dma_wait3A_269] : memref<80x128xi32, #tpu.memory_space<vmem>> -> memref<1x128xi32, #tpu.memory_space<vmem>>
      %dma_wait3A_271 = tpu.memref_squeeze %dma_wait3A_270 : memref<1x128xi32, #tpu.memory_space<vmem>> -> memref<128xi32, #tpu.memory_space<vmem>>
      %dma_wait3A_272 = arith.constant 0 : i32
      %dma_wait3A_273 = tpu.memref_slice %dma_wait3A_271[%dma_wait3A_272] : memref<128xi32, #tpu.memory_space<vmem>> -> memref<64xi32, #tpu.memory_space<vmem>>
      %dma_wait3A_274 = arith.constant 0 : i32
      %dma_wait3A_275 = arith.constant 0 : i32
      %dma_wait3A_276 = tpu.memref_slice %arg2[%dma_wait3A_274, %dma_wait3A_275] : memref<20224x128xf32, #tpu.memory_space<hbm>> -> memref<20224x128xf32, #tpu.memory_space<hbm>>
      tpu.wait_indirect_dma semaphore(%arg13 : memref<!tpu.dma_semaphore, #tpu.memory_space<semaphore_mem>>) src(%dma_wait3A_276 : memref<20224x128xf32, #tpu.memory_space<hbm>>) dst(%dma_wait3A_268 : memref<64x128xf32, #tpu.memory_space<vmem>>)
      %dma_wait3A_277 = arith.constant 64 : i32
      %dma_wait3A_278 = arith.constant 0 : i32
      %dma_wait3A_279 = tpu.memref_slice %arg10[%dma_wait3A_277, %dma_wait3A_278] : memref<128x128xf32, #tpu.memory_space<vmem>> -> memref<64x128xf32, #tpu.memory_space<vmem>>
      %dma_wait3A_280 = arith.constant 0 : i32
      %dma_wait3A_281 = tpu.memref_slice %arg7[%add3A_265, %dma_wait3A_280] : memref<80x128xi32, #tpu.memory_space<vmem>> -> memref<1x128xi32, #tpu.memory_space<vmem>>
      %dma_wait3A_282 = tpu.memref_squeeze %dma_wait3A_281 : memref<1x128xi32, #tpu.memory_space<vmem>> -> memref<128xi32, #tpu.memory_space<vmem>>
      %dma_wait3A_283 = arith.constant 64 : i32
      %dma_wait3A_284 = tpu.memref_slice %dma_wait3A_282[%dma_wait3A_283] : memref<128xi32, #tpu.memory_space<vmem>> -> memref<64xi32, #tpu.memory_space<vmem>>
      %dma_wait3A_285 = arith.constant 0 : i32
      %dma_wait3A_286 = arith.constant 0 : i32
      %dma_wait3A_287 = tpu.memref_slice %arg2[%dma_wait3A_285, %dma_wait3A_286] : memref<20224x128xf32, #tpu.memory_space<hbm>> -> memref<20224x128xf32, #tpu.memory_space<hbm>>
      tpu.wait_indirect_dma semaphore(%arg13 : memref<!tpu.dma_semaphore, #tpu.memory_space<semaphore_mem>>) src(%dma_wait3A_287 : memref<20224x128xf32, #tpu.memory_space<hbm>>) dst(%dma_wait3A_279 : memref<64x128xf32, #tpu.memory_space<vmem>>)
      %add3A_288 = arith.constant 4 : i32
      %add3A_289 = arith.addi %add3A_44, %add3A_288 : i32
      %add3A_290 = arith.constant 2 : i32
      %add3A_291 = arith.addi %add3A_289, %add3A_290 : i32
      %lt3A_292 = arith.constant 80 : i32
      %lt3A_293 = arith.cmpi slt, %add3A_291, %lt3A_292 : i32
      %convert_element_type3A_294 = arith.extui %lt3A_293 : i1 to i32
      %cond3A_295 = arith.constant 0 : i32
      %cond3A_296 = arith.cmpi ne, %convert_element_type3A_294, %cond3A_295 : i32
      scf.if %cond3A_296 {
        %add3A_382 = arith.constant 4 : i32
        %add3A_383 = arith.addi %add3A_44, %add3A_382 : i32
        %add3A_384 = arith.constant 2 : i32
        %add3A_385 = arith.addi %add3A_383, %add3A_384 : i32
        %dma_start3A_386 = arith.constant 0 : i32
        %dma_start3A_387 = arith.constant 0 : i32
        %dma_start3A_388 = tpu.memref_slice %arg9[%dma_start3A_386, %dma_start3A_387] : memref<128x128xf32, #tpu.memory_space<vmem>> -> memref<64x128xf32, #tpu.memory_space<vmem>>
        %dma_start3A_389 = arith.constant 0 : i32
        %dma_start3A_390 = tpu.memref_slice %arg7[%add3A_385, %dma_start3A_389] : memref<80x128xi32, #tpu.memory_space<vmem>> -> memref<1x128xi32, #tpu.memory_space<vmem>>
        %dma_start3A_391 = tpu.memref_squeeze %dma_start3A_390 : memref<1x128xi32, #tpu.memory_space<vmem>> -> memref<128xi32, #tpu.memory_space<vmem>>
        %dma_start3A_392 = arith.constant 0 : i32
        %dma_start3A_393 = tpu.memref_slice %dma_start3A_391[%dma_start3A_392] : memref<128xi32, #tpu.memory_space<vmem>> -> memref<64xi32, #tpu.memory_space<vmem>>
        %dma_start3A_394 = arith.constant 0 : i32
        %dma_start3A_395 = arith.constant 0 : i32
        %dma_start3A_396 = tpu.memref_slice %arg2[%dma_start3A_394, %dma_start3A_395] : memref<20224x128xf32, #tpu.memory_space<hbm>> -> memref<20224x128xf32, #tpu.memory_space<hbm>>
        tpu.enqueue_indirect_dma source(%dma_start3A_396 : memref<20224x128xf32, #tpu.memory_space<hbm>>) target(%dma_start3A_388 : memref<64x128xf32, #tpu.memory_space<vmem>>) offsets(%dma_start3A_393 : memref<64xi32, #tpu.memory_space<vmem>>) semaphore(%arg12 : memref<!tpu.dma_semaphore, #tpu.memory_space<semaphore_mem>>)
        %dma_start3A_397 = arith.constant 64 : i32
        %dma_start3A_398 = arith.constant 0 : i32
        %dma_start3A_399 = tpu.memref_slice %arg9[%dma_start3A_397, %dma_start3A_398] : memref<128x128xf32, #tpu.memory_space<vmem>> -> memref<64x128xf32, #tpu.memory_space<vmem>>
        %dma_start3A_400 = arith.constant 0 : i32
        %dma_start3A_401 = tpu.memref_slice %arg7[%add3A_385, %dma_start3A_400] : memref<80x128xi32, #tpu.memory_space<vmem>> -> memref<1x128xi32, #tpu.memory_space<vmem>>
        %dma_start3A_402 = tpu.memref_squeeze %dma_start3A_401 : memref<1x128xi32, #tpu.memory_space<vmem>> -> memref<128xi32, #tpu.memory_space<vmem>>
        %dma_start3A_403 = arith.constant 64 : i32
        %dma_start3A_404 = tpu.memref_slice %dma_start3A_402[%dma_start3A_403] : memref<128xi32, #tpu.memory_space<vmem>> -> memref<64xi32, #tpu.memory_space<vmem>>
        %dma_start3A_405 = arith.constant 0 : i32
        %dma_start3A_406 = arith.constant 0 : i32
        %dma_start3A_407 = tpu.memref_slice %arg2[%dma_start3A_405, %dma_start3A_406] : memref<20224x128xf32, #tpu.memory_space<hbm>> -> memref<20224x128xf32, #tpu.memory_space<hbm>>
        tpu.enqueue_indirect_dma source(%dma_start3A_407 : memref<20224x128xf32, #tpu.memory_space<hbm>>) target(%dma_start3A_399 : memref<64x128xf32, #tpu.memory_space<vmem>>) offsets(%dma_start3A_404 : memref<64xi32, #tpu.memory_space<vmem>>) semaphore(%arg12 : memref<!tpu.dma_semaphore, #tpu.memory_space<semaphore_mem>>)
      } else {
      }
      %add3A_297 = arith.constant 6 : i32
      %add3A_298 = arith.addi %add3A_44, %add3A_297 : i32
      %dma_wait3A_299 = arith.constant 0 : i32
      %dma_wait3A_300 = arith.constant 0 : i32
      %dma_wait3A_301 = tpu.memref_slice %arg9[%dma_wait3A_299, %dma_wait3A_300] : memref<128x128xf32, #tpu.memory_space<vmem>> -> memref<64x128xf32, #tpu.memory_space<vmem>>
      %dma_wait3A_302 = arith.constant 0 : i32
      %dma_wait3A_303 = tpu.memref_slice %arg7[%add3A_298, %dma_wait3A_302] : memref<80x128xi32, #tpu.memory_space<vmem>> -> memref<1x128xi32, #tpu.memory_space<vmem>>
      %dma_wait3A_304 = tpu.memref_squeeze %dma_wait3A_303 : memref<1x128xi32, #tpu.memory_space<vmem>> -> memref<128xi32, #tpu.memory_space<vmem>>
      %dma_wait3A_305 = arith.constant 0 : i32
      %dma_wait3A_306 = tpu.memref_slice %dma_wait3A_304[%dma_wait3A_305] : memref<128xi32, #tpu.memory_space<vmem>> -> memref<64xi32, #tpu.memory_space<vmem>>
      %dma_wait3A_307 = arith.constant 0 : i32
      %dma_wait3A_308 = arith.constant 0 : i32
      %dma_wait3A_309 = tpu.memref_slice %arg2[%dma_wait3A_307, %dma_wait3A_308] : memref<20224x128xf32, #tpu.memory_space<hbm>> -> memref<20224x128xf32, #tpu.memory_space<hbm>>
      tpu.wait_indirect_dma semaphore(%arg12 : memref<!tpu.dma_semaphore, #tpu.memory_space<semaphore_mem>>) src(%dma_wait3A_309 : memref<20224x128xf32, #tpu.memory_space<hbm>>) dst(%dma_wait3A_301 : memref<64x128xf32, #tpu.memory_space<vmem>>)
      %dma_wait3A_310 = arith.constant 64 : i32
      %dma_wait3A_311 = arith.constant 0 : i32
      %dma_wait3A_312 = tpu.memref_slice %arg9[%dma_wait3A_310, %dma_wait3A_311] : memref<128x128xf32, #tpu.memory_space<vmem>> -> memref<64x128xf32, #tpu.memory_space<vmem>>
      %dma_wait3A_313 = arith.constant 0 : i32
      %dma_wait3A_314 = tpu.memref_slice %arg7[%add3A_298, %dma_wait3A_313] : memref<80x128xi32, #tpu.memory_space<vmem>> -> memref<1x128xi32, #tpu.memory_space<vmem>>
      %dma_wait3A_315 = tpu.memref_squeeze %dma_wait3A_314 : memref<1x128xi32, #tpu.memory_space<vmem>> -> memref<128xi32, #tpu.memory_space<vmem>>
      %dma_wait3A_316 = arith.constant 64 : i32
      %dma_wait3A_317 = tpu.memref_slice %dma_wait3A_315[%dma_wait3A_316] : memref<128xi32, #tpu.memory_space<vmem>> -> memref<64xi32, #tpu.memory_space<vmem>>
      %dma_wait3A_318 = arith.constant 0 : i32
      %dma_wait3A_319 = arith.constant 0 : i32
      %dma_wait3A_320 = tpu.memref_slice %arg2[%dma_wait3A_318, %dma_wait3A_319] : memref<20224x128xf32, #tpu.memory_space<hbm>> -> memref<20224x128xf32, #tpu.memory_space<hbm>>
      tpu.wait_indirect_dma semaphore(%arg12 : memref<!tpu.dma_semaphore, #tpu.memory_space<semaphore_mem>>) src(%dma_wait3A_320 : memref<20224x128xf32, #tpu.memory_space<hbm>>) dst(%dma_wait3A_312 : memref<64x128xf32, #tpu.memory_space<vmem>>)
      %add3A_321 = arith.constant 6 : i32
      %add3A_322 = arith.addi %add3A_44, %add3A_321 : i32
      %add3A_323 = arith.constant 1 : i32
      %add3A_324 = arith.addi %add3A_322, %add3A_323 : i32
      %dma_start3A_325 = arith.constant 0 : i32
      %dma_start3A_326 = arith.constant 0 : i32
      %dma_start3A_327 = tpu.memref_slice %arg10[%dma_start3A_325, %dma_start3A_326] : memref<128x128xf32, #tpu.memory_space<vmem>> -> memref<64x128xf32, #tpu.memory_space<vmem>>
      %dma_start3A_328 = arith.constant 0 : i32
      %dma_start3A_329 = tpu.memref_slice %arg7[%add3A_324, %dma_start3A_328] : memref<80x128xi32, #tpu.memory_space<vmem>> -> memref<1x128xi32, #tpu.memory_space<vmem>>
      %dma_start3A_330 = tpu.memref_squeeze %dma_start3A_329 : memref<1x128xi32, #tpu.memory_space<vmem>> -> memref<128xi32, #tpu.memory_space<vmem>>
      %dma_start3A_331 = arith.constant 0 : i32
      %dma_start3A_332 = tpu.memref_slice %dma_start3A_330[%dma_start3A_331] : memref<128xi32, #tpu.memory_space<vmem>> -> memref<64xi32, #tpu.memory_space<vmem>>
      %dma_start3A_333 = arith.constant 0 : i32
      %dma_start3A_334 = arith.constant 0 : i32
      %dma_start3A_335 = tpu.memref_slice %arg2[%dma_start3A_333, %dma_start3A_334] : memref<20224x128xf32, #tpu.memory_space<hbm>> -> memref<20224x128xf32, #tpu.memory_space<hbm>>
      tpu.enqueue_indirect_dma source(%dma_start3A_335 : memref<20224x128xf32, #tpu.memory_space<hbm>>) target(%dma_start3A_327 : memref<64x128xf32, #tpu.memory_space<vmem>>) offsets(%dma_start3A_332 : memref<64xi32, #tpu.memory_space<vmem>>) semaphore(%arg13 : memref<!tpu.dma_semaphore, #tpu.memory_space<semaphore_mem>>)
      %dma_start3A_336 = arith.constant 64 : i32
      %dma_start3A_337 = arith.constant 0 : i32
      %dma_start3A_338 = tpu.memref_slice %arg10[%dma_start3A_336, %dma_start3A_337] : memref<128x128xf32, #tpu.memory_space<vmem>> -> memref<64x128xf32, #tpu.memory_space<vmem>>
      %dma_start3A_339 = arith.constant 0 : i32
      %dma_start3A_340 = tpu.memref_slice %arg7[%add3A_324, %dma_start3A_339] : memref<80x128xi32, #tpu.memory_space<vmem>> -> memref<1x128xi32, #tpu.memory_space<vmem>>
      %dma_start3A_341 = tpu.memref_squeeze %dma_start3A_340 : memref<1x128xi32, #tpu.memory_space<vmem>> -> memref<128xi32, #tpu.memory_space<vmem>>
      %dma_start3A_342 = arith.constant 64 : i32
      %dma_start3A_343 = tpu.memref_slice %dma_start3A_341[%dma_start3A_342] : memref<128xi32, #tpu.memory_space<vmem>> -> memref<64xi32, #tpu.memory_space<vmem>>
      %dma_start3A_344 = arith.constant 0 : i32
      %dma_start3A_345 = arith.constant 0 : i32
      %dma_start3A_346 = tpu.memref_slice %arg2[%dma_start3A_344, %dma_start3A_345] : memref<20224x128xf32, #tpu.memory_space<hbm>> -> memref<20224x128xf32, #tpu.memory_space<hbm>>
      tpu.enqueue_indirect_dma source(%dma_start3A_346 : memref<20224x128xf32, #tpu.memory_space<hbm>>) target(%dma_start3A_338 : memref<64x128xf32, #tpu.memory_space<vmem>>) offsets(%dma_start3A_343 : memref<64xi32, #tpu.memory_space<vmem>>) semaphore(%arg13 : memref<!tpu.dma_semaphore, #tpu.memory_space<semaphore_mem>>)
      %add3A_347 = arith.constant 6 : i32
      %add3A_348 = arith.addi %add3A_44, %add3A_347 : i32
      %add3A_349 = arith.constant 1 : i32
      %add3A_350 = arith.addi %add3A_348, %add3A_349 : i32
      %dma_wait3A_351 = arith.constant 0 : i32
      %dma_wait3A_352 = arith.constant 0 : i32
      %dma_wait3A_353 = tpu.memref_slice %arg10[%dma_wait3A_351, %dma_wait3A_352] : memref<128x128xf32, #tpu.memory_space<vmem>> -> memref<64x128xf32, #tpu.memory_space<vmem>>
      %dma_wait3A_354 = arith.constant 0 : i32
      %dma_wait3A_355 = tpu.memref_slice %arg7[%add3A_350, %dma_wait3A_354] : memref<80x128xi32, #tpu.memory_space<vmem>> -> memref<1x128xi32, #tpu.memory_space<vmem>>
      %dma_wait3A_356 = tpu.memref_squeeze %dma_wait3A_355 : memref<1x128xi32, #tpu.memory_space<vmem>> -> memref<128xi32, #tpu.memory_space<vmem>>
      %dma_wait3A_357 = arith.constant 0 : i32
      %dma_wait3A_358 = tpu.memref_slice %dma_wait3A_356[%dma_wait3A_357] : memref<128xi32, #tpu.memory_space<vmem>> -> memref<64xi32, #tpu.memory_space<vmem>>
      %dma_wait3A_359 = arith.constant 0 : i32
      %dma_wait3A_360 = arith.constant 0 : i32
      %dma_wait3A_361 = tpu.memref_slice %arg2[%dma_wait3A_359, %dma_wait3A_360] : memref<20224x128xf32, #tpu.memory_space<hbm>> -> memref<20224x128xf32, #tpu.memory_space<hbm>>
      tpu.wait_indirect_dma semaphore(%arg13 : memref<!tpu.dma_semaphore, #tpu.memory_space<semaphore_mem>>) src(%dma_wait3A_361 : memref<20224x128xf32, #tpu.memory_space<hbm>>) dst(%dma_wait3A_353 : memref<64x128xf32, #tpu.memory_space<vmem>>)
      %dma_wait3A_362 = arith.constant 64 : i32
      %dma_wait3A_363 = arith.constant 0 : i32
      %dma_wait3A_364 = tpu.memref_slice %arg10[%dma_wait3A_362, %dma_wait3A_363] : memref<128x128xf32, #tpu.memory_space<vmem>> -> memref<64x128xf32, #tpu.memory_space<vmem>>
      %dma_wait3A_365 = arith.constant 0 : i32
      %dma_wait3A_366 = tpu.memref_slice %arg7[%add3A_350, %dma_wait3A_365] : memref<80x128xi32, #tpu.memory_space<vmem>> -> memref<1x128xi32, #tpu.memory_space<vmem>>
      %dma_wait3A_367 = tpu.memref_squeeze %dma_wait3A_366 : memref<1x128xi32, #tpu.memory_space<vmem>> -> memref<128xi32, #tpu.memory_space<vmem>>
      %dma_wait3A_368 = arith.constant 64 : i32
      %dma_wait3A_369 = tpu.memref_slice %dma_wait3A_367[%dma_wait3A_368] : memref<128xi32, #tpu.memory_space<vmem>> -> memref<64xi32, #tpu.memory_space<vmem>>
      %dma_wait3A_370 = arith.constant 0 : i32
      %dma_wait3A_371 = arith.constant 0 : i32
      %dma_wait3A_372 = tpu.memref_slice %arg2[%dma_wait3A_370, %dma_wait3A_371] : memref<20224x128xf32, #tpu.memory_space<hbm>> -> memref<20224x128xf32, #tpu.memory_space<hbm>>
      tpu.wait_indirect_dma semaphore(%arg13 : memref<!tpu.dma_semaphore, #tpu.memory_space<semaphore_mem>>) src(%dma_wait3A_372 : memref<20224x128xf32, #tpu.memory_space<hbm>>) dst(%dma_wait3A_364 : memref<64x128xf32, #tpu.memory_space<vmem>>)
      %add3A_373 = arith.constant 6 : i32
      %add3A_374 = arith.addi %add3A_44, %add3A_373 : i32
      %add3A_375 = arith.constant 2 : i32
      %add3A_376 = arith.addi %add3A_374, %add3A_375 : i32
      %lt3A_377 = arith.constant 80 : i32
      %lt3A_378 = arith.cmpi slt, %add3A_376, %lt3A_377 : i32
      %convert_element_type3A_379 = arith.extui %lt3A_378 : i1 to i32
      %cond3A_380 = arith.constant 0 : i32
      %cond3A_381 = arith.cmpi ne, %convert_element_type3A_379, %cond3A_380 : i32
      scf.if %cond3A_381 {
        %add3A_382 = arith.constant 6 : i32
        %add3A_383 = arith.addi %add3A_44, %add3A_382 : i32
        %add3A_384 = arith.constant 2 : i32
        %add3A_385 = arith.addi %add3A_383, %add3A_384 : i32
        %dma_start3A_386 = arith.constant 0 : i32
        %dma_start3A_387 = arith.constant 0 : i32
        %dma_start3A_388 = tpu.memref_slice %arg9[%dma_start3A_386, %dma_start3A_387] : memref<128x128xf32, #tpu.memory_space<vmem>> -> memref<64x128xf32, #tpu.memory_space<vmem>>
        %dma_start3A_389 = arith.constant 0 : i32
        %dma_start3A_390 = tpu.memref_slice %arg7[%add3A_385, %dma_start3A_389] : memref<80x128xi32, #tpu.memory_space<vmem>> -> memref<1x128xi32, #tpu.memory_space<vmem>>
        %dma_start3A_391 = tpu.memref_squeeze %dma_start3A_390 : memref<1x128xi32, #tpu.memory_space<vmem>> -> memref<128xi32, #tpu.memory_space<vmem>>
        %dma_start3A_392 = arith.constant 0 : i32
        %dma_start3A_393 = tpu.memref_slice %dma_start3A_391[%dma_start3A_392] : memref<128xi32, #tpu.memory_space<vmem>> -> memref<64xi32, #tpu.memory_space<vmem>>
        %dma_start3A_394 = arith.constant 0 : i32
        %dma_start3A_395 = arith.constant 0 : i32
        %dma_start3A_396 = tpu.memref_slice %arg2[%dma_start3A_394, %dma_start3A_395] : memref<20224x128xf32, #tpu.memory_space<hbm>> -> memref<20224x128xf32, #tpu.memory_space<hbm>>
        tpu.enqueue_indirect_dma source(%dma_start3A_396 : memref<20224x128xf32, #tpu.memory_space<hbm>>) target(%dma_start3A_388 : memref<64x128xf32, #tpu.memory_space<vmem>>) offsets(%dma_start3A_393 : memref<64xi32, #tpu.memory_space<vmem>>) semaphore(%arg12 : memref<!tpu.dma_semaphore, #tpu.memory_space<semaphore_mem>>)
        %dma_start3A_397 = arith.constant 64 : i32
        %dma_start3A_398 = arith.constant 0 : i32
        %dma_start3A_399 = tpu.memref_slice %arg9[%dma_start3A_397, %dma_start3A_398] : memref<128x128xf32, #tpu.memory_space<vmem>> -> memref<64x128xf32, #tpu.memory_space<vmem>>
        %dma_start3A_400 = arith.constant 0 : i32
        %dma_start3A_401 = tpu.memref_slice %arg7[%add3A_385, %dma_start3A_400] : memref<80x128xi32, #tpu.memory_space<vmem>> -> memref<1x128xi32, #tpu.memory_space<vmem>>
        %dma_start3A_402 = tpu.memref_squeeze %dma_start3A_401 : memref<1x128xi32, #tpu.memory_space<vmem>> -> memref<128xi32, #tpu.memory_space<vmem>>
        %dma_start3A_403 = arith.constant 64 : i32
        %dma_start3A_404 = tpu.memref_slice %dma_start3A_402[%dma_start3A_403] : memref<128xi32, #tpu.memory_space<vmem>> -> memref<64xi32, #tpu.memory_space<vmem>>
        %dma_start3A_405 = arith.constant 0 : i32
        %dma_start3A_406 = arith.constant 0 : i32
        %dma_start3A_407 = tpu.memref_slice %arg2[%dma_start3A_405, %dma_start3A_406] : memref<20224x128xf32, #tpu.memory_space<hbm>> -> memref<20224x128xf32, #tpu.memory_space<hbm>>
        tpu.enqueue_indirect_dma source(%dma_start3A_407 : memref<20224x128xf32, #tpu.memory_space<hbm>>) target(%dma_start3A_399 : memref<64x128xf32, #tpu.memory_space<vmem>>) offsets(%dma_start3A_404 : memref<64xi32, #tpu.memory_space<vmem>>) semaphore(%arg12 : memref<!tpu.dma_semaphore, #tpu.memory_space<semaphore_mem>>)
      } else {
      }
    }
    %scan3A_31 = arith.constant 10 : i32
    %barrier3A_32 = arith.constant 0 : index
    tpu.barrier barrier_id(%barrier3A_32)
    %mul3A_33 = arith.constant 632 : i32
    %mul3A_34 = arith.muli %arg1, %mul3A_33 : i32
    %mul3A_35 = arith.constant 10112 : i32
    %mul3A_36 = arith.muli %arg0, %mul3A_35 : i32
    %mul3A_37 = arith.constant 632 : i32
    %mul3A_38 = arith.muli %arg1, %mul3A_37 : i32
    %add3A_39 = arith.addi %mul3A_36, %mul3A_38 : i32
    "tpu.region"() ({
      %run_scoped3A = tpu.sem_alloc : memref<!tpu.dma_semaphore, #tpu.memory_space<semaphore_mem>>
      %dma_start3A_40 = arith.constant 0 : i32
      %dma_start3A_41 = tpu.memref_slice %arg6[%add3A_39, %dma_start3A_40] : memref<20224x128xf32, #tpu.memory_space<hbm>> -> memref<632x128xf32, #tpu.memory_space<hbm>>
      %dma_start3A_42 = arith.constant 0 : i32
      %dma_start3A_43 = tpu.memref_slice %arg11[%mul3A_34, %dma_start3A_42] : memref<10112x128xf32, #tpu.memory_space<vmem_shared>> -> memref<632x128xf32, #tpu.memory_space<vmem_shared>>
      tpu.enqueue_dma source(%dma_start3A_43 : memref<632x128xf32, #tpu.memory_space<vmem_shared>>) target(%dma_start3A_41 : memref<632x128xf32, #tpu.memory_space<hbm>>) target_semaphore(%run_scoped3A : memref<!tpu.dma_semaphore, #tpu.memory_space<semaphore_mem>>)
      %dma_wait3A = arith.constant 0 : i32
      %dma_wait3A_44 = tpu.memref_slice %arg6[%add3A_39, %dma_wait3A] : memref<20224x128xf32, #tpu.memory_space<hbm>> -> memref<632x128xf32, #tpu.memory_space<hbm>>
      %dma_wait3A_45 = arith.constant 0 : i32
      %dma_wait3A_46 = tpu.memref_slice %arg11[%mul3A_34, %dma_wait3A_45] : memref<10112x128xf32, #tpu.memory_space<vmem_shared>> -> memref<632x128xf32, #tpu.memory_space<vmem_shared>>
      tpu.wait_dma2 semaphore(%run_scoped3A : memref<!tpu.dma_semaphore, #tpu.memory_space<semaphore_mem>>) src(%dma_wait3A_46 : memref<632x128xf32, #tpu.memory_space<vmem_shared>>) dst(%dma_wait3A_44 : memref<632x128xf32, #tpu.memory_space<hbm>>)
      tpu.yield
    }) : () -> ()
    return
  }
}

#map = affine_map<(d0, d1) -> (0, 0)>
#map1 = affine_map<(d0, d1) -> (0)>
module attributes {stable_mosaic.version = 14 : i64} {
  func.func @_sc_degrees(%arg0: i32, %arg1: i32, %arg2: memref<5120x128xi32, #tpu.memory_space<hbm>>, %arg3: memref<1280xf32, #tpu.memory_space<hbm>>, %arg4: memref<128xf32, #tpu.memory_space<hbm>>, %arg5: memref<2x20480xf32, #tpu.memory_space<hbm>>, %arg6: memref<160x128xi32, #tpu.memory_space<vmem>>, %arg7: memref<128xf32, #tpu.memory_space<vmem>>, %arg8: memref<20480xf32, #tpu.memory_space<vmem_shared>>) attributes {dimension_semantics = [#tpu.dimension_semantics<core_parallel>, #tpu.dimension_semantics<subcore_parallel>], iteration_bounds = array<i64: 2, 16>, scalar_prefetch = 0 : i64, scratch_operands = 3 : i64, tpu.core_type = #tpu.core_type<sc_vector_subcore>, window_params = [{transform_indices = #map}, {transform_indices = #map1}, {transform_indices = #map1}, {transform_indices = #map}]} {
    %mul3A = arith.constant 2 : i32
    %mul3A_0 = arith.muli %arg0, %mul3A : i32
    %mul3A_1 = arith.constant 1280 : i32
    %mul3A_2 = arith.muli %mul3A_0, %mul3A_1 : i32
    %mul3A_3 = arith.constant 160 : i32
    %mul3A_4 = arith.muli %arg1, %mul3A_3 : i32
    %add3A = arith.addi %mul3A_2, %mul3A_4 : i32
    "tpu.region"() ({
      %run_scoped3A = tpu.sem_alloc : memref<!tpu.dma_semaphore, #tpu.memory_space<semaphore_mem>>
      %dma_start3A = arith.constant 0 : i32
      %dma_start3A_16 = tpu.memref_slice %arg2[%add3A, %dma_start3A] : memref<5120x128xi32, #tpu.memory_space<hbm>> -> memref<160x128xi32, #tpu.memory_space<hbm>>
      %dma_start3A_17 = arith.constant 0 : i32
      %dma_start3A_18 = tpu.memref_slice %arg2[%add3A, %dma_start3A_17] : memref<5120x128xi32, #tpu.memory_space<hbm>> -> memref<160x128xi32, #tpu.memory_space<hbm>>
      tpu.enqueue_dma source(%dma_start3A_18 : memref<160x128xi32, #tpu.memory_space<hbm>>) target(%arg6 : memref<160x128xi32, #tpu.memory_space<vmem>>) target_semaphore(%run_scoped3A : memref<!tpu.dma_semaphore, #tpu.memory_space<semaphore_mem>>)
      %dma_wait3A = arith.constant 0 : i32
      %dma_wait3A_19 = tpu.memref_slice %arg2[%add3A, %dma_wait3A] : memref<5120x128xi32, #tpu.memory_space<hbm>> -> memref<160x128xi32, #tpu.memory_space<hbm>>
      %dma_wait3A_20 = arith.constant 0 : i32
      %dma_wait3A_21 = tpu.memref_slice %arg2[%add3A, %dma_wait3A_20] : memref<5120x128xi32, #tpu.memory_space<hbm>> -> memref<160x128xi32, #tpu.memory_space<hbm>>
      tpu.wait_dma2 semaphore(%run_scoped3A : memref<!tpu.dma_semaphore, #tpu.memory_space<semaphore_mem>>) src(%dma_wait3A_21 : memref<160x128xi32, #tpu.memory_space<hbm>>) dst(%arg6 : memref<160x128xi32, #tpu.memory_space<vmem>>)
      tpu.yield
    }) : () -> ()
    "tpu.region"() ({
      %run_scoped3A = tpu.sem_alloc : memref<!tpu.dma_semaphore, #tpu.memory_space<semaphore_mem>>
      tpu.enqueue_dma source(%arg4 : memref<128xf32, #tpu.memory_space<hbm>>) target(%arg7 : memref<128xf32, #tpu.memory_space<vmem>>) target_semaphore(%run_scoped3A : memref<!tpu.dma_semaphore, #tpu.memory_space<semaphore_mem>>)
      tpu.wait_dma2 semaphore(%run_scoped3A : memref<!tpu.dma_semaphore, #tpu.memory_space<semaphore_mem>>) src(%arg4 : memref<128xf32, #tpu.memory_space<hbm>>) dst(%arg7 : memref<128xf32, #tpu.memory_space<vmem>>)
      tpu.yield
    }) : () -> ()
    %mul3A_5 = arith.constant 1280 : i32
    %mul3A_6 = arith.muli %arg1, %mul3A_5 : i32
    "tpu.region"() ({
      %run_scoped3A = tpu.sem_alloc : memref<!tpu.dma_semaphore, #tpu.memory_space<semaphore_mem>>
      %dma_start3A = tpu.memref_slice %arg8[%mul3A_6] : memref<20480xf32, #tpu.memory_space<vmem_shared>> -> memref<1280xf32, #tpu.memory_space<vmem_shared>>
      tpu.enqueue_dma source(%arg3 : memref<1280xf32, #tpu.memory_space<hbm>>) target(%dma_start3A : memref<1280xf32, #tpu.memory_space<vmem_shared>>) target_semaphore(%run_scoped3A : memref<!tpu.dma_semaphore, #tpu.memory_space<semaphore_mem>>)
      %dma_wait3A = tpu.memref_slice %arg8[%mul3A_6] : memref<20480xf32, #tpu.memory_space<vmem_shared>> -> memref<1280xf32, #tpu.memory_space<vmem_shared>>
      tpu.wait_dma2 semaphore(%run_scoped3A : memref<!tpu.dma_semaphore, #tpu.memory_space<semaphore_mem>>) src(%arg3 : memref<1280xf32, #tpu.memory_space<hbm>>) dst(%dma_wait3A : memref<1280xf32, #tpu.memory_space<vmem_shared>>)
      tpu.yield
    }) : () -> ()
    %barrier3A = arith.constant 0 : index
    tpu.barrier barrier_id(%barrier3A)
    %scan3A = arith.constant 0 : i32
    %scan3A_7 = arith.constant 160 : i32
    %scan3A_8 = arith.addi %scan3A, %scan3A_7 : i32
    %scan3A_9 = arith.constant 1 : i32
    scf.for %scan3A_16 = %scan3A to %scan3A_8 step %scan3A_9  : i32 {
      %mul3A_17 = arith.constant 1 : i32
      %mul3A_18 = arith.muli %scan3A_16, %mul3A_17 : i32
      %add3A_19 = arith.constant 0 : i32
      %add3A_20 = arith.addi %add3A_19, %mul3A_18 : i32
      "tpu.region"() ({
        %run_scoped3A = tpu.sem_alloc : memref<!tpu.dma_semaphore, #tpu.memory_space<semaphore_mem>>
        %dma_start3A = arith.constant 0 : i32
        %dma_start3A_21 = tpu.memref_slice %arg6[%add3A_20, %dma_start3A] : memref<160x128xi32, #tpu.memory_space<vmem>> -> memref<1x128xi32, #tpu.memory_space<vmem>>
        %dma_start3A_22 = tpu.memref_squeeze %dma_start3A_21 : memref<1x128xi32, #tpu.memory_space<vmem>> -> memref<128xi32, #tpu.memory_space<vmem>>
        %dma_start3A_23 = arith.constant 0 : i32
        %dma_start3A_24 = tpu.memref_slice %arg8[%dma_start3A_23] : memref<20480xf32, #tpu.memory_space<vmem_shared>> -> memref<20480xf32, #tpu.memory_space<vmem_shared>>
        tpu.enqueue_indirect_dma source(%arg7 : memref<128xf32, #tpu.memory_space<vmem>>) target(%dma_start3A_24 : memref<20480xf32, #tpu.memory_space<vmem_shared>>) offsets(%dma_start3A_22 : memref<128xi32, #tpu.memory_space<vmem>>) semaphore(%run_scoped3A : memref<!tpu.dma_semaphore, #tpu.memory_space<semaphore_mem>>) {add = true}
        %dma_wait3A = arith.constant 0 : i32
        %dma_wait3A_25 = tpu.memref_slice %arg6[%add3A_20, %dma_wait3A] : memref<160x128xi32, #tpu.memory_space<vmem>> -> memref<1x128xi32, #tpu.memory_space<vmem>>
        %dma_wait3A_26 = tpu.memref_squeeze %dma_wait3A_25 : memref<1x128xi32, #tpu.memory_space<vmem>> -> memref<128xi32, #tpu.memory_space<vmem>>
        %dma_wait3A_27 = arith.constant 0 : i32
        %dma_wait3A_28 = tpu.memref_slice %arg8[%dma_wait3A_27] : memref<20480xf32, #tpu.memory_space<vmem_shared>> -> memref<20480xf32, #tpu.memory_space<vmem_shared>>
        tpu.wait_indirect_dma semaphore(%run_scoped3A : memref<!tpu.dma_semaphore, #tpu.memory_space<semaphore_mem>>) src(%arg7 : memref<128xf32, #tpu.memory_space<vmem>>) dst(%dma_wait3A_28 : memref<20480xf32, #tpu.memory_space<vmem_shared>>)
        tpu.yield
      }) : () -> ()
    }
    %scan3A_10 = arith.constant 160 : i32
    %barrier3A_11 = arith.constant 0 : index
    tpu.barrier barrier_id(%barrier3A_11)
    %mul3A_12 = arith.constant 1280 : i32
    %mul3A_13 = arith.muli %arg1, %mul3A_12 : i32
    %mul3A_14 = arith.constant 1280 : i32
    %mul3A_15 = arith.muli %arg1, %mul3A_14 : i32
    "tpu.region"() ({
      %run_scoped3A = tpu.sem_alloc : memref<!tpu.dma_semaphore, #tpu.memory_space<semaphore_mem>>
      %dma_start3A = arith.constant 0 : i32
      %dma_start3A_16 = tpu.memref_slice %arg5[%arg0, %dma_start3A] : memref<2x20480xf32, #tpu.memory_space<hbm>> -> memref<1x20480xf32, #tpu.memory_space<hbm>>
      %dma_start3A_17 = tpu.memref_squeeze %dma_start3A_16 : memref<1x20480xf32, #tpu.memory_space<hbm>> -> memref<20480xf32, #tpu.memory_space<hbm>>
      %dma_start3A_18 = tpu.memref_slice %dma_start3A_17[%mul3A_15] : memref<20480xf32, #tpu.memory_space<hbm>> -> memref<1280xf32, #tpu.memory_space<hbm>>
      %dma_start3A_19 = tpu.memref_slice %arg8[%mul3A_13] : memref<20480xf32, #tpu.memory_space<vmem_shared>> -> memref<1280xf32, #tpu.memory_space<vmem_shared>>
      tpu.enqueue_dma source(%dma_start3A_19 : memref<1280xf32, #tpu.memory_space<vmem_shared>>) target(%dma_start3A_18 : memref<1280xf32, #tpu.memory_space<hbm>>) target_semaphore(%run_scoped3A : memref<!tpu.dma_semaphore, #tpu.memory_space<semaphore_mem>>)
      %dma_wait3A = arith.constant 0 : i32
      %dma_wait3A_20 = tpu.memref_slice %arg5[%arg0, %dma_wait3A] : memref<2x20480xf32, #tpu.memory_space<hbm>> -> memref<1x20480xf32, #tpu.memory_space<hbm>>
      %dma_wait3A_21 = tpu.memref_squeeze %dma_wait3A_20 : memref<1x20480xf32, #tpu.memory_space<hbm>> -> memref<20480xf32, #tpu.memory_space<hbm>>
      %dma_wait3A_22 = tpu.memref_slice %dma_wait3A_21[%mul3A_15] : memref<20480xf32, #tpu.memory_space<hbm>> -> memref<1280xf32, #tpu.memory_space<hbm>>
      %dma_wait3A_23 = tpu.memref_slice %arg8[%mul3A_13] : memref<20480xf32, #tpu.memory_space<vmem_shared>> -> memref<1280xf32, #tpu.memory_space<vmem_shared>>
      tpu.wait_dma2 semaphore(%run_scoped3A : memref<!tpu.dma_semaphore, #tpu.memory_space<semaphore_mem>>) src(%dma_wait3A_23 : memref<1280xf32, #tpu.memory_space<vmem_shared>>) dst(%dma_wait3A_22 : memref<1280xf32, #tpu.memory_space<hbm>>)
      tpu.yield
    }) : () -> ()
    return
  }
}

#map = affine_map<(d0, d1) -> (0, 0)>
module attributes {stable_mosaic.version = 14 : i64} {
  func.func @_sc_scatter(%arg0: i32, %arg1: i32, %arg2: memref<20224x128xf32, #tpu.memory_space<hbm>>, %arg3: memref<2560x128xi32, #tpu.memory_space<hbm>>, %arg4: memref<2560x128xi32, #tpu.memory_space<hbm>>, %arg5: memref<632x128xf32, #tpu.memory_space<hbm>>, %arg6: memref<20224x128xf32, #tpu.memory_space<hbm>>, %arg7: memref<80x128xi32, #tpu.memory_space<vmem>>, %arg8: memref<8x128xi32, #tpu.memory_space<vmem>>, %arg9: memref<128x128xf32, #tpu.memory_space<vmem>>, %arg10: memref<128x128xf32, #tpu.memory_space<vmem>>, %arg11: memref<10112x128xf32, #tpu.memory_space<vmem_shared>>, %arg12: memref<!tpu.dma_semaphore, #tpu.memory_space<semaphore_mem>>, %arg13: memref<!tpu.dma_semaphore, #tpu.memory_space<semaphore_mem>>, %arg14: memref<!tpu.dma_semaphore, #tpu.memory_space<semaphore_mem>>, %arg15: memref<!tpu.dma_semaphore, #tpu.memory_space<semaphore_mem>>) attributes {dimension_semantics = [#tpu.dimension_semantics<core_parallel>, #tpu.dimension_semantics<subcore_parallel>], iteration_bounds = array<i64: 2, 16>, scalar_prefetch = 0 : i64, scratch_operands = 9 : i64, tpu.core_type = #tpu.core_type<sc_vector_subcore>, window_params = [{transform_indices = #map}, {transform_indices = #map}, {transform_indices = #map}, {transform_indices = #map}, {transform_indices = #map}]} {
    %mul3A = arith.constant 1280 : i32
    %mul3A_0 = arith.muli %arg0, %mul3A : i32
    %mul3A_1 = arith.constant 80 : i32
    %mul3A_2 = arith.muli %arg1, %mul3A_1 : i32
    %add3A = arith.addi %mul3A_0, %mul3A_2 : i32
    "tpu.region"() ({
      %run_scoped3A = tpu.sem_alloc : memref<!tpu.dma_semaphore, #tpu.memory_space<semaphore_mem>>
      %dma_start3A_40 = arith.constant 0 : i32
      %dma_start3A_41 = tpu.memref_slice %arg3[%add3A, %dma_start3A_40] : memref<2560x128xi32, #tpu.memory_space<hbm>> -> memref<80x128xi32, #tpu.memory_space<hbm>>
      %dma_start3A_42 = arith.constant 0 : i32
      %dma_start3A_43 = tpu.memref_slice %arg3[%add3A, %dma_start3A_42] : memref<2560x128xi32, #tpu.memory_space<hbm>> -> memref<80x128xi32, #tpu.memory_space<hbm>>
      tpu.enqueue_dma source(%dma_start3A_43 : memref<80x128xi32, #tpu.memory_space<hbm>>) target(%arg7 : memref<80x128xi32, #tpu.memory_space<vmem>>) target_semaphore(%run_scoped3A : memref<!tpu.dma_semaphore, #tpu.memory_space<semaphore_mem>>)
      %dma_wait3A = arith.constant 0 : i32
      %dma_wait3A_44 = tpu.memref_slice %arg3[%add3A, %dma_wait3A] : memref<2560x128xi32, #tpu.memory_space<hbm>> -> memref<80x128xi32, #tpu.memory_space<hbm>>
      %dma_wait3A_45 = arith.constant 0 : i32
      %dma_wait3A_46 = tpu.memref_slice %arg3[%add3A, %dma_wait3A_45] : memref<2560x128xi32, #tpu.memory_space<hbm>> -> memref<80x128xi32, #tpu.memory_space<hbm>>
      tpu.wait_dma2 semaphore(%run_scoped3A : memref<!tpu.dma_semaphore, #tpu.memory_space<semaphore_mem>>) src(%dma_wait3A_46 : memref<80x128xi32, #tpu.memory_space<hbm>>) dst(%arg7 : memref<80x128xi32, #tpu.memory_space<vmem>>)
      tpu.yield
    }) : () -> ()
    %mul3A_3 = arith.constant 632 : i32
    %mul3A_4 = arith.muli %arg1, %mul3A_3 : i32
    "tpu.region"() ({
      %run_scoped3A = tpu.sem_alloc : memref<!tpu.dma_semaphore, #tpu.memory_space<semaphore_mem>>
      %dma_start3A_40 = arith.constant 0 : i32
      %dma_start3A_41 = tpu.memref_slice %arg11[%mul3A_4, %dma_start3A_40] : memref<10112x128xf32, #tpu.memory_space<vmem_shared>> -> memref<632x128xf32, #tpu.memory_space<vmem_shared>>
      %dma_start3A_42 = arith.constant 0 : i32
      %dma_start3A_43 = arith.constant 0 : i32
      %dma_start3A_44 = tpu.memref_slice %arg5[%dma_start3A_42, %dma_start3A_43] : memref<632x128xf32, #tpu.memory_space<hbm>> -> memref<632x128xf32, #tpu.memory_space<hbm>>
      tpu.enqueue_dma source(%dma_start3A_44 : memref<632x128xf32, #tpu.memory_space<hbm>>) target(%dma_start3A_41 : memref<632x128xf32, #tpu.memory_space<vmem_shared>>) target_semaphore(%run_scoped3A : memref<!tpu.dma_semaphore, #tpu.memory_space<semaphore_mem>>)
      %dma_wait3A = arith.constant 0 : i32
      %dma_wait3A_45 = tpu.memref_slice %arg11[%mul3A_4, %dma_wait3A] : memref<10112x128xf32, #tpu.memory_space<vmem_shared>> -> memref<632x128xf32, #tpu.memory_space<vmem_shared>>
      %dma_wait3A_46 = arith.constant 0 : i32
      %dma_wait3A_47 = arith.constant 0 : i32
      %dma_wait3A_48 = tpu.memref_slice %arg5[%dma_wait3A_46, %dma_wait3A_47] : memref<632x128xf32, #tpu.memory_space<hbm>> -> memref<632x128xf32, #tpu.memory_space<hbm>>
      tpu.wait_dma2 semaphore(%run_scoped3A : memref<!tpu.dma_semaphore, #tpu.memory_space<semaphore_mem>>) src(%dma_wait3A_48 : memref<632x128xf32, #tpu.memory_space<hbm>>) dst(%dma_wait3A_45 : memref<632x128xf32, #tpu.memory_space<vmem_shared>>)
      tpu.yield
    }) : () -> ()
    %barrier3A = arith.constant 0 : index
    tpu.barrier barrier_id(%barrier3A)
    %dma_start3A = arith.constant 0 : i32
    %dma_start3A_5 = arith.constant 0 : i32
    %dma_start3A_6 = arith.constant 0 : i32
    %dma_start3A_7 = tpu.memref_slice %arg9[%dma_start3A_5, %dma_start3A_6] : memref<128x128xf32, #tpu.memory_space<vmem>> -> memref<64x128xf32, #tpu.memory_space<vmem>>
    %dma_start3A_8 = arith.constant 0 : i32
    %dma_start3A_9 = tpu.memref_slice %arg7[%dma_start3A, %dma_start3A_8] : memref<80x128xi32, #tpu.memory_space<vmem>> -> memref<1x128xi32, #tpu.memory_space<vmem>>
    %dma_start3A_10 = tpu.memref_squeeze %dma_start3A_9 : memref<1x128xi32, #tpu.memory_space<vmem>> -> memref<128xi32, #tpu.memory_space<vmem>>
    %dma_start3A_11 = arith.constant 0 : i32
    %dma_start3A_12 = tpu.memref_slice %dma_start3A_10[%dma_start3A_11] : memref<128xi32, #tpu.memory_space<vmem>> -> memref<64xi32, #tpu.memory_space<vmem>>
    %dma_start3A_13 = arith.constant 0 : i32
    %dma_start3A_14 = arith.constant 0 : i32
    %dma_start3A_15 = tpu.memref_slice %arg2[%dma_start3A_13, %dma_start3A_14] : memref<20224x128xf32, #tpu.memory_space<hbm>> -> memref<20224x128xf32, #tpu.memory_space<hbm>>
    tpu.enqueue_indirect_dma source(%dma_start3A_15 : memref<20224x128xf32, #tpu.memory_space<hbm>>) target(%dma_start3A_7 : memref<64x128xf32, #tpu.memory_space<vmem>>) offsets(%dma_start3A_12 : memref<64xi32, #tpu.memory_space<vmem>>) semaphore(%arg12 : memref<!tpu.dma_semaphore, #tpu.memory_space<semaphore_mem>>)
    %dma_start3A_16 = arith.constant 0 : i32
    %dma_start3A_17 = arith.constant 64 : i32
    %dma_start3A_18 = arith.constant 0 : i32
    %dma_start3A_19 = tpu.memref_slice %arg9[%dma_start3A_17, %dma_start3A_18] : memref<128x128xf32, #tpu.memory_space<vmem>> -> memref<64x128xf32, #tpu.memory_space<vmem>>
    %dma_start3A_20 = arith.constant 0 : i32
    %dma_start3A_21 = tpu.memref_slice %arg7[%dma_start3A_16, %dma_start3A_20] : memref<80x128xi32, #tpu.memory_space<vmem>> -> memref<1x128xi32, #tpu.memory_space<vmem>>
    %dma_start3A_22 = tpu.memref_squeeze %dma_start3A_21 : memref<1x128xi32, #tpu.memory_space<vmem>> -> memref<128xi32, #tpu.memory_space<vmem>>
    %dma_start3A_23 = arith.constant 64 : i32
    %dma_start3A_24 = tpu.memref_slice %dma_start3A_22[%dma_start3A_23] : memref<128xi32, #tpu.memory_space<vmem>> -> memref<64xi32, #tpu.memory_space<vmem>>
    %dma_start3A_25 = arith.constant 0 : i32
    %dma_start3A_26 = arith.constant 0 : i32
    %dma_start3A_27 = tpu.memref_slice %arg2[%dma_start3A_25, %dma_start3A_26] : memref<20224x128xf32, #tpu.memory_space<hbm>> -> memref<20224x128xf32, #tpu.memory_space<hbm>>
    tpu.enqueue_indirect_dma source(%dma_start3A_27 : memref<20224x128xf32, #tpu.memory_space<hbm>>) target(%dma_start3A_19 : memref<64x128xf32, #tpu.memory_space<vmem>>) offsets(%dma_start3A_24 : memref<64xi32, #tpu.memory_space<vmem>>) semaphore(%arg12 : memref<!tpu.dma_semaphore, #tpu.memory_space<semaphore_mem>>)
    %scan3A = arith.constant 0 : i32
    %scan3A_28 = arith.constant 10 : i32
    %scan3A_29 = arith.addi %scan3A, %scan3A_28 : i32
    %scan3A_30 = arith.constant 1 : i32
    scf.for %scan3A_40 = %scan3A to %scan3A_29 step %scan3A_30  : i32 {
      %mul3A_41 = arith.constant 8 : i32
      %mul3A_42 = arith.muli %scan3A_40, %mul3A_41 : i32
      %add3A_43 = arith.constant 0 : i32
      %add3A_44 = arith.addi %add3A_43, %mul3A_42 : i32
      %add3A_45 = arith.addi %add3A, %add3A_44 : i32
      "tpu.region"() ({
        %run_scoped3A = tpu.sem_alloc : memref<!tpu.dma_semaphore, #tpu.memory_space<semaphore_mem>>
        %dma_start3A_382 = arith.constant 0 : i32
        %dma_start3A_383 = tpu.memref_slice %arg4[%add3A_45, %dma_start3A_382] : memref<2560x128xi32, #tpu.memory_space<hbm>> -> memref<8x128xi32, #tpu.memory_space<hbm>>
        %dma_start3A_384 = arith.constant 0 : i32
        %dma_start3A_385 = tpu.memref_slice %arg4[%add3A_45, %dma_start3A_384] : memref<2560x128xi32, #tpu.memory_space<hbm>> -> memref<8x128xi32, #tpu.memory_space<hbm>>
        tpu.enqueue_dma source(%dma_start3A_385 : memref<8x128xi32, #tpu.memory_space<hbm>>) target(%arg8 : memref<8x128xi32, #tpu.memory_space<vmem>>) target_semaphore(%run_scoped3A : memref<!tpu.dma_semaphore, #tpu.memory_space<semaphore_mem>>)
        %dma_wait3A_386 = arith.constant 0 : i32
        %dma_wait3A_387 = tpu.memref_slice %arg4[%add3A_45, %dma_wait3A_386] : memref<2560x128xi32, #tpu.memory_space<hbm>> -> memref<8x128xi32, #tpu.memory_space<hbm>>
        %dma_wait3A_388 = arith.constant 0 : i32
        %dma_wait3A_389 = tpu.memref_slice %arg4[%add3A_45, %dma_wait3A_388] : memref<2560x128xi32, #tpu.memory_space<hbm>> -> memref<8x128xi32, #tpu.memory_space<hbm>>
        tpu.wait_dma2 semaphore(%run_scoped3A : memref<!tpu.dma_semaphore, #tpu.memory_space<semaphore_mem>>) src(%dma_wait3A_389 : memref<8x128xi32, #tpu.memory_space<hbm>>) dst(%arg8 : memref<8x128xi32, #tpu.memory_space<vmem>>)
        tpu.yield
      }) : () -> ()
      %add3A_46 = arith.constant 0 : i32
      %add3A_47 = arith.addi %add3A_44, %add3A_46 : i32
      %dma_wait3A = arith.constant 0 : i32
      %dma_wait3A_48 = arith.constant 0 : i32
      %dma_wait3A_49 = tpu.memref_slice %arg9[%dma_wait3A, %dma_wait3A_48] : memref<128x128xf32, #tpu.memory_space<vmem>> -> memref<64x128xf32, #tpu.memory_space<vmem>>
      %dma_wait3A_50 = arith.constant 0 : i32
      %dma_wait3A_51 = tpu.memref_slice %arg7[%add3A_47, %dma_wait3A_50] : memref<80x128xi32, #tpu.memory_space<vmem>> -> memref<1x128xi32, #tpu.memory_space<vmem>>
      %dma_wait3A_52 = tpu.memref_squeeze %dma_wait3A_51 : memref<1x128xi32, #tpu.memory_space<vmem>> -> memref<128xi32, #tpu.memory_space<vmem>>
      %dma_wait3A_53 = arith.constant 0 : i32
      %dma_wait3A_54 = tpu.memref_slice %dma_wait3A_52[%dma_wait3A_53] : memref<128xi32, #tpu.memory_space<vmem>> -> memref<64xi32, #tpu.memory_space<vmem>>
      %dma_wait3A_55 = arith.constant 0 : i32
      %dma_wait3A_56 = arith.constant 0 : i32
      %dma_wait3A_57 = tpu.memref_slice %arg2[%dma_wait3A_55, %dma_wait3A_56] : memref<20224x128xf32, #tpu.memory_space<hbm>> -> memref<20224x128xf32, #tpu.memory_space<hbm>>
      tpu.wait_indirect_dma semaphore(%arg12 : memref<!tpu.dma_semaphore, #tpu.memory_space<semaphore_mem>>) src(%dma_wait3A_57 : memref<20224x128xf32, #tpu.memory_space<hbm>>) dst(%dma_wait3A_49 : memref<64x128xf32, #tpu.memory_space<vmem>>)
      %dma_wait3A_58 = arith.constant 64 : i32
      %dma_wait3A_59 = arith.constant 0 : i32
      %dma_wait3A_60 = tpu.memref_slice %arg9[%dma_wait3A_58, %dma_wait3A_59] : memref<128x128xf32, #tpu.memory_space<vmem>> -> memref<64x128xf32, #tpu.memory_space<vmem>>
      %dma_wait3A_61 = arith.constant 0 : i32
      %dma_wait3A_62 = tpu.memref_slice %arg7[%add3A_47, %dma_wait3A_61] : memref<80x128xi32, #tpu.memory_space<vmem>> -> memref<1x128xi32, #tpu.memory_space<vmem>>
      %dma_wait3A_63 = tpu.memref_squeeze %dma_wait3A_62 : memref<1x128xi32, #tpu.memory_space<vmem>> -> memref<128xi32, #tpu.memory_space<vmem>>
      %dma_wait3A_64 = arith.constant 64 : i32
      %dma_wait3A_65 = tpu.memref_slice %dma_wait3A_63[%dma_wait3A_64] : memref<128xi32, #tpu.memory_space<vmem>> -> memref<64xi32, #tpu.memory_space<vmem>>
      %dma_wait3A_66 = arith.constant 0 : i32
      %dma_wait3A_67 = arith.constant 0 : i32
      %dma_wait3A_68 = tpu.memref_slice %arg2[%dma_wait3A_66, %dma_wait3A_67] : memref<20224x128xf32, #tpu.memory_space<hbm>> -> memref<20224x128xf32, #tpu.memory_space<hbm>>
      tpu.wait_indirect_dma semaphore(%arg12 : memref<!tpu.dma_semaphore, #tpu.memory_space<semaphore_mem>>) src(%dma_wait3A_68 : memref<20224x128xf32, #tpu.memory_space<hbm>>) dst(%dma_wait3A_60 : memref<64x128xf32, #tpu.memory_space<vmem>>)
      %add3A_69 = arith.constant 0 : i32
      %add3A_70 = arith.addi %add3A_44, %add3A_69 : i32
      %add3A_71 = arith.constant 1 : i32
      %add3A_72 = arith.addi %add3A_70, %add3A_71 : i32
      %dma_start3A_73 = arith.constant 0 : i32
      %dma_start3A_74 = arith.constant 0 : i32
      %dma_start3A_75 = tpu.memref_slice %arg10[%dma_start3A_73, %dma_start3A_74] : memref<128x128xf32, #tpu.memory_space<vmem>> -> memref<64x128xf32, #tpu.memory_space<vmem>>
      %dma_start3A_76 = arith.constant 0 : i32
      %dma_start3A_77 = tpu.memref_slice %arg7[%add3A_72, %dma_start3A_76] : memref<80x128xi32, #tpu.memory_space<vmem>> -> memref<1x128xi32, #tpu.memory_space<vmem>>
      %dma_start3A_78 = tpu.memref_squeeze %dma_start3A_77 : memref<1x128xi32, #tpu.memory_space<vmem>> -> memref<128xi32, #tpu.memory_space<vmem>>
      %dma_start3A_79 = arith.constant 0 : i32
      %dma_start3A_80 = tpu.memref_slice %dma_start3A_78[%dma_start3A_79] : memref<128xi32, #tpu.memory_space<vmem>> -> memref<64xi32, #tpu.memory_space<vmem>>
      %dma_start3A_81 = arith.constant 0 : i32
      %dma_start3A_82 = arith.constant 0 : i32
      %dma_start3A_83 = tpu.memref_slice %arg2[%dma_start3A_81, %dma_start3A_82] : memref<20224x128xf32, #tpu.memory_space<hbm>> -> memref<20224x128xf32, #tpu.memory_space<hbm>>
      tpu.enqueue_indirect_dma source(%dma_start3A_83 : memref<20224x128xf32, #tpu.memory_space<hbm>>) target(%dma_start3A_75 : memref<64x128xf32, #tpu.memory_space<vmem>>) offsets(%dma_start3A_80 : memref<64xi32, #tpu.memory_space<vmem>>) semaphore(%arg13 : memref<!tpu.dma_semaphore, #tpu.memory_space<semaphore_mem>>)
      %dma_start3A_84 = arith.constant 64 : i32
      %dma_start3A_85 = arith.constant 0 : i32
      %dma_start3A_86 = tpu.memref_slice %arg10[%dma_start3A_84, %dma_start3A_85] : memref<128x128xf32, #tpu.memory_space<vmem>> -> memref<64x128xf32, #tpu.memory_space<vmem>>
      %dma_start3A_87 = arith.constant 0 : i32
      %dma_start3A_88 = tpu.memref_slice %arg7[%add3A_72, %dma_start3A_87] : memref<80x128xi32, #tpu.memory_space<vmem>> -> memref<1x128xi32, #tpu.memory_space<vmem>>
      %dma_start3A_89 = tpu.memref_squeeze %dma_start3A_88 : memref<1x128xi32, #tpu.memory_space<vmem>> -> memref<128xi32, #tpu.memory_space<vmem>>
      %dma_start3A_90 = arith.constant 64 : i32
      %dma_start3A_91 = tpu.memref_slice %dma_start3A_89[%dma_start3A_90] : memref<128xi32, #tpu.memory_space<vmem>> -> memref<64xi32, #tpu.memory_space<vmem>>
      %dma_start3A_92 = arith.constant 0 : i32
      %dma_start3A_93 = arith.constant 0 : i32
      %dma_start3A_94 = tpu.memref_slice %arg2[%dma_start3A_92, %dma_start3A_93] : memref<20224x128xf32, #tpu.memory_space<hbm>> -> memref<20224x128xf32, #tpu.memory_space<hbm>>
      tpu.enqueue_indirect_dma source(%dma_start3A_94 : memref<20224x128xf32, #tpu.memory_space<hbm>>) target(%dma_start3A_86 : memref<64x128xf32, #tpu.memory_space<vmem>>) offsets(%dma_start3A_91 : memref<64xi32, #tpu.memory_space<vmem>>) semaphore(%arg13 : memref<!tpu.dma_semaphore, #tpu.memory_space<semaphore_mem>>)
      %add3A_95 = arith.constant 0 : i32
      %add3A_96 = arith.addi %add3A_44, %add3A_95 : i32
      %add3A_97 = arith.constant 1 : i32
      %add3A_98 = arith.addi %add3A_96, %add3A_97 : i32
      %dma_wait3A_99 = arith.constant 0 : i32
      %dma_wait3A_100 = arith.constant 0 : i32
      %dma_wait3A_101 = tpu.memref_slice %arg10[%dma_wait3A_99, %dma_wait3A_100] : memref<128x128xf32, #tpu.memory_space<vmem>> -> memref<64x128xf32, #tpu.memory_space<vmem>>
      %dma_wait3A_102 = arith.constant 0 : i32
      %dma_wait3A_103 = tpu.memref_slice %arg7[%add3A_98, %dma_wait3A_102] : memref<80x128xi32, #tpu.memory_space<vmem>> -> memref<1x128xi32, #tpu.memory_space<vmem>>
      %dma_wait3A_104 = tpu.memref_squeeze %dma_wait3A_103 : memref<1x128xi32, #tpu.memory_space<vmem>> -> memref<128xi32, #tpu.memory_space<vmem>>
      %dma_wait3A_105 = arith.constant 0 : i32
      %dma_wait3A_106 = tpu.memref_slice %dma_wait3A_104[%dma_wait3A_105] : memref<128xi32, #tpu.memory_space<vmem>> -> memref<64xi32, #tpu.memory_space<vmem>>
      %dma_wait3A_107 = arith.constant 0 : i32
      %dma_wait3A_108 = arith.constant 0 : i32
      %dma_wait3A_109 = tpu.memref_slice %arg2[%dma_wait3A_107, %dma_wait3A_108] : memref<20224x128xf32, #tpu.memory_space<hbm>> -> memref<20224x128xf32, #tpu.memory_space<hbm>>
      tpu.wait_indirect_dma semaphore(%arg13 : memref<!tpu.dma_semaphore, #tpu.memory_space<semaphore_mem>>) src(%dma_wait3A_109 : memref<20224x128xf32, #tpu.memory_space<hbm>>) dst(%dma_wait3A_101 : memref<64x128xf32, #tpu.memory_space<vmem>>)
      %dma_wait3A_110 = arith.constant 64 : i32
      %dma_wait3A_111 = arith.constant 0 : i32
      %dma_wait3A_112 = tpu.memref_slice %arg10[%dma_wait3A_110, %dma_wait3A_111] : memref<128x128xf32, #tpu.memory_space<vmem>> -> memref<64x128xf32, #tpu.memory_space<vmem>>
      %dma_wait3A_113 = arith.constant 0 : i32
      %dma_wait3A_114 = tpu.memref_slice %arg7[%add3A_98, %dma_wait3A_113] : memref<80x128xi32, #tpu.memory_space<vmem>> -> memref<1x128xi32, #tpu.memory_space<vmem>>
      %dma_wait3A_115 = tpu.memref_squeeze %dma_wait3A_114 : memref<1x128xi32, #tpu.memory_space<vmem>> -> memref<128xi32, #tpu.memory_space<vmem>>
      %dma_wait3A_116 = arith.constant 64 : i32
      %dma_wait3A_117 = tpu.memref_slice %dma_wait3A_115[%dma_wait3A_116] : memref<128xi32, #tpu.memory_space<vmem>> -> memref<64xi32, #tpu.memory_space<vmem>>
      %dma_wait3A_118 = arith.constant 0 : i32
      %dma_wait3A_119 = arith.constant 0 : i32
      %dma_wait3A_120 = tpu.memref_slice %arg2[%dma_wait3A_118, %dma_wait3A_119] : memref<20224x128xf32, #tpu.memory_space<hbm>> -> memref<20224x128xf32, #tpu.memory_space<hbm>>
      tpu.wait_indirect_dma semaphore(%arg13 : memref<!tpu.dma_semaphore, #tpu.memory_space<semaphore_mem>>) src(%dma_wait3A_120 : memref<20224x128xf32, #tpu.memory_space<hbm>>) dst(%dma_wait3A_112 : memref<64x128xf32, #tpu.memory_space<vmem>>)
      %add3A_121 = arith.constant 0 : i32
      %add3A_122 = arith.addi %add3A_44, %add3A_121 : i32
      %add3A_123 = arith.constant 2 : i32
      %add3A_124 = arith.addi %add3A_122, %add3A_123 : i32
      %lt3A = arith.constant 80 : i32
      %lt3A_125 = arith.cmpi slt, %add3A_124, %lt3A : i32
      %convert_element_type3A = arith.extui %lt3A_125 : i1 to i32
      %cond3A = arith.constant 0 : i32
      %cond3A_126 = arith.cmpi ne, %convert_element_type3A, %cond3A : i32
      scf.if %cond3A_126 {
        %add3A_382 = arith.constant 0 : i32
        %add3A_383 = arith.addi %add3A_44, %add3A_382 : i32
        %add3A_384 = arith.constant 2 : i32
        %add3A_385 = arith.addi %add3A_383, %add3A_384 : i32
        %dma_start3A_386 = arith.constant 0 : i32
        %dma_start3A_387 = arith.constant 0 : i32
        %dma_start3A_388 = tpu.memref_slice %arg9[%dma_start3A_386, %dma_start3A_387] : memref<128x128xf32, #tpu.memory_space<vmem>> -> memref<64x128xf32, #tpu.memory_space<vmem>>
        %dma_start3A_389 = arith.constant 0 : i32
        %dma_start3A_390 = tpu.memref_slice %arg7[%add3A_385, %dma_start3A_389] : memref<80x128xi32, #tpu.memory_space<vmem>> -> memref<1x128xi32, #tpu.memory_space<vmem>>
        %dma_start3A_391 = tpu.memref_squeeze %dma_start3A_390 : memref<1x128xi32, #tpu.memory_space<vmem>> -> memref<128xi32, #tpu.memory_space<vmem>>
        %dma_start3A_392 = arith.constant 0 : i32
        %dma_start3A_393 = tpu.memref_slice %dma_start3A_391[%dma_start3A_392] : memref<128xi32, #tpu.memory_space<vmem>> -> memref<64xi32, #tpu.memory_space<vmem>>
        %dma_start3A_394 = arith.constant 0 : i32
        %dma_start3A_395 = arith.constant 0 : i32
        %dma_start3A_396 = tpu.memref_slice %arg2[%dma_start3A_394, %dma_start3A_395] : memref<20224x128xf32, #tpu.memory_space<hbm>> -> memref<20224x128xf32, #tpu.memory_space<hbm>>
        tpu.enqueue_indirect_dma source(%dma_start3A_396 : memref<20224x128xf32, #tpu.memory_space<hbm>>) target(%dma_start3A_388 : memref<64x128xf32, #tpu.memory_space<vmem>>) offsets(%dma_start3A_393 : memref<64xi32, #tpu.memory_space<vmem>>) semaphore(%arg12 : memref<!tpu.dma_semaphore, #tpu.memory_space<semaphore_mem>>)
        %dma_start3A_397 = arith.constant 64 : i32
        %dma_start3A_398 = arith.constant 0 : i32
        %dma_start3A_399 = tpu.memref_slice %arg9[%dma_start3A_397, %dma_start3A_398] : memref<128x128xf32, #tpu.memory_space<vmem>> -> memref<64x128xf32, #tpu.memory_space<vmem>>
        %dma_start3A_400 = arith.constant 0 : i32
        %dma_start3A_401 = tpu.memref_slice %arg7[%add3A_385, %dma_start3A_400] : memref<80x128xi32, #tpu.memory_space<vmem>> -> memref<1x128xi32, #tpu.memory_space<vmem>>
        %dma_start3A_402 = tpu.memref_squeeze %dma_start3A_401 : memref<1x128xi32, #tpu.memory_space<vmem>> -> memref<128xi32, #tpu.memory_space<vmem>>
        %dma_start3A_403 = arith.constant 64 : i32
        %dma_start3A_404 = tpu.memref_slice %dma_start3A_402[%dma_start3A_403] : memref<128xi32, #tpu.memory_space<vmem>> -> memref<64xi32, #tpu.memory_space<vmem>>
        %dma_start3A_405 = arith.constant 0 : i32
        %dma_start3A_406 = arith.constant 0 : i32
        %dma_start3A_407 = tpu.memref_slice %arg2[%dma_start3A_405, %dma_start3A_406] : memref<20224x128xf32, #tpu.memory_space<hbm>> -> memref<20224x128xf32, #tpu.memory_space<hbm>>
        tpu.enqueue_indirect_dma source(%dma_start3A_407 : memref<20224x128xf32, #tpu.memory_space<hbm>>) target(%dma_start3A_399 : memref<64x128xf32, #tpu.memory_space<vmem>>) offsets(%dma_start3A_404 : memref<64xi32, #tpu.memory_space<vmem>>) semaphore(%arg12 : memref<!tpu.dma_semaphore, #tpu.memory_space<semaphore_mem>>)
      } else {
      }
      %add3A_127 = arith.constant 2 : i32
      %add3A_128 = arith.addi %add3A_44, %add3A_127 : i32
      %dma_wait3A_129 = arith.constant 0 : i32
      %dma_wait3A_130 = arith.constant 0 : i32
      %dma_wait3A_131 = tpu.memref_slice %arg9[%dma_wait3A_129, %dma_wait3A_130] : memref<128x128xf32, #tpu.memory_space<vmem>> -> memref<64x128xf32, #tpu.memory_space<vmem>>
      %dma_wait3A_132 = arith.constant 0 : i32
      %dma_wait3A_133 = tpu.memref_slice %arg7[%add3A_128, %dma_wait3A_132] : memref<80x128xi32, #tpu.memory_space<vmem>> -> memref<1x128xi32, #tpu.memory_space<vmem>>
      %dma_wait3A_134 = tpu.memref_squeeze %dma_wait3A_133 : memref<1x128xi32, #tpu.memory_space<vmem>> -> memref<128xi32, #tpu.memory_space<vmem>>
      %dma_wait3A_135 = arith.constant 0 : i32
      %dma_wait3A_136 = tpu.memref_slice %dma_wait3A_134[%dma_wait3A_135] : memref<128xi32, #tpu.memory_space<vmem>> -> memref<64xi32, #tpu.memory_space<vmem>>
      %dma_wait3A_137 = arith.constant 0 : i32
      %dma_wait3A_138 = arith.constant 0 : i32
      %dma_wait3A_139 = tpu.memref_slice %arg2[%dma_wait3A_137, %dma_wait3A_138] : memref<20224x128xf32, #tpu.memory_space<hbm>> -> memref<20224x128xf32, #tpu.memory_space<hbm>>
      tpu.wait_indirect_dma semaphore(%arg12 : memref<!tpu.dma_semaphore, #tpu.memory_space<semaphore_mem>>) src(%dma_wait3A_139 : memref<20224x128xf32, #tpu.memory_space<hbm>>) dst(%dma_wait3A_131 : memref<64x128xf32, #tpu.memory_space<vmem>>)
      %dma_wait3A_140 = arith.constant 64 : i32
      %dma_wait3A_141 = arith.constant 0 : i32
      %dma_wait3A_142 = tpu.memref_slice %arg9[%dma_wait3A_140, %dma_wait3A_141] : memref<128x128xf32, #tpu.memory_space<vmem>> -> memref<64x128xf32, #tpu.memory_space<vmem>>
      %dma_wait3A_143 = arith.constant 0 : i32
      %dma_wait3A_144 = tpu.memref_slice %arg7[%add3A_128, %dma_wait3A_143] : memref<80x128xi32, #tpu.memory_space<vmem>> -> memref<1x128xi32, #tpu.memory_space<vmem>>
      %dma_wait3A_145 = tpu.memref_squeeze %dma_wait3A_144 : memref<1x128xi32, #tpu.memory_space<vmem>> -> memref<128xi32, #tpu.memory_space<vmem>>
      %dma_wait3A_146 = arith.constant 64 : i32
      %dma_wait3A_147 = tpu.memref_slice %dma_wait3A_145[%dma_wait3A_146] : memref<128xi32, #tpu.memory_space<vmem>> -> memref<64xi32, #tpu.memory_space<vmem>>
      %dma_wait3A_148 = arith.constant 0 : i32
      %dma_wait3A_149 = arith.constant 0 : i32
      %dma_wait3A_150 = tpu.memref_slice %arg2[%dma_wait3A_148, %dma_wait3A_149] : memref<20224x128xf32, #tpu.memory_space<hbm>> -> memref<20224x128xf32, #tpu.memory_space<hbm>>
      tpu.wait_indirect_dma semaphore(%arg12 : memref<!tpu.dma_semaphore, #tpu.memory_space<semaphore_mem>>) src(%dma_wait3A_150 : memref<20224x128xf32, #tpu.memory_space<hbm>>) dst(%dma_wait3A_142 : memref<64x128xf32, #tpu.memory_space<vmem>>)
      %add3A_151 = arith.constant 2 : i32
      %add3A_152 = arith.addi %add3A_44, %add3A_151 : i32
      %add3A_153 = arith.constant 1 : i32
      %add3A_154 = arith.addi %add3A_152, %add3A_153 : i32
      %dma_start3A_155 = arith.constant 0 : i32
      %dma_start3A_156 = arith.constant 0 : i32
      %dma_start3A_157 = tpu.memref_slice %arg10[%dma_start3A_155, %dma_start3A_156] : memref<128x128xf32, #tpu.memory_space<vmem>> -> memref<64x128xf32, #tpu.memory_space<vmem>>
      %dma_start3A_158 = arith.constant 0 : i32
      %dma_start3A_159 = tpu.memref_slice %arg7[%add3A_154, %dma_start3A_158] : memref<80x128xi32, #tpu.memory_space<vmem>> -> memref<1x128xi32, #tpu.memory_space<vmem>>
      %dma_start3A_160 = tpu.memref_squeeze %dma_start3A_159 : memref<1x128xi32, #tpu.memory_space<vmem>> -> memref<128xi32, #tpu.memory_space<vmem>>
      %dma_start3A_161 = arith.constant 0 : i32
      %dma_start3A_162 = tpu.memref_slice %dma_start3A_160[%dma_start3A_161] : memref<128xi32, #tpu.memory_space<vmem>> -> memref<64xi32, #tpu.memory_space<vmem>>
      %dma_start3A_163 = arith.constant 0 : i32
      %dma_start3A_164 = arith.constant 0 : i32
      %dma_start3A_165 = tpu.memref_slice %arg2[%dma_start3A_163, %dma_start3A_164] : memref<20224x128xf32, #tpu.memory_space<hbm>> -> memref<20224x128xf32, #tpu.memory_space<hbm>>
      tpu.enqueue_indirect_dma source(%dma_start3A_165 : memref<20224x128xf32, #tpu.memory_space<hbm>>) target(%dma_start3A_157 : memref<64x128xf32, #tpu.memory_space<vmem>>) offsets(%dma_start3A_162 : memref<64xi32, #tpu.memory_space<vmem>>) semaphore(%arg13 : memref<!tpu.dma_semaphore, #tpu.memory_space<semaphore_mem>>)
      %dma_start3A_166 = arith.constant 64 : i32
      %dma_start3A_167 = arith.constant 0 : i32
      %dma_start3A_168 = tpu.memref_slice %arg10[%dma_start3A_166, %dma_start3A_167] : memref<128x128xf32, #tpu.memory_space<vmem>> -> memref<64x128xf32, #tpu.memory_space<vmem>>
      %dma_start3A_169 = arith.constant 0 : i32
      %dma_start3A_170 = tpu.memref_slice %arg7[%add3A_154, %dma_start3A_169] : memref<80x128xi32, #tpu.memory_space<vmem>> -> memref<1x128xi32, #tpu.memory_space<vmem>>
      %dma_start3A_171 = tpu.memref_squeeze %dma_start3A_170 : memref<1x128xi32, #tpu.memory_space<vmem>> -> memref<128xi32, #tpu.memory_space<vmem>>
      %dma_start3A_172 = arith.constant 64 : i32
      %dma_start3A_173 = tpu.memref_slice %dma_start3A_171[%dma_start3A_172] : memref<128xi32, #tpu.memory_space<vmem>> -> memref<64xi32, #tpu.memory_space<vmem>>
      %dma_start3A_174 = arith.constant 0 : i32
      %dma_start3A_175 = arith.constant 0 : i32
      %dma_start3A_176 = tpu.memref_slice %arg2[%dma_start3A_174, %dma_start3A_175] : memref<20224x128xf32, #tpu.memory_space<hbm>> -> memref<20224x128xf32, #tpu.memory_space<hbm>>
      tpu.enqueue_indirect_dma source(%dma_start3A_176 : memref<20224x128xf32, #tpu.memory_space<hbm>>) target(%dma_start3A_168 : memref<64x128xf32, #tpu.memory_space<vmem>>) offsets(%dma_start3A_173 : memref<64xi32, #tpu.memory_space<vmem>>) semaphore(%arg13 : memref<!tpu.dma_semaphore, #tpu.memory_space<semaphore_mem>>)
      %add3A_177 = arith.constant 2 : i32
      %add3A_178 = arith.addi %add3A_44, %add3A_177 : i32
      %add3A_179 = arith.constant 1 : i32
      %add3A_180 = arith.addi %add3A_178, %add3A_179 : i32
      %dma_wait3A_181 = arith.constant 0 : i32
      %dma_wait3A_182 = arith.constant 0 : i32
      %dma_wait3A_183 = tpu.memref_slice %arg10[%dma_wait3A_181, %dma_wait3A_182] : memref<128x128xf32, #tpu.memory_space<vmem>> -> memref<64x128xf32, #tpu.memory_space<vmem>>
      %dma_wait3A_184 = arith.constant 0 : i32
      %dma_wait3A_185 = tpu.memref_slice %arg7[%add3A_180, %dma_wait3A_184] : memref<80x128xi32, #tpu.memory_space<vmem>> -> memref<1x128xi32, #tpu.memory_space<vmem>>
      %dma_wait3A_186 = tpu.memref_squeeze %dma_wait3A_185 : memref<1x128xi32, #tpu.memory_space<vmem>> -> memref<128xi32, #tpu.memory_space<vmem>>
      %dma_wait3A_187 = arith.constant 0 : i32
      %dma_wait3A_188 = tpu.memref_slice %dma_wait3A_186[%dma_wait3A_187] : memref<128xi32, #tpu.memory_space<vmem>> -> memref<64xi32, #tpu.memory_space<vmem>>
      %dma_wait3A_189 = arith.constant 0 : i32
      %dma_wait3A_190 = arith.constant 0 : i32
      %dma_wait3A_191 = tpu.memref_slice %arg2[%dma_wait3A_189, %dma_wait3A_190] : memref<20224x128xf32, #tpu.memory_space<hbm>> -> memref<20224x128xf32, #tpu.memory_space<hbm>>
      tpu.wait_indirect_dma semaphore(%arg13 : memref<!tpu.dma_semaphore, #tpu.memory_space<semaphore_mem>>) src(%dma_wait3A_191 : memref<20224x128xf32, #tpu.memory_space<hbm>>) dst(%dma_wait3A_183 : memref<64x128xf32, #tpu.memory_space<vmem>>)
      %dma_wait3A_192 = arith.constant 64 : i32
      %dma_wait3A_193 = arith.constant 0 : i32
      %dma_wait3A_194 = tpu.memref_slice %arg10[%dma_wait3A_192, %dma_wait3A_193] : memref<128x128xf32, #tpu.memory_space<vmem>> -> memref<64x128xf32, #tpu.memory_space<vmem>>
      %dma_wait3A_195 = arith.constant 0 : i32
      %dma_wait3A_196 = tpu.memref_slice %arg7[%add3A_180, %dma_wait3A_195] : memref<80x128xi32, #tpu.memory_space<vmem>> -> memref<1x128xi32, #tpu.memory_space<vmem>>
      %dma_wait3A_197 = tpu.memref_squeeze %dma_wait3A_196 : memref<1x128xi32, #tpu.memory_space<vmem>> -> memref<128xi32, #tpu.memory_space<vmem>>
      %dma_wait3A_198 = arith.constant 64 : i32
      %dma_wait3A_199 = tpu.memref_slice %dma_wait3A_197[%dma_wait3A_198] : memref<128xi32, #tpu.memory_space<vmem>> -> memref<64xi32, #tpu.memory_space<vmem>>
      %dma_wait3A_200 = arith.constant 0 : i32
      %dma_wait3A_201 = arith.constant 0 : i32
      %dma_wait3A_202 = tpu.memref_slice %arg2[%dma_wait3A_200, %dma_wait3A_201] : memref<20224x128xf32, #tpu.memory_space<hbm>> -> memref<20224x128xf32, #tpu.memory_space<hbm>>
      tpu.wait_indirect_dma semaphore(%arg13 : memref<!tpu.dma_semaphore, #tpu.memory_space<semaphore_mem>>) src(%dma_wait3A_202 : memref<20224x128xf32, #tpu.memory_space<hbm>>) dst(%dma_wait3A_194 : memref<64x128xf32, #tpu.memory_space<vmem>>)
      %add3A_203 = arith.constant 2 : i32
      %add3A_204 = arith.addi %add3A_44, %add3A_203 : i32
      %add3A_205 = arith.constant 2 : i32
      %add3A_206 = arith.addi %add3A_204, %add3A_205 : i32
      %lt3A_207 = arith.constant 80 : i32
      %lt3A_208 = arith.cmpi slt, %add3A_206, %lt3A_207 : i32
      %convert_element_type3A_209 = arith.extui %lt3A_208 : i1 to i32
      %cond3A_210 = arith.constant 0 : i32
      %cond3A_211 = arith.cmpi ne, %convert_element_type3A_209, %cond3A_210 : i32
      scf.if %cond3A_211 {
        %add3A_382 = arith.constant 2 : i32
        %add3A_383 = arith.addi %add3A_44, %add3A_382 : i32
        %add3A_384 = arith.constant 2 : i32
        %add3A_385 = arith.addi %add3A_383, %add3A_384 : i32
        %dma_start3A_386 = arith.constant 0 : i32
        %dma_start3A_387 = arith.constant 0 : i32
        %dma_start3A_388 = tpu.memref_slice %arg9[%dma_start3A_386, %dma_start3A_387] : memref<128x128xf32, #tpu.memory_space<vmem>> -> memref<64x128xf32, #tpu.memory_space<vmem>>
        %dma_start3A_389 = arith.constant 0 : i32
        %dma_start3A_390 = tpu.memref_slice %arg7[%add3A_385, %dma_start3A_389] : memref<80x128xi32, #tpu.memory_space<vmem>> -> memref<1x128xi32, #tpu.memory_space<vmem>>
        %dma_start3A_391 = tpu.memref_squeeze %dma_start3A_390 : memref<1x128xi32, #tpu.memory_space<vmem>> -> memref<128xi32, #tpu.memory_space<vmem>>
        %dma_start3A_392 = arith.constant 0 : i32
        %dma_start3A_393 = tpu.memref_slice %dma_start3A_391[%dma_start3A_392] : memref<128xi32, #tpu.memory_space<vmem>> -> memref<64xi32, #tpu.memory_space<vmem>>
        %dma_start3A_394 = arith.constant 0 : i32
        %dma_start3A_395 = arith.constant 0 : i32
        %dma_start3A_396 = tpu.memref_slice %arg2[%dma_start3A_394, %dma_start3A_395] : memref<20224x128xf32, #tpu.memory_space<hbm>> -> memref<20224x128xf32, #tpu.memory_space<hbm>>
        tpu.enqueue_indirect_dma source(%dma_start3A_396 : memref<20224x128xf32, #tpu.memory_space<hbm>>) target(%dma_start3A_388 : memref<64x128xf32, #tpu.memory_space<vmem>>) offsets(%dma_start3A_393 : memref<64xi32, #tpu.memory_space<vmem>>) semaphore(%arg12 : memref<!tpu.dma_semaphore, #tpu.memory_space<semaphore_mem>>)
        %dma_start3A_397 = arith.constant 64 : i32
        %dma_start3A_398 = arith.constant 0 : i32
        %dma_start3A_399 = tpu.memref_slice %arg9[%dma_start3A_397, %dma_start3A_398] : memref<128x128xf32, #tpu.memory_space<vmem>> -> memref<64x128xf32, #tpu.memory_space<vmem>>
        %dma_start3A_400 = arith.constant 0 : i32
        %dma_start3A_401 = tpu.memref_slice %arg7[%add3A_385, %dma_start3A_400] : memref<80x128xi32, #tpu.memory_space<vmem>> -> memref<1x128xi32, #tpu.memory_space<vmem>>
        %dma_start3A_402 = tpu.memref_squeeze %dma_start3A_401 : memref<1x128xi32, #tpu.memory_space<vmem>> -> memref<128xi32, #tpu.memory_space<vmem>>
        %dma_start3A_403 = arith.constant 64 : i32
        %dma_start3A_404 = tpu.memref_slice %dma_start3A_402[%dma_start3A_403] : memref<128xi32, #tpu.memory_space<vmem>> -> memref<64xi32, #tpu.memory_space<vmem>>
        %dma_start3A_405 = arith.constant 0 : i32
        %dma_start3A_406 = arith.constant 0 : i32
        %dma_start3A_407 = tpu.memref_slice %arg2[%dma_start3A_405, %dma_start3A_406] : memref<20224x128xf32, #tpu.memory_space<hbm>> -> memref<20224x128xf32, #tpu.memory_space<hbm>>
        tpu.enqueue_indirect_dma source(%dma_start3A_407 : memref<20224x128xf32, #tpu.memory_space<hbm>>) target(%dma_start3A_399 : memref<64x128xf32, #tpu.memory_space<vmem>>) offsets(%dma_start3A_404 : memref<64xi32, #tpu.memory_space<vmem>>) semaphore(%arg12 : memref<!tpu.dma_semaphore, #tpu.memory_space<semaphore_mem>>)
      } else {
      }
      %add3A_212 = arith.constant 4 : i32
      %add3A_213 = arith.addi %add3A_44, %add3A_212 : i32
      %dma_wait3A_214 = arith.constant 0 : i32
      %dma_wait3A_215 = arith.constant 0 : i32
      %dma_wait3A_216 = tpu.memref_slice %arg9[%dma_wait3A_214, %dma_wait3A_215] : memref<128x128xf32, #tpu.memory_space<vmem>> -> memref<64x128xf32, #tpu.memory_space<vmem>>
      %dma_wait3A_217 = arith.constant 0 : i32
      %dma_wait3A_218 = tpu.memref_slice %arg7[%add3A_213, %dma_wait3A_217] : memref<80x128xi32, #tpu.memory_space<vmem>> -> memref<1x128xi32, #tpu.memory_space<vmem>>
      %dma_wait3A_219 = tpu.memref_squeeze %dma_wait3A_218 : memref<1x128xi32, #tpu.memory_space<vmem>> -> memref<128xi32, #tpu.memory_space<vmem>>
      %dma_wait3A_220 = arith.constant 0 : i32
      %dma_wait3A_221 = tpu.memref_slice %dma_wait3A_219[%dma_wait3A_220] : memref<128xi32, #tpu.memory_space<vmem>> -> memref<64xi32, #tpu.memory_space<vmem>>
      %dma_wait3A_222 = arith.constant 0 : i32
      %dma_wait3A_223 = arith.constant 0 : i32
      %dma_wait3A_224 = tpu.memref_slice %arg2[%dma_wait3A_222, %dma_wait3A_223] : memref<20224x128xf32, #tpu.memory_space<hbm>> -> memref<20224x128xf32, #tpu.memory_space<hbm>>
      tpu.wait_indirect_dma semaphore(%arg12 : memref<!tpu.dma_semaphore, #tpu.memory_space<semaphore_mem>>) src(%dma_wait3A_224 : memref<20224x128xf32, #tpu.memory_space<hbm>>) dst(%dma_wait3A_216 : memref<64x128xf32, #tpu.memory_space<vmem>>)
      %dma_wait3A_225 = arith.constant 64 : i32
      %dma_wait3A_226 = arith.constant 0 : i32
      %dma_wait3A_227 = tpu.memref_slice %arg9[%dma_wait3A_225, %dma_wait3A_226] : memref<128x128xf32, #tpu.memory_space<vmem>> -> memref<64x128xf32, #tpu.memory_space<vmem>>
      %dma_wait3A_228 = arith.constant 0 : i32
      %dma_wait3A_229 = tpu.memref_slice %arg7[%add3A_213, %dma_wait3A_228] : memref<80x128xi32, #tpu.memory_space<vmem>> -> memref<1x128xi32, #tpu.memory_space<vmem>>
      %dma_wait3A_230 = tpu.memref_squeeze %dma_wait3A_229 : memref<1x128xi32, #tpu.memory_space<vmem>> -> memref<128xi32, #tpu.memory_space<vmem>>
      %dma_wait3A_231 = arith.constant 64 : i32
      %dma_wait3A_232 = tpu.memref_slice %dma_wait3A_230[%dma_wait3A_231] : memref<128xi32, #tpu.memory_space<vmem>> -> memref<64xi32, #tpu.memory_space<vmem>>
      %dma_wait3A_233 = arith.constant 0 : i32
      %dma_wait3A_234 = arith.constant 0 : i32
      %dma_wait3A_235 = tpu.memref_slice %arg2[%dma_wait3A_233, %dma_wait3A_234] : memref<20224x128xf32, #tpu.memory_space<hbm>> -> memref<20224x128xf32, #tpu.memory_space<hbm>>
      tpu.wait_indirect_dma semaphore(%arg12 : memref<!tpu.dma_semaphore, #tpu.memory_space<semaphore_mem>>) src(%dma_wait3A_235 : memref<20224x128xf32, #tpu.memory_space<hbm>>) dst(%dma_wait3A_227 : memref<64x128xf32, #tpu.memory_space<vmem>>)
      %add3A_236 = arith.constant 4 : i32
      %add3A_237 = arith.addi %add3A_44, %add3A_236 : i32
      %add3A_238 = arith.constant 1 : i32
      %add3A_239 = arith.addi %add3A_237, %add3A_238 : i32
      %dma_start3A_240 = arith.constant 0 : i32
      %dma_start3A_241 = arith.constant 0 : i32
      %dma_start3A_242 = tpu.memref_slice %arg10[%dma_start3A_240, %dma_start3A_241] : memref<128x128xf32, #tpu.memory_space<vmem>> -> memref<64x128xf32, #tpu.memory_space<vmem>>
      %dma_start3A_243 = arith.constant 0 : i32
      %dma_start3A_244 = tpu.memref_slice %arg7[%add3A_239, %dma_start3A_243] : memref<80x128xi32, #tpu.memory_space<vmem>> -> memref<1x128xi32, #tpu.memory_space<vmem>>
      %dma_start3A_245 = tpu.memref_squeeze %dma_start3A_244 : memref<1x128xi32, #tpu.memory_space<vmem>> -> memref<128xi32, #tpu.memory_space<vmem>>
      %dma_start3A_246 = arith.constant 0 : i32
      %dma_start3A_247 = tpu.memref_slice %dma_start3A_245[%dma_start3A_246] : memref<128xi32, #tpu.memory_space<vmem>> -> memref<64xi32, #tpu.memory_space<vmem>>
      %dma_start3A_248 = arith.constant 0 : i32
      %dma_start3A_249 = arith.constant 0 : i32
      %dma_start3A_250 = tpu.memref_slice %arg2[%dma_start3A_248, %dma_start3A_249] : memref<20224x128xf32, #tpu.memory_space<hbm>> -> memref<20224x128xf32, #tpu.memory_space<hbm>>
      tpu.enqueue_indirect_dma source(%dma_start3A_250 : memref<20224x128xf32, #tpu.memory_space<hbm>>) target(%dma_start3A_242 : memref<64x128xf32, #tpu.memory_space<vmem>>) offsets(%dma_start3A_247 : memref<64xi32, #tpu.memory_space<vmem>>) semaphore(%arg13 : memref<!tpu.dma_semaphore, #tpu.memory_space<semaphore_mem>>)
      %dma_start3A_251 = arith.constant 64 : i32
      %dma_start3A_252 = arith.constant 0 : i32
      %dma_start3A_253 = tpu.memref_slice %arg10[%dma_start3A_251, %dma_start3A_252] : memref<128x128xf32, #tpu.memory_space<vmem>> -> memref<64x128xf32, #tpu.memory_space<vmem>>
      %dma_start3A_254 = arith.constant 0 : i32
      %dma_start3A_255 = tpu.memref_slice %arg7[%add3A_239, %dma_start3A_254] : memref<80x128xi32, #tpu.memory_space<vmem>> -> memref<1x128xi32, #tpu.memory_space<vmem>>
      %dma_start3A_256 = tpu.memref_squeeze %dma_start3A_255 : memref<1x128xi32, #tpu.memory_space<vmem>> -> memref<128xi32, #tpu.memory_space<vmem>>
      %dma_start3A_257 = arith.constant 64 : i32
      %dma_start3A_258 = tpu.memref_slice %dma_start3A_256[%dma_start3A_257] : memref<128xi32, #tpu.memory_space<vmem>> -> memref<64xi32, #tpu.memory_space<vmem>>
      %dma_start3A_259 = arith.constant 0 : i32
      %dma_start3A_260 = arith.constant 0 : i32
      %dma_start3A_261 = tpu.memref_slice %arg2[%dma_start3A_259, %dma_start3A_260] : memref<20224x128xf32, #tpu.memory_space<hbm>> -> memref<20224x128xf32, #tpu.memory_space<hbm>>
      tpu.enqueue_indirect_dma source(%dma_start3A_261 : memref<20224x128xf32, #tpu.memory_space<hbm>>) target(%dma_start3A_253 : memref<64x128xf32, #tpu.memory_space<vmem>>) offsets(%dma_start3A_258 : memref<64xi32, #tpu.memory_space<vmem>>) semaphore(%arg13 : memref<!tpu.dma_semaphore, #tpu.memory_space<semaphore_mem>>)
      %add3A_262 = arith.constant 4 : i32
      %add3A_263 = arith.addi %add3A_44, %add3A_262 : i32
      %add3A_264 = arith.constant 1 : i32
      %add3A_265 = arith.addi %add3A_263, %add3A_264 : i32
      %dma_wait3A_266 = arith.constant 0 : i32
      %dma_wait3A_267 = arith.constant 0 : i32
      %dma_wait3A_268 = tpu.memref_slice %arg10[%dma_wait3A_266, %dma_wait3A_267] : memref<128x128xf32, #tpu.memory_space<vmem>> -> memref<64x128xf32, #tpu.memory_space<vmem>>
      %dma_wait3A_269 = arith.constant 0 : i32
      %dma_wait3A_270 = tpu.memref_slice %arg7[%add3A_265, %dma_wait3A_269] : memref<80x128xi32, #tpu.memory_space<vmem>> -> memref<1x128xi32, #tpu.memory_space<vmem>>
      %dma_wait3A_271 = tpu.memref_squeeze %dma_wait3A_270 : memref<1x128xi32, #tpu.memory_space<vmem>> -> memref<128xi32, #tpu.memory_space<vmem>>
      %dma_wait3A_272 = arith.constant 0 : i32
      %dma_wait3A_273 = tpu.memref_slice %dma_wait3A_271[%dma_wait3A_272] : memref<128xi32, #tpu.memory_space<vmem>> -> memref<64xi32, #tpu.memory_space<vmem>>
      %dma_wait3A_274 = arith.constant 0 : i32
      %dma_wait3A_275 = arith.constant 0 : i32
      %dma_wait3A_276 = tpu.memref_slice %arg2[%dma_wait3A_274, %dma_wait3A_275] : memref<20224x128xf32, #tpu.memory_space<hbm>> -> memref<20224x128xf32, #tpu.memory_space<hbm>>
      tpu.wait_indirect_dma semaphore(%arg13 : memref<!tpu.dma_semaphore, #tpu.memory_space<semaphore_mem>>) src(%dma_wait3A_276 : memref<20224x128xf32, #tpu.memory_space<hbm>>) dst(%dma_wait3A_268 : memref<64x128xf32, #tpu.memory_space<vmem>>)
      %dma_wait3A_277 = arith.constant 64 : i32
      %dma_wait3A_278 = arith.constant 0 : i32
      %dma_wait3A_279 = tpu.memref_slice %arg10[%dma_wait3A_277, %dma_wait3A_278] : memref<128x128xf32, #tpu.memory_space<vmem>> -> memref<64x128xf32, #tpu.memory_space<vmem>>
      %dma_wait3A_280 = arith.constant 0 : i32
      %dma_wait3A_281 = tpu.memref_slice %arg7[%add3A_265, %dma_wait3A_280] : memref<80x128xi32, #tpu.memory_space<vmem>> -> memref<1x128xi32, #tpu.memory_space<vmem>>
      %dma_wait3A_282 = tpu.memref_squeeze %dma_wait3A_281 : memref<1x128xi32, #tpu.memory_space<vmem>> -> memref<128xi32, #tpu.memory_space<vmem>>
      %dma_wait3A_283 = arith.constant 64 : i32
      %dma_wait3A_284 = tpu.memref_slice %dma_wait3A_282[%dma_wait3A_283] : memref<128xi32, #tpu.memory_space<vmem>> -> memref<64xi32, #tpu.memory_space<vmem>>
      %dma_wait3A_285 = arith.constant 0 : i32
      %dma_wait3A_286 = arith.constant 0 : i32
      %dma_wait3A_287 = tpu.memref_slice %arg2[%dma_wait3A_285, %dma_wait3A_286] : memref<20224x128xf32, #tpu.memory_space<hbm>> -> memref<20224x128xf32, #tpu.memory_space<hbm>>
      tpu.wait_indirect_dma semaphore(%arg13 : memref<!tpu.dma_semaphore, #tpu.memory_space<semaphore_mem>>) src(%dma_wait3A_287 : memref<20224x128xf32, #tpu.memory_space<hbm>>) dst(%dma_wait3A_279 : memref<64x128xf32, #tpu.memory_space<vmem>>)
      %add3A_288 = arith.constant 4 : i32
      %add3A_289 = arith.addi %add3A_44, %add3A_288 : i32
      %add3A_290 = arith.constant 2 : i32
      %add3A_291 = arith.addi %add3A_289, %add3A_290 : i32
      %lt3A_292 = arith.constant 80 : i32
      %lt3A_293 = arith.cmpi slt, %add3A_291, %lt3A_292 : i32
      %convert_element_type3A_294 = arith.extui %lt3A_293 : i1 to i32
      %cond3A_295 = arith.constant 0 : i32
      %cond3A_296 = arith.cmpi ne, %convert_element_type3A_294, %cond3A_295 : i32
      scf.if %cond3A_296 {
        %add3A_382 = arith.constant 4 : i32
        %add3A_383 = arith.addi %add3A_44, %add3A_382 : i32
        %add3A_384 = arith.constant 2 : i32
        %add3A_385 = arith.addi %add3A_383, %add3A_384 : i32
        %dma_start3A_386 = arith.constant 0 : i32
        %dma_start3A_387 = arith.constant 0 : i32
        %dma_start3A_388 = tpu.memref_slice %arg9[%dma_start3A_386, %dma_start3A_387] : memref<128x128xf32, #tpu.memory_space<vmem>> -> memref<64x128xf32, #tpu.memory_space<vmem>>
        %dma_start3A_389 = arith.constant 0 : i32
        %dma_start3A_390 = tpu.memref_slice %arg7[%add3A_385, %dma_start3A_389] : memref<80x128xi32, #tpu.memory_space<vmem>> -> memref<1x128xi32, #tpu.memory_space<vmem>>
        %dma_start3A_391 = tpu.memref_squeeze %dma_start3A_390 : memref<1x128xi32, #tpu.memory_space<vmem>> -> memref<128xi32, #tpu.memory_space<vmem>>
        %dma_start3A_392 = arith.constant 0 : i32
        %dma_start3A_393 = tpu.memref_slice %dma_start3A_391[%dma_start3A_392] : memref<128xi32, #tpu.memory_space<vmem>> -> memref<64xi32, #tpu.memory_space<vmem>>
        %dma_start3A_394 = arith.constant 0 : i32
        %dma_start3A_395 = arith.constant 0 : i32
        %dma_start3A_396 = tpu.memref_slice %arg2[%dma_start3A_394, %dma_start3A_395] : memref<20224x128xf32, #tpu.memory_space<hbm>> -> memref<20224x128xf32, #tpu.memory_space<hbm>>
        tpu.enqueue_indirect_dma source(%dma_start3A_396 : memref<20224x128xf32, #tpu.memory_space<hbm>>) target(%dma_start3A_388 : memref<64x128xf32, #tpu.memory_space<vmem>>) offsets(%dma_start3A_393 : memref<64xi32, #tpu.memory_space<vmem>>) semaphore(%arg12 : memref<!tpu.dma_semaphore, #tpu.memory_space<semaphore_mem>>)
        %dma_start3A_397 = arith.constant 64 : i32
        %dma_start3A_398 = arith.constant 0 : i32
        %dma_start3A_399 = tpu.memref_slice %arg9[%dma_start3A_397, %dma_start3A_398] : memref<128x128xf32, #tpu.memory_space<vmem>> -> memref<64x128xf32, #tpu.memory_space<vmem>>
        %dma_start3A_400 = arith.constant 0 : i32
        %dma_start3A_401 = tpu.memref_slice %arg7[%add3A_385, %dma_start3A_400] : memref<80x128xi32, #tpu.memory_space<vmem>> -> memref<1x128xi32, #tpu.memory_space<vmem>>
        %dma_start3A_402 = tpu.memref_squeeze %dma_start3A_401 : memref<1x128xi32, #tpu.memory_space<vmem>> -> memref<128xi32, #tpu.memory_space<vmem>>
        %dma_start3A_403 = arith.constant 64 : i32
        %dma_start3A_404 = tpu.memref_slice %dma_start3A_402[%dma_start3A_403] : memref<128xi32, #tpu.memory_space<vmem>> -> memref<64xi32, #tpu.memory_space<vmem>>
        %dma_start3A_405 = arith.constant 0 : i32
        %dma_start3A_406 = arith.constant 0 : i32
        %dma_start3A_407 = tpu.memref_slice %arg2[%dma_start3A_405, %dma_start3A_406] : memref<20224x128xf32, #tpu.memory_space<hbm>> -> memref<20224x128xf32, #tpu.memory_space<hbm>>
        tpu.enqueue_indirect_dma source(%dma_start3A_407 : memref<20224x128xf32, #tpu.memory_space<hbm>>) target(%dma_start3A_399 : memref<64x128xf32, #tpu.memory_space<vmem>>) offsets(%dma_start3A_404 : memref<64xi32, #tpu.memory_space<vmem>>) semaphore(%arg12 : memref<!tpu.dma_semaphore, #tpu.memory_space<semaphore_mem>>)
      } else {
      }
      %add3A_297 = arith.constant 6 : i32
      %add3A_298 = arith.addi %add3A_44, %add3A_297 : i32
      %dma_wait3A_299 = arith.constant 0 : i32
      %dma_wait3A_300 = arith.constant 0 : i32
      %dma_wait3A_301 = tpu.memref_slice %arg9[%dma_wait3A_299, %dma_wait3A_300] : memref<128x128xf32, #tpu.memory_space<vmem>> -> memref<64x128xf32, #tpu.memory_space<vmem>>
      %dma_wait3A_302 = arith.constant 0 : i32
      %dma_wait3A_303 = tpu.memref_slice %arg7[%add3A_298, %dma_wait3A_302] : memref<80x128xi32, #tpu.memory_space<vmem>> -> memref<1x128xi32, #tpu.memory_space<vmem>>
      %dma_wait3A_304 = tpu.memref_squeeze %dma_wait3A_303 : memref<1x128xi32, #tpu.memory_space<vmem>> -> memref<128xi32, #tpu.memory_space<vmem>>
      %dma_wait3A_305 = arith.constant 0 : i32
      %dma_wait3A_306 = tpu.memref_slice %dma_wait3A_304[%dma_wait3A_305] : memref<128xi32, #tpu.memory_space<vmem>> -> memref<64xi32, #tpu.memory_space<vmem>>
      %dma_wait3A_307 = arith.constant 0 : i32
      %dma_wait3A_308 = arith.constant 0 : i32
      %dma_wait3A_309 = tpu.memref_slice %arg2[%dma_wait3A_307, %dma_wait3A_308] : memref<20224x128xf32, #tpu.memory_space<hbm>> -> memref<20224x128xf32, #tpu.memory_space<hbm>>
      tpu.wait_indirect_dma semaphore(%arg12 : memref<!tpu.dma_semaphore, #tpu.memory_space<semaphore_mem>>) src(%dma_wait3A_309 : memref<20224x128xf32, #tpu.memory_space<hbm>>) dst(%dma_wait3A_301 : memref<64x128xf32, #tpu.memory_space<vmem>>)
      %dma_wait3A_310 = arith.constant 64 : i32
      %dma_wait3A_311 = arith.constant 0 : i32
      %dma_wait3A_312 = tpu.memref_slice %arg9[%dma_wait3A_310, %dma_wait3A_311] : memref<128x128xf32, #tpu.memory_space<vmem>> -> memref<64x128xf32, #tpu.memory_space<vmem>>
      %dma_wait3A_313 = arith.constant 0 : i32
      %dma_wait3A_314 = tpu.memref_slice %arg7[%add3A_298, %dma_wait3A_313] : memref<80x128xi32, #tpu.memory_space<vmem>> -> memref<1x128xi32, #tpu.memory_space<vmem>>
      %dma_wait3A_315 = tpu.memref_squeeze %dma_wait3A_314 : memref<1x128xi32, #tpu.memory_space<vmem>> -> memref<128xi32, #tpu.memory_space<vmem>>
      %dma_wait3A_316 = arith.constant 64 : i32
      %dma_wait3A_317 = tpu.memref_slice %dma_wait3A_315[%dma_wait3A_316] : memref<128xi32, #tpu.memory_space<vmem>> -> memref<64xi32, #tpu.memory_space<vmem>>
      %dma_wait3A_318 = arith.constant 0 : i32
      %dma_wait3A_319 = arith.constant 0 : i32
      %dma_wait3A_320 = tpu.memref_slice %arg2[%dma_wait3A_318, %dma_wait3A_319] : memref<20224x128xf32, #tpu.memory_space<hbm>> -> memref<20224x128xf32, #tpu.memory_space<hbm>>
      tpu.wait_indirect_dma semaphore(%arg12 : memref<!tpu.dma_semaphore, #tpu.memory_space<semaphore_mem>>) src(%dma_wait3A_320 : memref<20224x128xf32, #tpu.memory_space<hbm>>) dst(%dma_wait3A_312 : memref<64x128xf32, #tpu.memory_space<vmem>>)
      %add3A_321 = arith.constant 6 : i32
      %add3A_322 = arith.addi %add3A_44, %add3A_321 : i32
      %add3A_323 = arith.constant 1 : i32
      %add3A_324 = arith.addi %add3A_322, %add3A_323 : i32
      %dma_start3A_325 = arith.constant 0 : i32
      %dma_start3A_326 = arith.constant 0 : i32
      %dma_start3A_327 = tpu.memref_slice %arg10[%dma_start3A_325, %dma_start3A_326] : memref<128x128xf32, #tpu.memory_space<vmem>> -> memref<64x128xf32, #tpu.memory_space<vmem>>
      %dma_start3A_328 = arith.constant 0 : i32
      %dma_start3A_329 = tpu.memref_slice %arg7[%add3A_324, %dma_start3A_328] : memref<80x128xi32, #tpu.memory_space<vmem>> -> memref<1x128xi32, #tpu.memory_space<vmem>>
      %dma_start3A_330 = tpu.memref_squeeze %dma_start3A_329 : memref<1x128xi32, #tpu.memory_space<vmem>> -> memref<128xi32, #tpu.memory_space<vmem>>
      %dma_start3A_331 = arith.constant 0 : i32
      %dma_start3A_332 = tpu.memref_slice %dma_start3A_330[%dma_start3A_331] : memref<128xi32, #tpu.memory_space<vmem>> -> memref<64xi32, #tpu.memory_space<vmem>>
      %dma_start3A_333 = arith.constant 0 : i32
      %dma_start3A_334 = arith.constant 0 : i32
      %dma_start3A_335 = tpu.memref_slice %arg2[%dma_start3A_333, %dma_start3A_334] : memref<20224x128xf32, #tpu.memory_space<hbm>> -> memref<20224x128xf32, #tpu.memory_space<hbm>>
      tpu.enqueue_indirect_dma source(%dma_start3A_335 : memref<20224x128xf32, #tpu.memory_space<hbm>>) target(%dma_start3A_327 : memref<64x128xf32, #tpu.memory_space<vmem>>) offsets(%dma_start3A_332 : memref<64xi32, #tpu.memory_space<vmem>>) semaphore(%arg13 : memref<!tpu.dma_semaphore, #tpu.memory_space<semaphore_mem>>)
      %dma_start3A_336 = arith.constant 64 : i32
      %dma_start3A_337 = arith.constant 0 : i32
      %dma_start3A_338 = tpu.memref_slice %arg10[%dma_start3A_336, %dma_start3A_337] : memref<128x128xf32, #tpu.memory_space<vmem>> -> memref<64x128xf32, #tpu.memory_space<vmem>>
      %dma_start3A_339 = arith.constant 0 : i32
      %dma_start3A_340 = tpu.memref_slice %arg7[%add3A_324, %dma_start3A_339] : memref<80x128xi32, #tpu.memory_space<vmem>> -> memref<1x128xi32, #tpu.memory_space<vmem>>
      %dma_start3A_341 = tpu.memref_squeeze %dma_start3A_340 : memref<1x128xi32, #tpu.memory_space<vmem>> -> memref<128xi32, #tpu.memory_space<vmem>>
      %dma_start3A_342 = arith.constant 64 : i32
      %dma_start3A_343 = tpu.memref_slice %dma_start3A_341[%dma_start3A_342] : memref<128xi32, #tpu.memory_space<vmem>> -> memref<64xi32, #tpu.memory_space<vmem>>
      %dma_start3A_344 = arith.constant 0 : i32
      %dma_start3A_345 = arith.constant 0 : i32
      %dma_start3A_346 = tpu.memref_slice %arg2[%dma_start3A_344, %dma_start3A_345] : memref<20224x128xf32, #tpu.memory_space<hbm>> -> memref<20224x128xf32, #tpu.memory_space<hbm>>
      tpu.enqueue_indirect_dma source(%dma_start3A_346 : memref<20224x128xf32, #tpu.memory_space<hbm>>) target(%dma_start3A_338 : memref<64x128xf32, #tpu.memory_space<vmem>>) offsets(%dma_start3A_343 : memref<64xi32, #tpu.memory_space<vmem>>) semaphore(%arg13 : memref<!tpu.dma_semaphore, #tpu.memory_space<semaphore_mem>>)
      %add3A_347 = arith.constant 6 : i32
      %add3A_348 = arith.addi %add3A_44, %add3A_347 : i32
      %add3A_349 = arith.constant 1 : i32
      %add3A_350 = arith.addi %add3A_348, %add3A_349 : i32
      %dma_wait3A_351 = arith.constant 0 : i32
      %dma_wait3A_352 = arith.constant 0 : i32
      %dma_wait3A_353 = tpu.memref_slice %arg10[%dma_wait3A_351, %dma_wait3A_352] : memref<128x128xf32, #tpu.memory_space<vmem>> -> memref<64x128xf32, #tpu.memory_space<vmem>>
      %dma_wait3A_354 = arith.constant 0 : i32
      %dma_wait3A_355 = tpu.memref_slice %arg7[%add3A_350, %dma_wait3A_354] : memref<80x128xi32, #tpu.memory_space<vmem>> -> memref<1x128xi32, #tpu.memory_space<vmem>>
      %dma_wait3A_356 = tpu.memref_squeeze %dma_wait3A_355 : memref<1x128xi32, #tpu.memory_space<vmem>> -> memref<128xi32, #tpu.memory_space<vmem>>
      %dma_wait3A_357 = arith.constant 0 : i32
      %dma_wait3A_358 = tpu.memref_slice %dma_wait3A_356[%dma_wait3A_357] : memref<128xi32, #tpu.memory_space<vmem>> -> memref<64xi32, #tpu.memory_space<vmem>>
      %dma_wait3A_359 = arith.constant 0 : i32
      %dma_wait3A_360 = arith.constant 0 : i32
      %dma_wait3A_361 = tpu.memref_slice %arg2[%dma_wait3A_359, %dma_wait3A_360] : memref<20224x128xf32, #tpu.memory_space<hbm>> -> memref<20224x128xf32, #tpu.memory_space<hbm>>
      tpu.wait_indirect_dma semaphore(%arg13 : memref<!tpu.dma_semaphore, #tpu.memory_space<semaphore_mem>>) src(%dma_wait3A_361 : memref<20224x128xf32, #tpu.memory_space<hbm>>) dst(%dma_wait3A_353 : memref<64x128xf32, #tpu.memory_space<vmem>>)
      %dma_wait3A_362 = arith.constant 64 : i32
      %dma_wait3A_363 = arith.constant 0 : i32
      %dma_wait3A_364 = tpu.memref_slice %arg10[%dma_wait3A_362, %dma_wait3A_363] : memref<128x128xf32, #tpu.memory_space<vmem>> -> memref<64x128xf32, #tpu.memory_space<vmem>>
      %dma_wait3A_365 = arith.constant 0 : i32
      %dma_wait3A_366 = tpu.memref_slice %arg7[%add3A_350, %dma_wait3A_365] : memref<80x128xi32, #tpu.memory_space<vmem>> -> memref<1x128xi32, #tpu.memory_space<vmem>>
      %dma_wait3A_367 = tpu.memref_squeeze %dma_wait3A_366 : memref<1x128xi32, #tpu.memory_space<vmem>> -> memref<128xi32, #tpu.memory_space<vmem>>
      %dma_wait3A_368 = arith.constant 64 : i32
      %dma_wait3A_369 = tpu.memref_slice %dma_wait3A_367[%dma_wait3A_368] : memref<128xi32, #tpu.memory_space<vmem>> -> memref<64xi32, #tpu.memory_space<vmem>>
      %dma_wait3A_370 = arith.constant 0 : i32
      %dma_wait3A_371 = arith.constant 0 : i32
      %dma_wait3A_372 = tpu.memref_slice %arg2[%dma_wait3A_370, %dma_wait3A_371] : memref<20224x128xf32, #tpu.memory_space<hbm>> -> memref<20224x128xf32, #tpu.memory_space<hbm>>
      tpu.wait_indirect_dma semaphore(%arg13 : memref<!tpu.dma_semaphore, #tpu.memory_space<semaphore_mem>>) src(%dma_wait3A_372 : memref<20224x128xf32, #tpu.memory_space<hbm>>) dst(%dma_wait3A_364 : memref<64x128xf32, #tpu.memory_space<vmem>>)
      %add3A_373 = arith.constant 6 : i32
      %add3A_374 = arith.addi %add3A_44, %add3A_373 : i32
      %add3A_375 = arith.constant 2 : i32
      %add3A_376 = arith.addi %add3A_374, %add3A_375 : i32
      %lt3A_377 = arith.constant 80 : i32
      %lt3A_378 = arith.cmpi slt, %add3A_376, %lt3A_377 : i32
      %convert_element_type3A_379 = arith.extui %lt3A_378 : i1 to i32
      %cond3A_380 = arith.constant 0 : i32
      %cond3A_381 = arith.cmpi ne, %convert_element_type3A_379, %cond3A_380 : i32
      scf.if %cond3A_381 {
        %add3A_382 = arith.constant 6 : i32
        %add3A_383 = arith.addi %add3A_44, %add3A_382 : i32
        %add3A_384 = arith.constant 2 : i32
        %add3A_385 = arith.addi %add3A_383, %add3A_384 : i32
        %dma_start3A_386 = arith.constant 0 : i32
        %dma_start3A_387 = arith.constant 0 : i32
        %dma_start3A_388 = tpu.memref_slice %arg9[%dma_start3A_386, %dma_start3A_387] : memref<128x128xf32, #tpu.memory_space<vmem>> -> memref<64x128xf32, #tpu.memory_space<vmem>>
        %dma_start3A_389 = arith.constant 0 : i32
        %dma_start3A_390 = tpu.memref_slice %arg7[%add3A_385, %dma_start3A_389] : memref<80x128xi32, #tpu.memory_space<vmem>> -> memref<1x128xi32, #tpu.memory_space<vmem>>
        %dma_start3A_391 = tpu.memref_squeeze %dma_start3A_390 : memref<1x128xi32, #tpu.memory_space<vmem>> -> memref<128xi32, #tpu.memory_space<vmem>>
        %dma_start3A_392 = arith.constant 0 : i32
        %dma_start3A_393 = tpu.memref_slice %dma_start3A_391[%dma_start3A_392] : memref<128xi32, #tpu.memory_space<vmem>> -> memref<64xi32, #tpu.memory_space<vmem>>
        %dma_start3A_394 = arith.constant 0 : i32
        %dma_start3A_395 = arith.constant 0 : i32
        %dma_start3A_396 = tpu.memref_slice %arg2[%dma_start3A_394, %dma_start3A_395] : memref<20224x128xf32, #tpu.memory_space<hbm>> -> memref<20224x128xf32, #tpu.memory_space<hbm>>
        tpu.enqueue_indirect_dma source(%dma_start3A_396 : memref<20224x128xf32, #tpu.memory_space<hbm>>) target(%dma_start3A_388 : memref<64x128xf32, #tpu.memory_space<vmem>>) offsets(%dma_start3A_393 : memref<64xi32, #tpu.memory_space<vmem>>) semaphore(%arg12 : memref<!tpu.dma_semaphore, #tpu.memory_space<semaphore_mem>>)
        %dma_start3A_397 = arith.constant 64 : i32
        %dma_start3A_398 = arith.constant 0 : i32
        %dma_start3A_399 = tpu.memref_slice %arg9[%dma_start3A_397, %dma_start3A_398] : memref<128x128xf32, #tpu.memory_space<vmem>> -> memref<64x128xf32, #tpu.memory_space<vmem>>
        %dma_start3A_400 = arith.constant 0 : i32
        %dma_start3A_401 = tpu.memref_slice %arg7[%add3A_385, %dma_start3A_400] : memref<80x128xi32, #tpu.memory_space<vmem>> -> memref<1x128xi32, #tpu.memory_space<vmem>>
        %dma_start3A_402 = tpu.memref_squeeze %dma_start3A_401 : memref<1x128xi32, #tpu.memory_space<vmem>> -> memref<128xi32, #tpu.memory_space<vmem>>
        %dma_start3A_403 = arith.constant 64 : i32
        %dma_start3A_404 = tpu.memref_slice %dma_start3A_402[%dma_start3A_403] : memref<128xi32, #tpu.memory_space<vmem>> -> memref<64xi32, #tpu.memory_space<vmem>>
        %dma_start3A_405 = arith.constant 0 : i32
        %dma_start3A_406 = arith.constant 0 : i32
        %dma_start3A_407 = tpu.memref_slice %arg2[%dma_start3A_405, %dma_start3A_406] : memref<20224x128xf32, #tpu.memory_space<hbm>> -> memref<20224x128xf32, #tpu.memory_space<hbm>>
        tpu.enqueue_indirect_dma source(%dma_start3A_407 : memref<20224x128xf32, #tpu.memory_space<hbm>>) target(%dma_start3A_399 : memref<64x128xf32, #tpu.memory_space<vmem>>) offsets(%dma_start3A_404 : memref<64xi32, #tpu.memory_space<vmem>>) semaphore(%arg12 : memref<!tpu.dma_semaphore, #tpu.memory_space<semaphore_mem>>)
      } else {
      }
    }
    %scan3A_31 = arith.constant 10 : i32
    %barrier3A_32 = arith.constant 0 : index
    tpu.barrier barrier_id(%barrier3A_32)
    %mul3A_33 = arith.constant 632 : i32
    %mul3A_34 = arith.muli %arg1, %mul3A_33 : i32
    %mul3A_35 = arith.constant 10112 : i32
    %mul3A_36 = arith.muli %arg0, %mul3A_35 : i32
    %mul3A_37 = arith.constant 632 : i32
    %mul3A_38 = arith.muli %arg1, %mul3A_37 : i32
    %add3A_39 = arith.addi %mul3A_36, %mul3A_38 : i32
    "tpu.region"() ({
      %run_scoped3A = tpu.sem_alloc : memref<!tpu.dma_semaphore, #tpu.memory_space<semaphore_mem>>
      %dma_start3A_40 = arith.constant 0 : i32
      %dma_start3A_41 = tpu.memref_slice %arg6[%add3A_39, %dma_start3A_40] : memref<20224x128xf32, #tpu.memory_space<hbm>> -> memref<632x128xf32, #tpu.memory_space<hbm>>
      %dma_start3A_42 = arith.constant 0 : i32
      %dma_start3A_43 = tpu.memref_slice %arg11[%mul3A_34, %dma_start3A_42] : memref<10112x128xf32, #tpu.memory_space<vmem_shared>> -> memref<632x128xf32, #tpu.memory_space<vmem_shared>>
      tpu.enqueue_dma source(%dma_start3A_43 : memref<632x128xf32, #tpu.memory_space<vmem_shared>>) target(%dma_start3A_41 : memref<632x128xf32, #tpu.memory_space<hbm>>) target_semaphore(%run_scoped3A : memref<!tpu.dma_semaphore, #tpu.memory_space<semaphore_mem>>)
      %dma_wait3A = arith.constant 0 : i32
      %dma_wait3A_44 = tpu.memref_slice %arg6[%add3A_39, %dma_wait3A] : memref<20224x128xf32, #tpu.memory_space<hbm>> -> memref<632x128xf32, #tpu.memory_space<hbm>>
      %dma_wait3A_45 = arith.constant 0 : i32
      %dma_wait3A_46 = tpu.memref_slice %arg11[%mul3A_34, %dma_wait3A_45] : memref<10112x128xf32, #tpu.memory_space<vmem_shared>> -> memref<632x128xf32, #tpu.memory_space<vmem_shared>>
      tpu.wait_dma2 semaphore(%run_scoped3A : memref<!tpu.dma_semaphore, #tpu.memory_space<semaphore_mem>>) src(%dma_wait3A_46 : memref<632x128xf32, #tpu.memory_space<vmem_shared>>) dst(%dma_wait3A_44 : memref<632x128xf32, #tpu.memory_space<hbm>>)
      tpu.yield
    }) : () -> ()
    return
  }
}

module attributes {stable_mosaic.version = 14 : i64} {
  func.func @_tc_pre(%arg0: memref<10000x128xf32, #tpu.memory_space<vmem>>, %arg1: memref<128x128xf32, #tpu.memory_space<vmem>>, %arg2: memref<1x128xf32, #tpu.memory_space<vmem>>, %arg3: memref<1x128xf32, #tpu.memory_space<vmem>>, %arg4: memref<1x128xf32, #tpu.memory_space<vmem>>, %arg5: memref<10000x128xf32, #tpu.memory_space<vmem>>) attributes {dimension_semantics = [], scalar_prefetch = 0 : i64, scratch_operands = 0 : i64, tpu.core_type = #tpu.core_type<tc>} {
    %get3A = arith.constant 0 : index
    %get3A_0 = arith.constant 0 : index
    %get3A_1 = vector.load %arg0[%get3A, %get3A_0] : memref<10000x128xf32, #tpu.memory_space<vmem>>, vector<10000x128xf32>
    %get3A_2 = arith.constant 0 : index
    %get3A_3 = arith.constant 0 : index
    %get3A_4 = vector.load %arg1[%get3A_2, %get3A_3] : memref<128x128xf32, #tpu.memory_space<vmem>>, vector<128x128xf32>
    %dot_general3A = arith.constant dense<0.000000e+00> : vector<10000x128xf32>
    %dot_general3A_5 = tpu.matmul %get3A_1, %get3A_4, %dot_general3A {dimension_numbers = #tpu.dot_dimension_numbers<[1], [0], [0], [1], [0, 0, 1, 1], [], []>, precision = #tpu.contract_precision<fp32>, transpose_lhs_hint = false} : vector<10000x128xf32>, vector<128x128xf32>, vector<10000x128xf32> -> vector<10000x128xf32>
    %get3A_6 = arith.constant 0 : index
    %get3A_7 = arith.constant 0 : index
    %get3A_8 = vector.load %arg2[%get3A_6, %get3A_7] : memref<1x128xf32, #tpu.memory_space<vmem>>, vector<1x128xf32>
    %add3A = vector.broadcast %get3A_8 : vector<1x128xf32> to vector<10000x128xf32>
    %add3A_9 = arith.addf %dot_general3A_5, %add3A : vector<10000x128xf32>
    %get3A_10 = arith.constant 0 : index
    %get3A_11 = arith.constant 0 : index
    %get3A_12 = vector.load %arg3[%get3A_10, %get3A_11] : memref<1x128xf32, #tpu.memory_space<vmem>>, vector<1x128xf32>
    %get3A_13 = arith.constant 0 : index
    %get3A_14 = arith.constant 0 : index
    %get3A_15 = vector.load %arg4[%get3A_13, %get3A_14] : memref<1x128xf32, #tpu.memory_space<vmem>>, vector<1x128xf32>
    %reduce_sum3A = arith.constant dense<0.000000e+00> : vector<128xf32>
    %reduce_sum3A_16 = vector.multi_reduction <add>, %add3A_9, %reduce_sum3A [0] : vector<10000x128xf32> to vector<128xf32>
    %broadcast_in_dim3A = vector.shape_cast %reduce_sum3A_16 : vector<128xf32> to vector<1x128xf32>
    %div3A = arith.constant 1.000000e+04 : f32
    %div3A_17 = vector.broadcast %div3A : f32 to vector<1x128xf32>
    %div3A_18 = arith.divf %broadcast_in_dim3A, %div3A_17 : vector<1x128xf32>
    %sub3A = vector.broadcast %div3A_18 : vector<1x128xf32> to vector<10000x128xf32>
    %sub3A_19 = arith.subf %add3A_9, %sub3A : vector<10000x128xf32>
    %integer_pow3A = arith.mulf %sub3A_19, %sub3A_19 : vector<10000x128xf32>
    %reduce_sum3A_20 = arith.constant dense<0.000000e+00> : vector<128xf32>
    %reduce_sum3A_21 = vector.multi_reduction <add>, %integer_pow3A, %reduce_sum3A_20 [0] : vector<10000x128xf32> to vector<128xf32>
    %broadcast_in_dim3A_22 = vector.shape_cast %reduce_sum3A_21 : vector<128xf32> to vector<1x128xf32>
    %div3A_23 = arith.constant 1.000000e+04 : f32
    %div3A_24 = vector.broadcast %div3A_23 : f32 to vector<1x128xf32>
    %div3A_25 = arith.divf %broadcast_in_dim3A_22, %div3A_24 : vector<1x128xf32>
    %sub3A_26 = vector.broadcast %div3A_18 : vector<1x128xf32> to vector<10000x128xf32>
    %sub3A_27 = arith.subf %add3A_9, %sub3A_26 : vector<10000x128xf32>
    %mul3A = vector.broadcast %get3A_12 : vector<1x128xf32> to vector<10000x128xf32>
    %mul3A_28 = arith.mulf %mul3A, %sub3A_27 : vector<10000x128xf32>
    %add3A_29 = arith.constant 9.99999974E-6 : f32
    %add3A_30 = vector.broadcast %add3A_29 : f32 to vector<1x128xf32>
    %add3A_31 = arith.addf %div3A_25, %add3A_30 : vector<1x128xf32>
    %rsqrt3A = math.rsqrt %add3A_31 : vector<1x128xf32>
    %mul3A_32 = vector.broadcast %rsqrt3A : vector<1x128xf32> to vector<10000x128xf32>
    %mul3A_33 = arith.mulf %mul3A_28, %mul3A_32 : vector<10000x128xf32>
    %add3A_34 = vector.broadcast %get3A_15 : vector<1x128xf32> to vector<10000x128xf32>
    %add3A_35 = arith.addf %mul3A_33, %add3A_34 : vector<10000x128xf32>
    %max3A = arith.constant 0.000000e+00 : f32
    %max3A_36 = vector.broadcast %max3A : f32 to vector<10000x128xf32>
    %max3A_37 = arith.maximumf %add3A_35, %max3A_36 : vector<10000x128xf32>
    %swap3A = arith.constant 0 : index
    %swap3A_38 = arith.constant 0 : index
    %swap3A_39 = vector.load %arg5[%swap3A, %swap3A_38] : memref<10000x128xf32, #tpu.memory_space<vmem>>, vector<10000x128xf32>
    tpu.vector_store %arg5[%swap3A, %swap3A_38], %max3A_37 {strides = array<i32>} : memref<10000x128xf32, #tpu.memory_space<vmem>>, vector<10000x128xf32>,
    return
  }
}

module attributes {stable_mosaic.version = 14 : i64} {
  func.func @_tc_a(%arg0: memref<10000x128xf32, #tpu.memory_space<vmem>>, %arg1: memref<2x20480xf32, #tpu.memory_space<vmem>>, %arg2: memref<128x128xf32, #tpu.memory_space<vmem>>, %arg3: memref<1x128xf32, #tpu.memory_space<vmem>>, %arg4: memref<128x128xf32, #tpu.memory_space<vmem>>, %arg5: memref<128x128xf32, #tpu.memory_space<vmem>>, %arg6: memref<20224x128xf32, #tpu.memory_space<vmem>>, %arg7: memref<10000x128xf32, #tpu.memory_space<vmem>>) attributes {dimension_semantics = [], scalar_prefetch = 0 : i64, scratch_operands = 0 : i64, tpu.core_type = #tpu.core_type<tc>} {
    %get3A = arith.constant 0 : index
    %get3A_0 = arith.constant 0 : index
    %get3A_1 = vector.load %arg0[%get3A, %get3A_0] : memref<10000x128xf32, #tpu.memory_space<vmem>>, vector<10000x128xf32>
    %get3A_2 = arith.constant 0 : index
    %get3A_3 = arith.constant 0 : index
    %get3A_4 = vector.load %arg1[%get3A_2, %get3A_3] : memref<2x20480xf32, #tpu.memory_space<vmem>>, vector<2x20480xf32>
    %get3A_5 = arith.constant 0 : index
    %get3A_6 = arith.constant 0 : index
    %get3A_7 = vector.load %arg2[%get3A_5, %get3A_6] : memref<128x128xf32, #tpu.memory_space<vmem>>, vector<128x128xf32>
    %dot_general3A = arith.constant dense<0.000000e+00> : vector<10000x128xf32>
    %dot_general3A_8 = tpu.matmul %get3A_1, %get3A_7, %dot_general3A {dimension_numbers = #tpu.dot_dimension_numbers<[1], [0], [0], [1], [0, 0, 1, 1], [], []>, precision = #tpu.contract_precision<fp32>, transpose_lhs_hint = false} : vector<10000x128xf32>, vector<128x128xf32>, vector<10000x128xf32> -> vector<10000x128xf32>
    %get3A_9 = arith.constant 0 : index
    %get3A_10 = arith.constant 0 : index
    %get3A_11 = vector.load %arg3[%get3A_9, %get3A_10] : memref<1x128xf32, #tpu.memory_space<vmem>>, vector<1x128xf32>
    %add3A = vector.broadcast %get3A_11 : vector<1x128xf32> to vector<10000x128xf32>
    %add3A_12 = arith.addf %dot_general3A_8, %add3A : vector<10000x128xf32>
    %swap3A = arith.constant 0 : index
    %swap3A_13 = arith.constant 0 : index
    %swap3A_14 = vector.load %arg7[%swap3A, %swap3A_13] : memref<10000x128xf32, #tpu.memory_space<vmem>>, vector<10000x128xf32>
    tpu.vector_store %arg7[%swap3A, %swap3A_13], %add3A_12 {strides = array<i32>} : memref<10000x128xf32, #tpu.memory_space<vmem>>, vector<10000x128xf32>,
    %slice3A = vector.extract_strided_slice %get3A_4 {offsets = [0, 0], sizes = [1, 10000], strides = [1, 1]} : vector<2x20480xf32> to vector<1x10000xf32>
    %squeeze3A = vector.shape_cast %slice3A : vector<1x10000xf32> to vector<10000xf32>
    %jit3A = arith.constant 1.000000e+00 : f32
    %max3A = vector.broadcast %jit3A : f32 to vector<10000xf32>
    %max3A_15 = arith.maximumf %max3A, %squeeze3A : vector<10000xf32>
    %rsqrt3A = math.rsqrt %max3A_15 : vector<10000xf32>
    %reshape3A = vector.shape_cast %rsqrt3A : vector<10000xf32> to vector<10000x1xf32>
    %slice3A_16 = vector.extract_strided_slice %get3A_4 {offsets = [1, 0], sizes = [1, 10000], strides = [1, 1]} : vector<2x20480xf32> to vector<1x10000xf32>
    %squeeze3A_17 = vector.shape_cast %slice3A_16 : vector<1x10000xf32> to vector<10000xf32>
    %jit3A_18 = arith.constant 1.000000e+00 : f32
    %max3A_19 = vector.broadcast %jit3A_18 : f32 to vector<10000xf32>
    %max3A_20 = arith.maximumf %max3A_19, %squeeze3A_17 : vector<10000xf32>
    %rsqrt3A_21 = math.rsqrt %max3A_20 : vector<10000xf32>
    %reshape3A_22 = vector.shape_cast %rsqrt3A_21 : vector<10000xf32> to vector<10000x1xf32>
    %mul3A = vector.broadcast %reshape3A : vector<10000x1xf32> to vector<10000x128xf32>
    %mul3A_23 = arith.mulf %get3A_1, %mul3A : vector<10000x128xf32>
    %get3A_24 = arith.constant 0 : index
    %get3A_25 = arith.constant 0 : index
    %get3A_26 = vector.load %arg4[%get3A_24, %get3A_25] : memref<128x128xf32, #tpu.memory_space<vmem>>, vector<128x128xf32>
    %dot_general3A_27 = arith.constant dense<0.000000e+00> : vector<10000x128xf32>
    %dot_general3A_28 = tpu.matmul %mul3A_23, %get3A_26, %dot_general3A_27 {dimension_numbers = #tpu.dot_dimension_numbers<[1], [0], [0], [1], [0, 0, 1, 1], [], []>, precision = #tpu.contract_precision<fp32>, transpose_lhs_hint = false} : vector<10000x128xf32>, vector<128x128xf32>, vector<10000x128xf32> -> vector<10000x128xf32>
    %swap3A_29 = arith.constant 0 : index
    %swap3A_30 = arith.constant 0 : index
    %swap3A_31 = vector.load %arg6[%swap3A_29, %swap3A_30] : memref<20224x128xf32, #tpu.memory_space<vmem>>, vector<10000x128xf32>
    tpu.vector_store %arg6[%swap3A_29, %swap3A_30], %dot_general3A_28 {strides = array<i32>} : memref<20224x128xf32, #tpu.memory_space<vmem>>, vector<10000x128xf32>,
    %broadcast_in_dim3A = arith.constant 0.000000e+00 : f32
    %broadcast_in_dim3A_32 = vector.broadcast %broadcast_in_dim3A : f32 to vector<112x128xf32>
    %swap3A_33 = arith.constant 10000 : index
    %swap3A_34 = arith.constant 0 : index
    %swap3A_35 = vector.load %arg6[%swap3A_33, %swap3A_34] : memref<20224x128xf32, #tpu.memory_space<vmem>>, vector<112x128xf32>
    tpu.vector_store %arg6[%swap3A_33, %swap3A_34], %broadcast_in_dim3A_32 {strides = array<i32>} : memref<20224x128xf32, #tpu.memory_space<vmem>>, vector<112x128xf32>,
    %mul3A_36 = vector.broadcast %reshape3A_22 : vector<10000x1xf32> to vector<10000x128xf32>
    %mul3A_37 = arith.mulf %get3A_1, %mul3A_36 : vector<10000x128xf32>
    %get3A_38 = arith.constant 0 : index
    %get3A_39 = arith.constant 0 : index
    %get3A_40 = vector.load %arg5[%get3A_38, %get3A_39] : memref<128x128xf32, #tpu.memory_space<vmem>>, vector<128x128xf32>
    %dot_general3A_41 = arith.constant dense<0.000000e+00> : vector<10000x128xf32>
    %dot_general3A_42 = tpu.matmul %mul3A_37, %get3A_40, %dot_general3A_41 {dimension_numbers = #tpu.dot_dimension_numbers<[1], [0], [0], [1], [0, 0, 1, 1], [], []>, precision = #tpu.contract_precision<fp32>, transpose_lhs_hint = false} : vector<10000x128xf32>, vector<128x128xf32>, vector<10000x128xf32> -> vector<10000x128xf32>
    %swap3A_43 = arith.constant 10112 : index
    %swap3A_44 = arith.constant 0 : index
    %swap3A_45 = vector.load %arg6[%swap3A_43, %swap3A_44] : memref<20224x128xf32, #tpu.memory_space<vmem>>, vector<10000x128xf32>
    tpu.vector_store %arg6[%swap3A_43, %swap3A_44], %dot_general3A_42 {strides = array<i32>} : memref<20224x128xf32, #tpu.memory_space<vmem>>, vector<10000x128xf32>,
    %broadcast_in_dim3A_46 = arith.constant 0.000000e+00 : f32
    %broadcast_in_dim3A_47 = vector.broadcast %broadcast_in_dim3A_46 : f32 to vector<112x128xf32>
    %swap3A_48 = arith.constant 20112 : index
    %swap3A_49 = arith.constant 0 : index
    %swap3A_50 = vector.load %arg6[%swap3A_48, %swap3A_49] : memref<20224x128xf32, #tpu.memory_space<vmem>>, vector<112x128xf32>
    tpu.vector_store %arg6[%swap3A_48, %swap3A_49], %broadcast_in_dim3A_47 {strides = array<i32>} : memref<20224x128xf32, #tpu.memory_space<vmem>>, vector<112x128xf32>,
    return
  }
}

module attributes {stable_mosaic.version = 14 : i64} {
  func.func @_tc_b(%arg0: memref<20224x128xf32, #tpu.memory_space<vmem>>, %arg1: memref<2x20480xf32, #tpu.memory_space<vmem>>, %arg2: memref<10000x128xf32, #tpu.memory_space<vmem>>, %arg3: memref<1x128xf32, #tpu.memory_space<vmem>>, %arg4: memref<1x128xf32, #tpu.memory_space<vmem>>, %arg5: memref<1x128xf32, #tpu.memory_space<vmem>>, %arg6: memref<1x128xf32, #tpu.memory_space<vmem>>, %arg7: memref<10000x128xf32, #tpu.memory_space<vmem>>) attributes {dimension_semantics = [], scalar_prefetch = 0 : i64, scratch_operands = 0 : i64, tpu.core_type = #tpu.core_type<tc>} {
    %get3A = arith.constant 0 : index
    %get3A_0 = arith.constant 0 : index
    %get3A_1 = vector.load %arg1[%get3A, %get3A_0] : memref<2x20480xf32, #tpu.memory_space<vmem>>, vector<2x20480xf32>
    %slice3A = vector.extract_strided_slice %get3A_1 {offsets = [0, 10112], sizes = [1, 10000], strides = [1, 1]} : vector<2x20480xf32> to vector<1x10000xf32>
    %squeeze3A = vector.shape_cast %slice3A : vector<1x10000xf32> to vector<10000xf32>
    %jit3A = arith.constant 1.000000e+00 : f32
    %max3A = vector.broadcast %jit3A : f32 to vector<10000xf32>
    %max3A_2 = arith.maximumf %max3A, %squeeze3A : vector<10000xf32>
    %rsqrt3A = math.rsqrt %max3A_2 : vector<10000xf32>
    %reshape3A = vector.shape_cast %rsqrt3A : vector<10000xf32> to vector<10000x1xf32>
    %slice3A_3 = vector.extract_strided_slice %get3A_1 {offsets = [1, 10112], sizes = [1, 10000], strides = [1, 1]} : vector<2x20480xf32> to vector<1x10000xf32>
    %squeeze3A_4 = vector.shape_cast %slice3A_3 : vector<1x10000xf32> to vector<10000xf32>
    %jit3A_5 = arith.constant 1.000000e+00 : f32
    %max3A_6 = vector.broadcast %jit3A_5 : f32 to vector<10000xf32>
    %max3A_7 = arith.maximumf %max3A_6, %squeeze3A_4 : vector<10000xf32>
    %rsqrt3A_8 = math.rsqrt %max3A_7 : vector<10000xf32>
    %reshape3A_9 = vector.shape_cast %rsqrt3A_8 : vector<10000xf32> to vector<10000x1xf32>
    %get3A_10 = arith.constant 0 : index
    %get3A_11 = arith.constant 0 : index
    %get3A_12 = vector.load %arg0[%get3A_10, %get3A_11] : memref<20224x128xf32, #tpu.memory_space<vmem>>, vector<10000x128xf32>
    %mul3A = vector.broadcast %reshape3A : vector<10000x1xf32> to vector<10000x128xf32>
    %mul3A_13 = arith.mulf %get3A_12, %mul3A : vector<10000x128xf32>
    %get3A_14 = arith.constant 0 : index
    %get3A_15 = arith.constant 0 : index
    %get3A_16 = vector.load %arg3[%get3A_14, %get3A_15] : memref<1x128xf32, #tpu.memory_space<vmem>>, vector<1x128xf32>
    %add3A = vector.broadcast %get3A_16 : vector<1x128xf32> to vector<10000x128xf32>
    %add3A_17 = arith.addf %mul3A_13, %add3A : vector<10000x128xf32>
    %get3A_18 = arith.constant 10112 : index
    %get3A_19 = arith.constant 0 : index
    %get3A_20 = vector.load %arg0[%get3A_18, %get3A_19] : memref<20224x128xf32, #tpu.memory_space<vmem>>, vector<10000x128xf32>
    %mul3A_21 = vector.broadcast %reshape3A_9 : vector<10000x1xf32> to vector<10000x128xf32>
    %mul3A_22 = arith.mulf %get3A_20, %mul3A_21 : vector<10000x128xf32>
    %get3A_23 = arith.constant 0 : index
    %get3A_24 = arith.constant 0 : index
    %get3A_25 = vector.load %arg4[%get3A_23, %get3A_24] : memref<1x128xf32, #tpu.memory_space<vmem>>, vector<1x128xf32>
    %add3A_26 = vector.broadcast %get3A_25 : vector<1x128xf32> to vector<10000x128xf32>
    %add3A_27 = arith.addf %mul3A_22, %add3A_26 : vector<10000x128xf32>
    %add3A_28 = arith.addf %add3A_17, %add3A_27 : vector<10000x128xf32>
    %mul3A_29 = arith.constant 5.000000e-01 : f32
    %mul3A_30 = vector.broadcast %mul3A_29 : f32 to vector<10000x128xf32>
    %mul3A_31 = arith.mulf %mul3A_30, %add3A_28 : vector<10000x128xf32>
    %get3A_32 = arith.constant 0 : index
    %get3A_33 = arith.constant 0 : index
    %get3A_34 = vector.load %arg2[%get3A_32, %get3A_33] : memref<10000x128xf32, #tpu.memory_space<vmem>>, vector<10000x128xf32>
    %add3A_35 = arith.addf %mul3A_31, %get3A_34 : vector<10000x128xf32>
    %get3A_36 = arith.constant 0 : index
    %get3A_37 = arith.constant 0 : index
    %get3A_38 = vector.load %arg5[%get3A_36, %get3A_37] : memref<1x128xf32, #tpu.memory_space<vmem>>, vector<1x128xf32>
    %get3A_39 = arith.constant 0 : index
    %get3A_40 = arith.constant 0 : index
    %get3A_41 = vector.load %arg6[%get3A_39, %get3A_40] : memref<1x128xf32, #tpu.memory_space<vmem>>, vector<1x128xf32>
    %reduce_sum3A = arith.constant dense<0.000000e+00> : vector<128xf32>
    %reduce_sum3A_42 = vector.multi_reduction <add>, %add3A_35, %reduce_sum3A [0] : vector<10000x128xf32> to vector<128xf32>
    %broadcast_in_dim3A = vector.shape_cast %reduce_sum3A_42 : vector<128xf32> to vector<1x128xf32>
    %div3A = arith.constant 1.000000e+04 : f32
    %div3A_43 = vector.broadcast %div3A : f32 to vector<1x128xf32>
    %div3A_44 = arith.divf %broadcast_in_dim3A, %div3A_43 : vector<1x128xf32>
    %sub3A = vector.broadcast %div3A_44 : vector<1x128xf32> to vector<10000x128xf32>
    %sub3A_45 = arith.subf %add3A_35, %sub3A : vector<10000x128xf32>
    %integer_pow3A = arith.mulf %sub3A_45, %sub3A_45 : vector<10000x128xf32>
    %reduce_sum3A_46 = arith.constant dense<0.000000e+00> : vector<128xf32>
    %reduce_sum3A_47 = vector.multi_reduction <add>, %integer_pow3A, %reduce_sum3A_46 [0] : vector<10000x128xf32> to vector<128xf32>
    %broadcast_in_dim3A_48 = vector.shape_cast %reduce_sum3A_47 : vector<128xf32> to vector<1x128xf32>
    %div3A_49 = arith.constant 1.000000e+04 : f32
    %div3A_50 = vector.broadcast %div3A_49 : f32 to vector<1x128xf32>
    %div3A_51 = arith.divf %broadcast_in_dim3A_48, %div3A_50 : vector<1x128xf32>
    %sub3A_52 = vector.broadcast %div3A_44 : vector<1x128xf32> to vector<10000x128xf32>
    %sub3A_53 = arith.subf %add3A_35, %sub3A_52 : vector<10000x128xf32>
    %mul3A_54 = vector.broadcast %get3A_38 : vector<1x128xf32> to vector<10000x128xf32>
    %mul3A_55 = arith.mulf %mul3A_54, %sub3A_53 : vector<10000x128xf32>
    %add3A_56 = arith.constant 9.99999974E-6 : f32
    %add3A_57 = vector.broadcast %add3A_56 : f32 to vector<1x128xf32>
    %add3A_58 = arith.addf %div3A_51, %add3A_57 : vector<1x128xf32>
    %rsqrt3A_59 = math.rsqrt %add3A_58 : vector<1x128xf32>
    %mul3A_60 = vector.broadcast %rsqrt3A_59 : vector<1x128xf32> to vector<10000x128xf32>
    %mul3A_61 = arith.mulf %mul3A_55, %mul3A_60 : vector<10000x128xf32>
    %add3A_62 = vector.broadcast %get3A_41 : vector<1x128xf32> to vector<10000x128xf32>
    %add3A_63 = arith.addf %mul3A_61, %add3A_62 : vector<10000x128xf32>
    %ge3A = arith.constant 0.000000e+00 : f32
    %ge3A_64 = vector.broadcast %ge3A : f32 to vector<10000x128xf32>
    %ge3A_65 = arith.cmpf oge, %add3A_63, %ge3A_64 : vector<10000x128xf32>
    %mul3A_66 = arith.constant 0.00999999977 : f32
    %mul3A_67 = vector.broadcast %mul3A_66 : f32 to vector<10000x128xf32>
    %mul3A_68 = arith.mulf %mul3A_67, %add3A_63 : vector<10000x128xf32>
    %select_n3A = arith.select %ge3A_65, %add3A_63, %mul3A_68 : vector<10000x128xi1>, vector<10000x128xf32>
    %swap3A = arith.constant 0 : index
    %swap3A_69 = arith.constant 0 : index
    %swap3A_70 = vector.load %arg7[%swap3A, %swap3A_69] : memref<10000x128xf32, #tpu.memory_space<vmem>>, vector<10000x128xf32>
    tpu.vector_store %arg7[%swap3A, %swap3A_69], %select_n3A {strides = array<i32>} : memref<10000x128xf32, #tpu.memory_space<vmem>>, vector<10000x128xf32>,
    return
  }
}

module attributes {stable_mosaic.version = 14 : i64} {
  func.func @_tc_head(%arg0: memref<10000x128xf32, #tpu.memory_space<vmem>>, %arg1: memref<128x128xf32, #tpu.memory_space<vmem>>, %arg2: memref<1x128xf32, #tpu.memory_space<vmem>>, %arg3: memref<1x128xf32, #tpu.memory_space<vmem>>, %arg4: memref<1x128xf32, #tpu.memory_space<vmem>>, %arg5: memref<128x40xf32, #tpu.memory_space<vmem>>, %arg6: memref<1x40xf32, #tpu.memory_space<vmem>>, %arg7: memref<10000x40xf32, #tpu.memory_space<vmem>>) attributes {dimension_semantics = [], scalar_prefetch = 0 : i64, scratch_operands = 0 : i64, tpu.core_type = #tpu.core_type<tc>} {
    %get3A = arith.constant 0 : index
    %get3A_0 = arith.constant 0 : index
    %get3A_1 = vector.load %arg0[%get3A, %get3A_0] : memref<10000x128xf32, #tpu.memory_space<vmem>>, vector<10000x128xf32>
    %get3A_2 = arith.constant 0 : index
    %get3A_3 = arith.constant 0 : index
    %get3A_4 = vector.load %arg1[%get3A_2, %get3A_3] : memref<128x128xf32, #tpu.memory_space<vmem>>, vector<128x128xf32>
    %dot_general3A = arith.constant dense<0.000000e+00> : vector<10000x128xf32>
    %dot_general3A_5 = tpu.matmul %get3A_1, %get3A_4, %dot_general3A {dimension_numbers = #tpu.dot_dimension_numbers<[1], [0], [0], [1], [0, 0, 1, 1], [], []>, precision = #tpu.contract_precision<fp32>, transpose_lhs_hint = false} : vector<10000x128xf32>, vector<128x128xf32>, vector<10000x128xf32> -> vector<10000x128xf32>
    %get3A_6 = arith.constant 0 : index
    %get3A_7 = arith.constant 0 : index
    %get3A_8 = vector.load %arg2[%get3A_6, %get3A_7] : memref<1x128xf32, #tpu.memory_space<vmem>>, vector<1x128xf32>
    %add3A = vector.broadcast %get3A_8 : vector<1x128xf32> to vector<10000x128xf32>
    %add3A_9 = arith.addf %dot_general3A_5, %add3A : vector<10000x128xf32>
    %get3A_10 = arith.constant 0 : index
    %get3A_11 = arith.constant 0 : index
    %get3A_12 = vector.load %arg3[%get3A_10, %get3A_11] : memref<1x128xf32, #tpu.memory_space<vmem>>, vector<1x128xf32>
    %get3A_13 = arith.constant 0 : index
    %get3A_14 = arith.constant 0 : index
    %get3A_15 = vector.load %arg4[%get3A_13, %get3A_14] : memref<1x128xf32, #tpu.memory_space<vmem>>, vector<1x128xf32>
    %reduce_sum3A = arith.constant dense<0.000000e+00> : vector<128xf32>
    %reduce_sum3A_16 = vector.multi_reduction <add>, %add3A_9, %reduce_sum3A [0] : vector<10000x128xf32> to vector<128xf32>
    %broadcast_in_dim3A = vector.shape_cast %reduce_sum3A_16 : vector<128xf32> to vector<1x128xf32>
    %div3A = arith.constant 1.000000e+04 : f32
    %div3A_17 = vector.broadcast %div3A : f32 to vector<1x128xf32>
    %div3A_18 = arith.divf %broadcast_in_dim3A, %div3A_17 : vector<1x128xf32>
    %sub3A = vector.broadcast %div3A_18 : vector<1x128xf32> to vector<10000x128xf32>
    %sub3A_19 = arith.subf %add3A_9, %sub3A : vector<10000x128xf32>
    %integer_pow3A = arith.mulf %sub3A_19, %sub3A_19 : vector<10000x128xf32>
    %reduce_sum3A_20 = arith.constant dense<0.000000e+00> : vector<128xf32>
    %reduce_sum3A_21 = vector.multi_reduction <add>, %integer_pow3A, %reduce_sum3A_20 [0] : vector<10000x128xf32> to vector<128xf32>
    %broadcast_in_dim3A_22 = vector.shape_cast %reduce_sum3A_21 : vector<128xf32> to vector<1x128xf32>
    %div3A_23 = arith.constant 1.000000e+04 : f32
    %div3A_24 = vector.broadcast %div3A_23 : f32 to vector<1x128xf32>
    %div3A_25 = arith.divf %broadcast_in_dim3A_22, %div3A_24 : vector<1x128xf32>
    %sub3A_26 = vector.broadcast %div3A_18 : vector<1x128xf32> to vector<10000x128xf32>
    %sub3A_27 = arith.subf %add3A_9, %sub3A_26 : vector<10000x128xf32>
    %mul3A = vector.broadcast %get3A_12 : vector<1x128xf32> to vector<10000x128xf32>
    %mul3A_28 = arith.mulf %mul3A, %sub3A_27 : vector<10000x128xf32>
    %add3A_29 = arith.constant 9.99999974E-6 : f32
    %add3A_30 = vector.broadcast %add3A_29 : f32 to vector<1x128xf32>
    %add3A_31 = arith.addf %div3A_25, %add3A_30 : vector<1x128xf32>
    %rsqrt3A = math.rsqrt %add3A_31 : vector<1x128xf32>
    %mul3A_32 = vector.broadcast %rsqrt3A : vector<1x128xf32> to vector<10000x128xf32>
    %mul3A_33 = arith.mulf %mul3A_28, %mul3A_32 : vector<10000x128xf32>
    %add3A_34 = vector.broadcast %get3A_15 : vector<1x128xf32> to vector<10000x128xf32>
    %add3A_35 = arith.addf %mul3A_33, %add3A_34 : vector<10000x128xf32>
    %max3A = arith.constant 0.000000e+00 : f32
    %max3A_36 = vector.broadcast %max3A : f32 to vector<10000x128xf32>
    %max3A_37 = arith.maximumf %add3A_35, %max3A_36 : vector<10000x128xf32>
    %get3A_38 = arith.constant 0 : index
    %get3A_39 = arith.constant 0 : index
    %get3A_40 = vector.load %arg5[%get3A_38, %get3A_39] : memref<128x40xf32, #tpu.memory_space<vmem>>, vector<128x40xf32>
    %dot_general3A_41 = arith.constant dense<0.000000e+00> : vector<10000x40xf32>
    %dot_general3A_42 = tpu.matmul %max3A_37, %get3A_40, %dot_general3A_41 {dimension_numbers = #tpu.dot_dimension_numbers<[1], [0], [0], [1], [0, 0, 1, 1], [], []>, precision = #tpu.contract_precision<fp32>, transpose_lhs_hint = false} : vector<10000x128xf32>, vector<128x40xf32>, vector<10000x40xf32> -> vector<10000x40xf32>
    %get3A_43 = arith.constant 0 : index
    %get3A_44 = arith.constant 0 : index
    %get3A_45 = vector.load %arg6[%get3A_43, %get3A_44] : memref<1x40xf32, #tpu.memory_space<vmem>>, vector<1x40xf32>
    %add3A_46 = vector.broadcast %get3A_45 : vector<1x40xf32> to vector<10000x40xf32>
    %add3A_47 = arith.addf %dot_general3A_42, %add3A_46 : vector<10000x40xf32>
    %swap3A = arith.constant 0 : index
    %swap3A_48 = arith.constant 0 : index
    %swap3A_49 = vector.load %arg7[%swap3A, %swap3A_48] : memref<10000x40xf32, #tpu.memory_space<vmem>>, vector<10000x40xf32>
    tpu.vector_store %arg7[%swap3A, %swap3A_48], %add3A_47 {strides = array<i32>} : memref<10000x40xf32, #tpu.memory_space<vmem>>, vector<10000x40xf32>,
    return
  }
}

</mosaic_0001>

<sc_bundles>
// kernel: kernel.11.cloned.1.call-start
scs
__scs_entry_jumppad:
0x0: {  	(pc) =	sbr.rel $0x88, $3  }
0x1: {  	(tag) =	ssettag $0x0;
	lr =	simm.s32 $0x1  }
0x2: {  	[smem:$0x3F84] =	sst lr;
	_ =	strace $0xD0000000  }
0x3: {  	_ = 	snop  }
0x4: {  	_ = 	snop  }
0x5: {  	_ = 	snop  }
0x6: {  	_ = 	snop  }
0x7: {  	_ = 	snop  }
__scs_overlays_trampoline_lowered:
0x8: {  	[smem:$0x3F93] =	sst s0  }
0x9: {  	[smem:$0x3F94] =	sst s1  }
0xa: {  	[smem:$0x3F95] =	sst s2  }
0xb: {  	[smem:$0x3F96] =	sst s3  }
0xc: {  	[smem:$0x3F97] =	sst s4  }
0xd: {  	[smem:$0x3F98] =	sst s5  }
0xe: {  	[smem:$0x3F99] =	sst s6  }
0xf: {  	[smem:$0x3F9A] =	sst s7  }
0x10: {  	[smem:$0x3F9B] =	sst s8  }
0x11: {  	[smem:$0x3F9C] =	sst s9;
	s0 =	simm.s32 @!p0 $0x0  }
0x12: {  	s1 =	sld [smem:$0x3F82];
	s0 =	simm.s32 @p0 $0x1  }
0x13: {  	[smem:$0x3F9D] =	sst s0;
	s0 =	simm.s32 @!p1 $0x0  }
0x14: {  	s2 =	sld [smem:$0x3F81];
	s0 =	simm.s32 @p1 $0x1  }
0x15: {  	[smem:$0x3F9E] =	sst s0;
	s0 =	simm.s32 @!p2 $0x0  }
0x16: {  	s3 =	sld [smem:$0x3FDB];
	s0 =	simm.s32 @p2 $0x1  }
0x17: {  	s4 =	simm.s32 $0x1BF5;
	[smem:$0x3FA0] =	sst s0  }
0x18: {  	s0 =	sld [smem:$0x3F83];
	_ =	swait.ge [sflag:s4], $0x0  }
0x19: {  	s7 =	sld [smem:$0x3F84]  }
0x1a: {  	s8 =	sadd.s32 $0xFFFFE003, lr  }
0x1b: {  	s9 =	sadd.s32 $0xFFFFFEF7, lr;
	s5 =	simm.s32 $0xFFFFFFFF;
	p2 =	slt.u32 s8, $0xFFFFF086  }
0x1c: {  	p1 =	slt.u32 s9, $0xF7A;
	s5 =	simm.s32 @!p2 $0x0  }
0x1d: {  	s5 =	simm.s32 @p1 $0x1;
	p0 =	seq.s32 s7, s2  }
0x1e: {  	s7 =	smul.u32 @!p0 $0xF7A, s2;
	p2 =	seq.s32 @!p0 s5, $0x0  }
0x1f: {  	s9 =	smul.u32 $0xF7A, s1;
	s8 =	simm.s32 @!p0 $0x1BF5;
	p2 =	por !p2, p0  }
0x20: {  	[sflag:s8] =	ssyncset.s32 @!p0 $0xFFFFF086;
	s6 =	sadd.s32 @!p0 s3, s7;
	s7 =	simm.s32 @!p0 $0x108  }
0x21: {  	s3 =	sadd.s32 s3, s9;
	s6 =	sadd.s32 @!p0 $0x88, s6;
	s7 =	simm.s32 @p2 $0x1082  }
0x22: {  	[simem:s7], [sflag:s8] =	dma.local @!p0 [hbm:s6], $0xF7A  }
0x23: {  	s9 =	sor.u32 $0xD0000000, s2;
	s6 =	simm.s32 $0x108;
	_ =	swait.ge @!p0 [sflag:s8], $0x0  }
0x24: {  	s3 =	sadd.s32 $0x88, s3;
	s6 =	simm.s32 @!p1 $0x1082;
	[sflag:s4] =	ssyncset.s32 $0xFFFFF086  }
0x25: {  	[simem:s6], [sflag:s4] =	dma.local [hbm:s3], $0xF7A  }
0x26: {  	[smem:$0x3F84] =	sst s1;
	(tag) =	ssettag s2;
	_ =	strace s9  }
0x27: {  	s1 =	sld [smem:$0x3F94]  }
0x28: {  	s2 =	sld [smem:$0x3F95]  }
0x29: {  	s4 =	sld [smem:$0x3F97]  }
0x2a: {  	p0 =	seq.s32 s5, $0x0;
	s5 =	sld [smem:$0x3F98]  }
0x2b: {  	s6 =	sld [smem:$0x3F99]  }
0x2c: {  	s7 =	sld [smem:$0x3F9A]  }
0x2d: {  	s3 =	simm.s32 $0x108;
	s8 =	sld [smem:$0x3F9B]  }
0x2e: {  	s3 =	simm.s32 @!p0 $0x1082;
	s9 =	sld [smem:$0x3F9C]  }
0x2f: {  	lr =	sadd.s32 s0, s3;
	s0 =	sld [smem:$0x3F93]  }
0x30: {  	s3 =	sld [smem:$0x3F96]  }
0x31: {  	[smem:$0x3F9F] =	sst s10  }
0x32: {  	s10 =	sld [smem:$0x3F9D];
	_ =	sdelay $0x3  }
0x33: {  	p0 =	seq.s32 s10, $0x1;
	s10 =	sld [smem:$0x3F9F];
	_ =	sdelay $0x3  }
0x34: {  	[smem:$0x3F9F] =	sst s10  }
0x35: {  	s10 =	sld [smem:$0x3F9E];
	_ =	sdelay $0x3  }
0x36: {  	p1 =	seq.s32 s10, $0x1;
	s10 =	sld [smem:$0x3F9F];
	_ =	sdelay $0x3  }
0x37: {  	[smem:$0x3F9F] =	sst s10  }
0x38: {  	s10 =	sld [smem:$0x3FA0]  }
0x39: {  	_ = 	snop;
	(pc) =	sbr.ind lr, $3  }
0x3a: {  	_ = 	snop  }
0x3b: {  	_ = 	snop  }
0x3c: {  	p2 =	seq.s32 s10, $0x1;
	s10 =	sld [smem:$0x3F9F]  }
0x3d: {  	_ =	shalt  }
0x3e: {  	_ =	shalt  }
0x3f: {  	_ =	shalt  }
0x40: {  	_ =	shalt  }
0x41: {  	_ =	shalt  }
0x42: {  	_ =	shalt  }
0x43: {  	_ =	shalt  }
0x44: {  	_ =	shalt  }
0x45: {  	_ =	shalt  }
0x46: {  	_ =	shalt  }
0x47: {  	_ =	shalt  }
0x48: {  	_ =	shalt  }
0x49: {  	_ =	shalt  }
0x4a: {  	_ =	shalt  }
0x4b: {  	_ =	shalt  }
0x4c: {  	_ =	shalt  }
0x4d: {  	_ =	shalt  }
0x4e: {  	_ =	shalt  }
0x4f: {  	_ =	shalt  }
0x50: {  	_ =	shalt  }
0x51: {  	_ =	shalt  }
0x52: {  	_ =	shalt  }
0x53: {  	_ =	shalt  }
0x54: {  	_ =	shalt  }
0x55: {  	_ =	shalt  }
0x56: {  	_ =	shalt  }
0x57: {  	_ =	shalt  }
0x58: {  	_ =	shalt  }
0x59: {  	_ =	shalt  }
0x5a: {  	_ =	shalt  }
0x5b: {  	_ =	shalt  }
0x5c: {  	_ =	shalt  }
0x5d: {  	_ =	shalt  }
0x5e: {  	_ =	shalt  }
0x5f: {  	_ =	shalt  }
0x60: {  	_ =	shalt  }
0x61: {  	_ =	shalt  }
0x62: {  	_ =	shalt  }
0x63: {  	_ =	shalt  }
0x64: {  	_ =	shalt  }
0x65: {  	_ =	shalt  }
0x66: {  	_ =	shalt  }
0x67: {  	_ =	shalt  }
0x68: {  	_ =	shalt  }
0x69: {  	_ =	shalt  }
0x6a: {  	_ =	shalt  }
0x6b: {  	_ =	shalt  }
0x6c: {  	_ =	shalt  }
0x6d: {  	_ =	shalt  }
0x6e: {  	_ =	shalt  }
0x6f: {  	_ =	shalt  }
0x70: {  	_ =	shalt  }
0x71: {  	_ =	shalt  }
0x72: {  	_ =	shalt  }
0x73: {  	_ =	shalt  }
0x74: {  	_ =	shalt  }
0x75: {  	_ =	shalt  }
0x76: {  	_ =	shalt  }
0x77: {  	_ =	shalt  }
0x78: {  	_ =	shalt  }
0x79: {  	_ =	shalt  }
0x7a: {  	_ =	shalt  }
0x7b: {  	_ =	shalt  }
0x7c: {  	_ =	shalt  }
0x7d: {  	_ =	shalt  }
0x7e: {  	_ =	shalt  }
0x7f: {  	_ =	shalt  }
0x80: {  	_ =	shalt  }
0x81: {  	_ =	shalt  }
0x82: {  	_ =	shalt  }
0x83: {  	_ =	shalt  }
0x84: {  	_ =	shalt  }
0x85: {  	_ =	shalt  }
0x86: {  	_ =	shalt  }
0x87: {  	_ =	shalt  }
.Lfunc_end0:
.L_simem_size_0:
called_computation_lowered:
.L_overlay_start_0:
0x88: {  	s2 =	sld [smem:$0x3FD9]  }
0x89: {  	s3 =	sld [smem:$0x3FFE];
	_ =	sdelay $0x1  }
0x8a: {  	s1 =	srdreg.scid  }
0x8b: {  	s0 =	sand.u32 $0x1, s1  }
0x8c: {  	s16 =	sshll.u32 s0, $0xA;
	s2 =	sadd.s32 s3, s2  }
0x8d: {  	s2 =	sadd.s32 s2, s16  }
0x8e: {  	[smem:$0x3FAB] =	sst s2  }
0x8f: {  	_ = 	snop  }
0x90: {  	(tm) =	ssettm $0x1  }
0x91: {  	s17 =	sld [smem:$0x3FFB];
	_ =	sdelay $0x3  }
0x92: {  	_ =	strace s17  }
0x93: {  	s2 =	sld [smem:$0x3FFC];
	_ =	sdelay $0x3  }
0x94: {  	_ =	strace s2  }
0x95: {  	s2 =	sld [smem:$0x3FFD];
	_ =	sdelay $0x3  }
0x96: {  	_ =	strace s2  }
0x97: {  	_ =	strace $0x8FFFFFFF  }
0x98: {  	s18 =	sld [smem:$0x3FDB];
	_ =	sdelay $0x1  }
0x99: {  	s19 =	simm.s32 $_scs_section_size  }
0x9a: {  	s4 =	simm.s32 $_size__tile_overlayer_lowered;
	s5 =	simm.s32 $_tile_overlayer_lowered  }
0x9b: {  	s22 =	simm.s32 $0x1BFF;
	s21 =	sshll.u32 s5, $0x1;
	s2 =	sadd.s32 s19, s18  }
0x9c: {  	s6 =	simm.s32 $0x0;
	s20 =	sshll.u32 s4, $0x1;
	s4 =	sadd.s32 s21, s2  }
0x9d: {  	[timem:s6], [sflag:s22] =	dma.local [hbm:s4], s20  }
0x9e: {  	_ =	swait.ge [sflag:s22], s20  }
0x9f: {  	s3 =	ssub.s32 $0x0, s20;
	[sflag:s22] =	ssyncset.done $0x0  }
0xa0: {  	[sflag:s22] =	ssyncadd.s32 s3;
	_ =	sdelay $0x1  }
0xa1: {  	s23 =	simm.s32 $0x1B8B  }
0xa2: {  	_ =	swait.ge [sflag:s23], $0x1  }
0xa3: {  	[sflag:s23] =	ssyncset.done $0x0  }
0xa4: {  	s25 =	simm.s32 $0x1B8E;
	s24 =	sld [smem:$0x3FFE];
	[sflag:s23] =	ssyncadd.s32 $0xFFFFFFFF  }
0xa5: {  	s26 =	simm.s32 $execute0_lowered;
	[smem:$0x3FD2] =	sst s25  }
0xa6: {  	s4 =	sshll.u32 s26, $0x1;
	_ =	strace $0x80000046;
	[dreg:$0x1] =	wrdreg $0xFFFFFFFF  }
0xa7: {  	s28 =	simm.s32 $_size_execute0_lowered;
	s2 =	sadd.s32 s2, s4;
	[dreg:$0x0] =	wrdreg $0x0  }
0xa8: {  	s4 =	sshll.u32 s28, $0x1;
	[dreg:$0x2] =	wrdreg s2  }
0xa9: {  	[dreg:$0x3] =	wrdreg s4  }
0xaa: {  	[dreg:$0x4] =	wrdreg $0xC0  }
0xab: {  	_ =	task [dreg:s6], $0x5FFFF  }
0xac: {  	[dreg:$0x1] =	wrdreg $0xFFFFFFFF  }
0xad: {  	[dreg:$0x0] =	wrdreg $0x60  }
0xae: {  	[dreg:$0x2] =	wrdreg s24  }
0xaf: {  	[dreg:$0x3] =	wrdreg $0x50800  }
0xb0: {  	[dreg:$0x4] =	wrdreg $0x9  }
0xb1: {  	_ =	task.clear_ibuf [dreg:s6], $0x5FFFF;
	_ =	strace $0x90000046  }
0xb2: {  	s29 =	simm.s32 $0x9;
	_ =	strace $0x80000048  }
0xb3: {  	_ =	swait.ge [sflag:s29], $0x1  }
0xb4: {  	[sflag:s29] =	ssyncadd.s32 $0xFFFFFFFF  }
0xb5: {  	_ =	strace $0x90000048  }
0xb6: {  	_ =	sfence  }
0xb7: {  	s30 =	sld [smem:$0x0];
	_ =	sdelay $0x2  }
0xb8: {  	s31 =	sshll.u32 s1, $0xD;
	s1 =	sshrl.u32 s1, $0x2  }
0xb9: {  	s3 =	sand.u32 $0x4000, s31;
	s1 =	sadd.s32 s1, s30  }
0xba: {  	s0 =	sor.u32 s3, s0;
	s1 =	sshll.u32 s1, $0x11  }
0xbb: {  	s0 =	sor.u32 s1, s0  }
0xbc: {  	s0 =	sadd.s32 $0x8F2B, s0  }
0xbd: {  	[sflag:s0] =	ssyncadd.remote.s32 $0x1  }
0xbe: {  	_ =	sfence.sel $0xFFFF  }
0xbf: {  	[dreg:$0x0] =	wrdreg $0xFFFFFFFF;
	(pc) =	sbr.abs _section_cstart, $3  }
0xc0: {  	[dreg:$0x1] =	wrdreg $0xFFFFFFFF  }
0xc1: {  	_ =	task.clear_ibuf [dreg:s6], $0x2FFFF;
	_ =	strace $0x9FFFFFFF  }
0xc2: {  	(tm) =	ssettm $0x7FFFFFFF  }
0xc3: {  	_ =	shalt  }
tec
execute0_lowered:
.L_overlay_start_1:
0x0: {  	(tag) =	ssettag $0x1  }
0x1: {  	s6 =	rddreg [dreg:$0x0]  }
0x2: {  	s2 =	rddreg [dreg:$0x1]  }
0x3: {  	s0 =	srdreg.scid;
	s1 =	rddreg [dreg:$0x2]  }
0x4: {  	s3 =	simm.s32 $0x0;
	s12 =	simm.s32 $0x80;
	s7 =	sand.u32 $0x1, s0  }
0x5: {  	s15 =	simm.s32 $0x10;
	s0 =	stileid.u32;
	s4 =	smul.u32 $0xA000, s7  }
0x6: {  	s16 =	simm.s32 $0x0;
	[smem:$0x7FF] =	sst s3;
	s5 =	smul.u32 $0xA00, s0  }
0x7: {  	_ =	strace $0x80000047;
	s9 =	ssub.s32 $0x2, s7;
	s10 =	smul.u32 $0x1400, s0  }
0x8: {  	s7 =	sshll.u32 s7, $0x4;
	s14 =	smul.u32 $0x140, s0;
	s31 =	sshll.u32 s0, $0x6  }
0x9: {  	s11 =	sshrl.u32 s9, $0x1;
	s7 =	sadd.s32 s7, s6;
	s4 =	sadd.s32 s5, s4  }
0xa: {  	s5 =	sadd.s32 $0x22800, s6;
	s9 =	ssub.s32 s9, s11;
	s10 =	sshrl.u32 s10, $0x2  }
0xb: {  	s13 =	sadd.s32 $0x22A00, s7;
	s8 =	sadd.s32 s4, s6;
	s4 =	sadd.s32 $0x22600, s6  }
0xc: {  	s30 =	sadd.s32 s10, s2;
	s7 =	smax.u32 s9, $0x1;
	s9 =	simm.s32 $0x5000  }
0xd: {  	s10 =	sor.u32 $0x1C01, s31;
	s13 =	sadd.s32 s14, s13;
	s14 =	simm.s32 $0x20  }
0xe: {  	s6 =	sadd.s32 $0xE600, s8;
	s8 =	simm.s32 $0x1;
	s11 =	sshrl.u32 s30, $0x3  }
.LBB2_1:
0xf: {  	[tilespmem:s3], [sflag:$0x1] =	stream.linear.gather [hbm4b:s6+s3], $0x5000, $0x38;
	[tilespmem:$0x5580] =	vst v63  }
0x10: {  	_ =	swait.ge [sflag:s8], $0x5000  }
0x11: {  	[sflag:s8] =	ssyncset.done $0x0  }
0x12: {  	[sflag:s8] =	ssyncadd.s32 $0xFFFFB000  }
0x13: {  	[tilespmem:s9], [sflag:$0x1] =	stream.linear.gather [hbm4b:s5+s3], $0x80, $0x38;
	[tilespmem:$0x5580] =	vst v63  }
0x14: {  	_ =	swait.ge [sflag:s8], $0x80  }
0x15: {  	[sflag:s8] =	ssyncset.done $0x0  }
0x16: {  	[sflag:s8] =	ssyncadd.s32 $0xFFFFFF80  }
0x17: {  	[spmem:s11], [sflag:s10] =	dma.local [hbm:s4], $0xA0  }
0x18: {  	_ =	swait.ge [sflag:s8], $0xA0  }
0x19: {  	[sflag:s8] =	ssyncset.done $0x0  }
0x1a: {  	[sflag:s8] =	ssyncadd.s32 $0xFFFFFF60  }
0x1b: {  	s17 =	simm.s32 $0x0;
	[bflag:$0x0] =	sbarrier.arrive $0xFFFF  }
0x1c: {  	[spmem:s2] =	stream.indirect.scatter.add.f32 [tilespmem:s9], [sflag:$0x1], $0x1, s17, s12, $0xb8;
	[tilespmem:$0x5580] =	vst v63  }
0x1d: {  	_ =	swait.ge [sflag:s8], $0x80  }
0x1e: {  	s17 =	simm.s32 $0x200;
	[sflag:s8] =	ssyncset.done $0x0  }
.LBB2_2:
0x1f: {  	s18 =	sshra.s32 s17, $0x2;
	[sflag:s8] =	ssyncadd.s32 $0xFFFFFF80;
	p0 =	sne.s32 s17, $0x13E00  }
0x20: {  	[spmem:s2] =	stream.indirect.scatter.add.f32 [tilespmem:s9], [sflag:$0x1], $0x1, s18, s12, $0xb8;
	[tilespmem:$0x5580] =	vst v63  }
.Ltmp0:
0x21: {  	_ = 	snop;
	(pc) =	sbr.rel @p0 .LBB2_2-.Ltmp0, $4  }
0x22: {  	_ = 	snop  }
0x23: {  	s17 =	sadd.s32 $0x200, s17  }
0x24: {  	_ =	swait.ge [sflag:s8], $0x80  }
0x25: {  	[sflag:s8] =	ssyncset.done $0x0  }
0x26: {  	s16 =	sadd.s32 $0x1, s16  }
0x27: {  	[sflag:s8] =	ssyncadd.s32 $0xFFFFFF80;
	p0 =	sne.s32 s16, s7  }
.Ltmp1:
0x28: {  	[bflag:$0x0] =	sbarrier.arrive $0xFFFF;
	(pc) =	sbr.rel @p0 .LBB2_1-.Ltmp1, $4  }
0x29: {  	[hbm:s13@s14], [sflag:s10] =	dma.strided [spmem:s11@s15], $0xA0, s8, $0x10   }
0x2a: {  	_ =	swait.ge [sflag:s8], $0xA0  }
0x2b: {  	[sflag:s8] =	ssyncset.done $0x0  }
0x2c: {  	[sflag:s8] =	ssyncadd.s32 $0xFFFFFF60  }
0x2d: {  	_ =	sfence.sel $0x180000  }
0x2e: {  	[bflag:$0x0] =	sbarrier.arrive $0xFFFF  }
0x2f: {  	p0 =	sne.s32 s0, $0x0;
	_ =	strace $0x90000047  }
0x30: {  	s0 =	sadd.s32 @!p0 $0x100000, s1;
	[bflag:$0x2] =	sbarrier.arrive $0xFFFF  }
0x31: {  	[sflag:s0] =	ssyncadd.tile.s32 @!p0 $0x1;
	_ =	shalt  }
.Lfunc_end2:
_tile_overlayer_lowered:
.L_overlay_start_2:
0x32: {  	(tag) =	ssettag $0x2  }
0x33: {  	s0 =	rddreg [dreg:$0x0];
	s2 =	stileid.u32  }
0x34: {  	s1 =	rddreg [dreg:$0x1];
	p0 =	sne.s32 s2, $0x0  }
0x35: {  	s3 =	rddreg [dreg:$0x2];
	[bflag:$0x3] =	sbarrier.arrive $0xFFFF;
	s2 =	simm.s32 @!p0 $0x1C01  }
0x36: {  	[timem:s3], [sflag:s2] =	dma.local @!p0 [hbm:s0], s1  }
0x37: {  	s0 =	simm.s32 @!p0 $0x1  }
0x38: {  	_ =	swait.ge @!p0 [sflag:s0], s1  }
0x39: {  	s1 =	ssub.s32 @!p0 $0x0, s1;
	[sflag:s0] =	ssyncset.done @!p0 $0x0  }
0x3a: {  	[sflag:s0] =	ssyncadd.s32 @!p0 s1  }
0x3b: {  	[bflag:$0x3] =	sbarrier.arrive $0xFFFF  }
0x3c: {  	_ =	shalt  }

// kernel: kernel.14.cloned.1.call-start
scs
__scs_entry_jumppad:
0x0: {  	(pc) =	sbr.rel $0x88, $3  }
0x1: {  	(tag) =	ssettag $0x0;
	lr =	simm.s32 $0x1  }
0x2: {  	[smem:$0x3F84] =	sst lr;
	_ =	strace $0xD0000000  }
0x3: {  	_ = 	snop  }
0x4: {  	_ = 	snop  }
0x5: {  	_ = 	snop  }
0x6: {  	_ = 	snop  }
0x7: {  	_ = 	snop  }
__scs_overlays_trampoline_lowered:
0x8: {  	[smem:$0x3F93] =	sst s0  }
0x9: {  	[smem:$0x3F94] =	sst s1  }
0xa: {  	[smem:$0x3F95] =	sst s2  }
0xb: {  	[smem:$0x3F96] =	sst s3  }
0xc: {  	[smem:$0x3F97] =	sst s4  }
0xd: {  	[smem:$0x3F98] =	sst s5  }
0xe: {  	[smem:$0x3F99] =	sst s6  }
0xf: {  	[smem:$0x3F9A] =	sst s7  }
0x10: {  	[smem:$0x3F9B] =	sst s8  }
0x11: {  	[smem:$0x3F9C] =	sst s9;
	s0 =	simm.s32 @!p0 $0x0  }
0x12: {  	s1 =	sld [smem:$0x3F82];
	s0 =	simm.s32 @p0 $0x1  }
0x13: {  	[smem:$0x3F9D] =	sst s0;
	s0 =	simm.s32 @!p1 $0x0  }
0x14: {  	s2 =	sld [smem:$0x3F81];
	s0 =	simm.s32 @p1 $0x1  }
0x15: {  	[smem:$0x3F9E] =	sst s0;
	s0 =	simm.s32 @!p2 $0x0  }
0x16: {  	s3 =	sld [smem:$0x3FDB];
	s0 =	simm.s32 @p2 $0x1  }
0x17: {  	s4 =	simm.s32 $0x1BF5;
	[smem:$0x3FA0] =	sst s0  }
0x18: {  	s0 =	sld [smem:$0x3F83];
	_ =	swait.ge [sflag:s4], $0x0  }
0x19: {  	s7 =	sld [smem:$0x3F84]  }
0x1a: {  	s8 =	sadd.s32 $0xFFFFE003, lr  }
0x1b: {  	s9 =	sadd.s32 $0xFFFFFEF7, lr;
	s5 =	simm.s32 $0xFFFFFFFF;
	p2 =	slt.u32 s8, $0xFFFFF086  }
0x1c: {  	p1 =	slt.u32 s9, $0xF7A;
	s5 =	simm.s32 @!p2 $0x0  }
0x1d: {  	s5 =	simm.s32 @p1 $0x1;
	p0 =	seq.s32 s7, s2  }
0x1e: {  	s7 =	smul.u32 @!p0 $0xF7A, s2;
	p2 =	seq.s32 @!p0 s5, $0x0  }
0x1f: {  	s9 =	smul.u32 $0xF7A, s1;
	s8 =	simm.s32 @!p0 $0x1BF5;
	p2 =	por !p2, p0  }
0x20: {  	[sflag:s8] =	ssyncset.s32 @!p0 $0xFFFFF086;
	s6 =	sadd.s32 @!p0 s3, s7;
	s7 =	simm.s32 @!p0 $0x108  }
0x21: {  	s3 =	sadd.s32 s3, s9;
	s6 =	sadd.s32 @!p0 $0x88, s6;
	s7 =	simm.s32 @p2 $0x1082  }
0x22: {  	[simem:s7], [sflag:s8] =	dma.local @!p0 [hbm:s6], $0xF7A  }
0x23: {  	s9 =	sor.u32 $0xD0000000, s2;
	s6 =	simm.s32 $0x108;
	_ =	swait.ge @!p0 [sflag:s8], $0x0  }
0x24: {  	s3 =	sadd.s32 $0x88, s3;
	s6 =	simm.s32 @!p1 $0x1082;
	[sflag:s4] =	ssyncset.s32 $0xFFFFF086  }
0x25: {  	[simem:s6], [sflag:s4] =	dma.local [hbm:s3], $0xF7A  }
0x26: {  	[smem:$0x3F84] =	sst s1;
	(tag) =	ssettag s2;
	_ =	strace s9  }
0x27: {  	s1 =	sld [smem:$0x3F94]  }
0x28: {  	s2 =	sld [smem:$0x3F95]  }
0x29: {  	s4 =	sld [smem:$0x3F97]  }
0x2a: {  	p0 =	seq.s32 s5, $0x0;
	s5 =	sld [smem:$0x3F98]  }
0x2b: {  	s6 =	sld [smem:$0x3F99]  }
0x2c: {  	s7 =	sld [smem:$0x3F9A]  }
0x2d: {  	s3 =	simm.s32 $0x108;
	s8 =	sld [smem:$0x3F9B]  }
0x2e: {  	s3 =	simm.s32 @!p0 $0x1082;
	s9 =	sld [smem:$0x3F9C]  }
0x2f: {  	lr =	sadd.s32 s0, s3;
	s0 =	sld [smem:$0x3F93]  }
0x30: {  	s3 =	sld [smem:$0x3F96]  }
0x31: {  	[smem:$0x3F9F] =	sst s10  }
0x32: {  	s10 =	sld [smem:$0x3F9D];
	_ =	sdelay $0x3  }
0x33: {  	p0 =	seq.s32 s10, $0x1;
	s10 =	sld [smem:$0x3F9F];
	_ =	sdelay $0x3  }
0x34: {  	[smem:$0x3F9F] =	sst s10  }
0x35: {  	s10 =	sld [smem:$0x3F9E];
	_ =	sdelay $0x3  }
0x36: {  	p1 =	seq.s32 s10, $0x1;
	s10 =	sld [smem:$0x3F9F];
	_ =	sdelay $0x3  }
0x37: {  	[smem:$0x3F9F] =	sst s10  }
0x38: {  	s10 =	sld [smem:$0x3FA0]  }
0x39: {  	_ = 	snop;
	(pc) =	sbr.ind lr, $3  }
0x3a: {  	_ = 	snop  }
0x3b: {  	_ = 	snop  }
0x3c: {  	p2 =	seq.s32 s10, $0x1;
	s10 =	sld [smem:$0x3F9F]  }
0x3d: {  	_ =	shalt  }
0x3e: {  	_ =	shalt  }
0x3f: {  	_ =	shalt  }
0x40: {  	_ =	shalt  }
0x41: {  	_ =	shalt  }
0x42: {  	_ =	shalt  }
0x43: {  	_ =	shalt  }
0x44: {  	_ =	shalt  }
0x45: {  	_ =	shalt  }
0x46: {  	_ =	shalt  }
0x47: {  	_ =	shalt  }
0x48: {  	_ =	shalt  }
0x49: {  	_ =	shalt  }
0x4a: {  	_ =	shalt  }
0x4b: {  	_ =	shalt  }
0x4c: {  	_ =	shalt  }
0x4d: {  	_ =	shalt  }
0x4e: {  	_ =	shalt  }
0x4f: {  	_ =	shalt  }
0x50: {  	_ =	shalt  }
0x51: {  	_ =	shalt  }
0x52: {  	_ =	shalt  }
0x53: {  	_ =	shalt  }
0x54: {  	_ =	shalt  }
0x55: {  	_ =	shalt  }
0x56: {  	_ =	shalt  }
0x57: {  	_ =	shalt  }
0x58: {  	_ =	shalt  }
0x59: {  	_ =	shalt  }
0x5a: {  	_ =	shalt  }
0x5b: {  	_ =	shalt  }
0x5c: {  	_ =	shalt  }
0x5d: {  	_ =	shalt  }
0x5e: {  	_ =	shalt  }
0x5f: {  	_ =	shalt  }
0x60: {  	_ =	shalt  }
0x61: {  	_ =	shalt  }
0x62: {  	_ =	shalt  }
0x63: {  	_ =	shalt  }
0x64: {  	_ =	shalt  }
0x65: {  	_ =	shalt  }
0x66: {  	_ =	shalt  }
0x67: {  	_ =	shalt  }
0x68: {  	_ =	shalt  }
0x69: {  	_ =	shalt  }
0x6a: {  	_ =	shalt  }
0x6b: {  	_ =	shalt  }
0x6c: {  	_ =	shalt  }
0x6d: {  	_ =	shalt  }
0x6e: {  	_ =	shalt  }
0x6f: {  	_ =	shalt  }
0x70: {  	_ =	shalt  }
0x71: {  	_ =	shalt  }
0x72: {  	_ =	shalt  }
0x73: {  	_ =	shalt  }
0x74: {  	_ =	shalt  }
0x75: {  	_ =	shalt  }
0x76: {  	_ =	shalt  }
0x77: {  	_ =	shalt  }
0x78: {  	_ =	shalt  }
0x79: {  	_ =	shalt  }
0x7a: {  	_ =	shalt  }
0x7b: {  	_ =	shalt  }
0x7c: {  	_ =	shalt  }
0x7d: {  	_ =	shalt  }
0x7e: {  	_ =	shalt  }
0x7f: {  	_ =	shalt  }
0x80: {  	_ =	shalt  }
0x81: {  	_ =	shalt  }
0x82: {  	_ =	shalt  }
0x83: {  	_ =	shalt  }
0x84: {  	_ =	shalt  }
0x85: {  	_ =	shalt  }
0x86: {  	_ =	shalt  }
0x87: {  	_ =	shalt  }
.Lfunc_end0:
.L_simem_size_0:
called_computation.1_lowered:
.L_overlay_start_0:
0x88: {  	s2 =	sld [smem:$0x3FD9]  }
0x89: {  	s3 =	sld [smem:$0x3FFE];
	_ =	sdelay $0x1  }
0x8a: {  	s1 =	srdreg.scid  }
0x8b: {  	s0 =	sand.u32 $0x1, s1  }
0x8c: {  	s17 =	sshll.u32 s0, $0xA;
	s2 =	sadd.s32 s3, s2  }
0x8d: {  	s2 =	sadd.s32 s2, s17  }
0x8e: {  	[smem:$0x3FAB] =	sst s2  }
0x8f: {  	_ = 	snop  }
0x90: {  	s2 =	sld [smem:$0x3FD0];
	(tm) =	ssettm $0x1  }
0x91: {  	s18 =	sld [smem:$0x3FFB];
	_ =	sdelay $0x3  }
0x92: {  	_ =	strace s18  }
0x93: {  	s3 =	sld [smem:$0x3FFC];
	_ =	sdelay $0x3  }
0x94: {  	_ =	strace s3  }
0x95: {  	s3 =	sld [smem:$0x3FFD];
	_ =	sdelay $0x3  }
0x96: {  	_ =	strace s3  }
0x97: {  	_ =	strace $0x8FFFFFFF  }
0x98: {  	s19 =	sld [smem:$0x3FDB];
	_ =	sdelay $0x1  }
0x99: {  	s4 =	simm.s32 $_scs_section_size  }
0x9a: {  	s5 =	simm.s32 $_size__tile_overlayer_lowered;
	s6 =	simm.s32 $_tile_overlayer_lowered  }
0x9b: {  	s22 =	simm.s32 $0x1BFF;
	s21 =	sshll.u32 s6, $0x1;
	s3 =	sadd.s32 s4, s19  }
0x9c: {  	s7 =	simm.s32 $0x0;
	s20 =	sshll.u32 s5, $0x1;
	s5 =	sadd.s32 s21, s3  }
0x9d: {  	[timem:s7], [sflag:s22] =	dma.local [hbm:s5], s20  }
0x9e: {  	_ =	swait.ge [sflag:s22], s20  }
0x9f: {  	s4 =	ssub.s32 $0x0, s20;
	[sflag:s22] =	ssyncset.done $0x0  }
0xa0: {  	[sflag:s22] =	ssyncadd.s32 s4;
	_ =	sdelay $0x1  }
0xa1: {  	s23 =	simm.s32 $0x1B8B  }
0xa2: {  	_ =	swait.ge [sflag:s23], $0x1  }
0xa3: {  	[sflag:s23] =	ssyncset.done $0x0  }
0xa4: {  	s25 =	simm.s32 $0x1B8E;
	s24 =	sld [smem:$0x3FFE];
	[sflag:s23] =	ssyncadd.s32 $0xFFFFFFFF  }
0xa5: {  	s26 =	simm.s32 $execute0_lowered;
	[smem:$0x3FD2] =	sst s25  }
0xa6: {  	s5 =	sshll.u32 s26, $0x1;
	_ =	strace $0x80000049;
	[dreg:$0x1] =	wrdreg $0xFFFFFFFF  }
0xa7: {  	s28 =	simm.s32 $_size_execute0_lowered;
	s3 =	sadd.s32 s3, s5;
	[dreg:$0x0] =	wrdreg $0x0  }
0xa8: {  	s5 =	sshll.u32 s28, $0x1;
	[dreg:$0x2] =	wrdreg s3  }
0xa9: {  	[dreg:$0x3] =	wrdreg s5  }
0xaa: {  	[dreg:$0x4] =	wrdreg $0xC0  }
0xab: {  	_ =	task [dreg:s7], $0x5FFFF  }
0xac: {  	[dreg:$0x1] =	wrdreg $0xFFFFFFFF  }
0xad: {  	[dreg:$0x0] =	wrdreg $0x60  }
0xae: {  	[dreg:$0x2] =	wrdreg s24  }
0xaf: {  	[dreg:$0x3] =	wrdreg s2  }
0xb0: {  	[dreg:$0x4] =	wrdreg $0xAC000  }
0xb1: {  	[dreg:$0x5] =	wrdreg $0x9  }
0xb2: {  	_ =	task.clear_ibuf [dreg:s7], $0x6FFFF;
	_ =	strace $0x90000049  }
0xb3: {  	s29 =	simm.s32 $0x9;
	_ =	strace $0x8000004B  }
0xb4: {  	_ =	swait.ge [sflag:s29], $0x1  }
0xb5: {  	[sflag:s29] =	ssyncadd.s32 $0xFFFFFFFF  }
0xb6: {  	_ =	strace $0x9000004B  }
0xb7: {  	_ =	sfence  }
0xb8: {  	s30 =	sld [smem:$0x0];
	_ =	sdelay $0x2  }
0xb9: {  	s31 =	sshll.u32 s1, $0xD;
	s1 =	sshrl.u32 s1, $0x2  }
0xba: {  	s3 =	sand.u32 $0x4000, s31;
	s1 =	sadd.s32 s1, s30  }
0xbb: {  	s0 =	sor.u32 s3, s0;
	s1 =	sshll.u32 s1, $0x11  }
0xbc: {  	s0 =	sor.u32 s1, s0  }
0xbd: {  	s0 =	sadd.s32 $0x8F2B, s0  }
0xbe: {  	[sflag:s0] =	ssyncadd.remote.s32 $0x1  }
0xbf: {  	_ =	sfence.sel $0xFFFF  }
0xc0: {  	[dreg:$0x0] =	wrdreg $0xFFFFFFFF;
	(pc) =	sbr.abs _section_cstart, $3  }
0xc1: {  	[dreg:$0x1] =	wrdreg $0xFFFFFFFF  }
0xc2: {  	_ =	task.clear_ibuf [dreg:s7], $0x2FFFF;
	_ =	strace $0x9FFFFFFF  }
0xc3: {  	(tm) =	ssettm $0x7FFFFFFF  }
tec
execute0_lowered:
.L_overlay_start_1:
0x0: {  	(tag) =	ssettag $0x1  }
0x1: {  	s5 =	rddreg [dreg:$0x0]  }
0x2: {  	s7 =	rddreg [dreg:$0x1];
	s0 =	srdreg.scid  }
0x3: {  	s6 =	rddreg [dreg:$0x2];
	s1 =	stileid.u32;
	s2 =	simm.s32 $0x0  }
0x4: {  	s14 =	simm.s32 $0x4C00;
	s15 =	simm.s32 $0x2800;
	s4 =	smul.u32 $0x50, s1  }
0x5: {  	s16 =	simm.s32 $0x1;
	s17 =	simm.s32 $0x6C00;
	s9 =	smul.u32 $0x2780, s1  }
0x6: {  	s18 =	simm.s32 $0x8C00;
	s19 =	simm.s32 $0x2;
	s13 =	smul.u32 $0x4F000, s1  }
0x7: {  	s8 =	sand.u32 $0x1, s0;
	s0 =	rddreg [dreg:$0x3];
	s30 =	smul.u32 $0x500, s1  }
0x8: {  	s20 =	simm.s32 $0x0;
	[smem:$0x7FF] =	sst s2;
	s3 =	smul.u32 $0x500, s8  }
0x9: {  	s31 =	sshll.u32 s1, $0x6;
	s10 =	smul.u32 $0x27800, s8;
	s12 =	ssub.s32 $0x2, s8  }
0xa: {  	_ =	strace $0x8000004A;
	s8 =	smul.u32 $0x5000, s8;
	s28 =	sshrl.u32 s12, $0x1  }
0xb: {  	s29 =	sshrl.u32 s13, $0x2;
	s13 =	simm.s32 $0x2C00;
	s4 =	sadd.s32 s4, s3  }
0xc: {  	s3 =	sadd.s32 $0xE600, s5;
	s9 =	sadd.s32 s9, s10;
	s10 =	ssub.s32 s12, s28  }
.Ltmp0:
0xd: {  	s8 =	sadd.s32 s8, s7;
	s12 =	simm.s32 $0x40;
	(pc) =	sbr.rel .LBB2_1-.Ltmp0, $4  }
0xe: {  	s4 =	sshll.u32 s4, $0x4;
	s9 =	sadd.s32 s9, s5;
	s7 =	smax.u32 s10, $0x1  }
0xf: {  	s8 =	sadd.s32 s30, s8;
	s10 =	sor.u32 $0x1C03, s31;
	s11 =	sadd.s32 s4, s5  }
0x10: {  	s4 =	sadd.s32 $0x5D600, s5;
	s5 =	sadd.s32 $0x4600, s11;
	s11 =	sadd.s32 s29, s6  }
0x11: {  	s6 =	sadd.s32 $0x5FE00, s9;
	s9 =	simm.s32 $0x3;
	s11 =	sshrl.u32 s11, $0x3  }
.LBB2_4:
0x12: {  	s20 =	sadd.s32 $0x1, s20  }
0x13: {  	p0 =	sne.s32 s20, s7  }
.Ltmp1:
0x14: {  	[bflag:$0x0] =	sbarrier.arrive $0xFFFF;
	(pc) =	sbr.rel @!p0 .LBB2_5-.Ltmp1, $4  }
0x15: {  	[hbm:s6], [sflag:s10] =	dma.local [spmem:s11], $0x2780  }
0x16: {  	_ =	swait.ge [sflag:s9], $0x2780  }
0x17: {  	[sflag:s9] =	ssyncset.done $0x0  }
0x18: {  	[sflag:s9] =	ssyncadd.s32 $0xFFFFD880  }
.LBB2_1:
0x19: {  	[tilespmem:s2], [sflag:$0x3] =	stream.linear.gather [hbm4b:s5+s2], $0x2800, $0x38;
	[tilespmem:$0x1E800] =	vst v63  }
0x1a: {  	_ =	swait.ge [sflag:s9], $0x2800  }
0x1b: {  	[sflag:s9] =	ssyncset.done $0x0  }
0x1c: {  	[sflag:s9] =	ssyncadd.s32 $0xFFFFD800  }
0x1d: {  	[spmem:s11], [sflag:s10] =	dma.local [hbm:s4], $0x2780  }
0x1e: {  	_ =	swait.ge [sflag:s9], $0x2780  }
0x1f: {  	[sflag:s9] =	ssyncset.done $0x0  }
0x20: {  	[sflag:s9] =	ssyncadd.s32 $0xFFFFD880  }
0x21: {  	[bflag:$0x0] =	sbarrier.arrive $0xFFFF  }
0x22: {  	[tilespmem:s13], [sflag:$0x1] =	stream.indirect.gather [hbm4b:s3+s12], $0x80, s2, s12, $0xb8;
	[tilespmem:$0x1E800] =	vst v63  }
0x23: {  	s21 =	simm.s32 $0x0;
	s22 =	smov.u32 s8  }
0x24: {  	[tilespmem:s14], [sflag:$0x1] =	stream.indirect.gather [hbm4b:s3+s12], $0x80, s12, s12, $0xb8;
	[tilespmem:$0x1E800] =	vst v63  }
.LBB2_2:
0x25: {  	[tilespmem:s15], [sflag:$0x3] =	stream.linear.gather [hbm4b:s22+s2], $0x400, $0x38;
	[tilespmem:$0x1E800] =	vst v63  }
0x26: {  	_ =	swait.ge [sflag:s9], $0x400  }
0x27: {  	[sflag:s9] =	ssyncset.done $0x0  }
0x28: {  	[sflag:s9] =	ssyncadd.s32 $0xFFFFFC00  }
0x29: {  	_ =	swait.ge [sflag:s16], $0x2000  }
0x2a: {  	[sflag:s16] =	ssyncset.done $0x0  }
0x2b: {  	[sflag:s16] =	ssyncadd.s32 $0xFFFFE000  }
0x2c: {  	_ =	swait.ge [sflag:s16], $0x2000  }
0x2d: {  	s23 =	sshra.s32 s21, $0x2;
	[sflag:s16] =	ssyncset.done $0x0  }
0x2e: {  	s24 =	sadd.s32 $0x80, s23;
	[sflag:s16] =	ssyncadd.s32 $0xFFFFE000  }
0x2f: {  	[tilespmem:s17], [sflag:$0x2] =	stream.indirect.gather [hbm4b:s3+s12], $0x80, s24, s12, $0xb8;
	[tilespmem:$0x1E800] =	vst v63  }
0x30: {  	s31 =	sadd.s32 $0xC0, s23  }
0x31: {  	[tilespmem:s18], [sflag:$0x2] =	stream.indirect.gather [hbm4b:s3+s12], $0x80, s31, s12, $0xb8;
	[tilespmem:$0x1E800] =	vst v63  }
0x32: {  	_ =	swait.ge [sflag:s19], $0x2000  }
0x33: {  	[sflag:s19] =	ssyncset.done $0x0  }
0x34: {  	[sflag:s19] =	ssyncadd.s32 $0xFFFFE000  }
0x35: {  	_ =	swait.ge [sflag:s19], $0x2000  }
0x36: {  	[sflag:s19] =	ssyncset.done $0x0  }
0x37: {  	s25 =	sadd.s32 $0x100, s23;
	[sflag:s19] =	ssyncadd.s32 $0xFFFFE000  }
0x38: {  	[tilespmem:s13], [sflag:$0x1] =	stream.indirect.gather [hbm4b:s3+s12], $0x80, s25, s12, $0xb8;
	[tilespmem:$0x1E800] =	vst v63  }
0x39: {  	s26 =	sadd.s32 $0x140, s23  }
0x3a: {  	[tilespmem:s14], [sflag:$0x1] =	stream.indirect.gather [hbm4b:s3+s12], $0x80, s26, s12, $0xb8;
	[tilespmem:$0x1E800] =	vst v63  }
0x3b: {  	_ =	swait.ge [sflag:s16], $0x2000  }
0x3c: {  	[sflag:s16] =	ssyncset.done $0x0  }
0x3d: {  	[sflag:s16] =	ssyncadd.s32 $0xFFFFE000  }
0x3e: {  	_ =	swait.ge [sflag:s16], $0x2000  }
0x3f: {  	[sflag:s16] =	ssyncset.done $0x0  }
0x40: {  	s28 =	sadd.s32 $0x180, s23;
	[sflag:s16] =	ssyncadd.s32 $0xFFFFE000  }
0x41: {  	[tilespmem:s17], [sflag:$0x2] =	stream.indirect.gather [hbm4b:s3+s12], $0x80, s28, s12, $0xb8;
	[tilespmem:$0x1E800] =	vst v63  }
0x42: {  	s29 =	sadd.s32 $0x1C0, s23  }
0x43: {  	[tilespmem:s18], [sflag:$0x2] =	stream.indirect.gather [hbm4b:s3+s12], $0x80, s29, s12, $0xb8;
	[tilespmem:$0x1E800] =	vst v63  }
0x44: {  	_ =	swait.ge [sflag:s19], $0x2000  }
0x45: {  	[sflag:s19] =	ssyncset.done $0x0  }
0x46: {  	[sflag:s19] =	ssyncadd.s32 $0xFFFFE000  }
0x47: {  	_ =	swait.ge [sflag:s19], $0x2000  }
0x48: {  	[sflag:s19] =	ssyncset.done $0x0  }
0x49: {  	s30 =	sadd.s32 $0x200, s23;
	[sflag:s19] =	ssyncadd.s32 $0xFFFFE000  }
0x4a: {  	[tilespmem:s13], [sflag:$0x1] =	stream.indirect.gather [hbm4b:s3+s12], $0x80, s30, s12, $0xb8;
	[tilespmem:$0x1E800] =	vst v63  }
0x4b: {  	s31 =	sadd.s32 $0x240, s23  }
0x4c: {  	[tilespmem:s14], [sflag:$0x1] =	stream.indirect.gather [hbm4b:s3+s12], $0x80, s31, s12, $0xb8;
	[tilespmem:$0x1E800] =	vst v63  }
0x4d: {  	_ =	swait.ge [sflag:s16], $0x2000  }
0x4e: {  	[sflag:s16] =	ssyncset.done $0x0  }
0x4f: {  	[sflag:s16] =	ssyncadd.s32 $0xFFFFE000  }
0x50: {  	_ =	swait.ge [sflag:s16], $0x2000  }
0x51: {  	[sflag:s16] =	ssyncset.done $0x0  }
0x52: {  	s25 =	sadd.s32 $0x280, s23;
	[sflag:s16] =	ssyncadd.s32 $0xFFFFE000  }
0x53: {  	[tilespmem:s17], [sflag:$0x2] =	stream.indirect.gather [hbm4b:s3+s12], $0x80, s25, s12, $0xb8;
	[tilespmem:$0x1E800] =	vst v63  }
0x54: {  	s26 =	sadd.s32 $0x2C0, s23  }
0x55: {  	[tilespmem:s18], [sflag:$0x2] =	stream.indirect.gather [hbm4b:s3+s12], $0x80, s26, s12, $0xb8;
	[tilespmem:$0x1E800] =	vst v63  }
0x56: {  	_ =	swait.ge [sflag:s19], $0x2000  }
0x57: {  	[sflag:s19] =	ssyncset.done $0x0  }
0x58: {  	[sflag:s19] =	ssyncadd.s32 $0xFFFFE000  }
0x59: {  	_ =	swait.ge [sflag:s19], $0x2000  }
0x5a: {  	[sflag:s19] =	ssyncset.done $0x0  }
0x5b: {  	s28 =	sadd.s32 $0x300, s23;
	[sflag:s19] =	ssyncadd.s32 $0xFFFFE000  }
0x5c: {  	[tilespmem:s13], [sflag:$0x1] =	stream.indirect.gather [hbm4b:s3+s12], $0x80, s28, s12, $0xb8;
	[tilespmem:$0x1E800] =	vst v63  }
0x5d: {  	s29 =	sadd.s32 $0x340, s23  }
0x5e: {  	[tilespmem:s14], [sflag:$0x1] =	stream.indirect.gather [hbm4b:s3+s12], $0x80, s29, s12, $0xb8;
	[tilespmem:$0x1E800] =	vst v63  }
0x5f: {  	_ =	swait.ge [sflag:s16], $0x2000  }
0x60: {  	[sflag:s16] =	ssyncset.done $0x0  }
0x61: {  	[sflag:s16] =	ssyncadd.s32 $0xFFFFE000  }
0x62: {  	_ =	swait.ge [sflag:s16], $0x2000  }
0x63: {  	[sflag:s16] =	ssyncset.done $0x0  }
0x64: {  	s30 =	sadd.s32 $0x380, s23;
	[sflag:s16] =	ssyncadd.s32 $0xFFFFE000  }
0x65: {  	[tilespmem:s17], [sflag:$0x2] =	stream.indirect.gather [hbm4b:s3+s12], $0x80, s30, s12, $0xb8;
	[tilespmem:$0x1E800] =	vst v63  }
0x66: {  	s31 =	sadd.s32 $0x3C0, s23  }
0x67: {  	[tilespmem:s18], [sflag:$0x2] =	stream.indirect.gather [hbm4b:s3+s12], $0x80, s31, s12, $0xb8;
	[tilespmem:$0x1E800] =	vst v63  }
0x68: {  	p0 =	seq.s32 s21, $0x9000;
	_ =	swait.ge [sflag:s19], $0x2000  }
.Ltmp2:
0x69: {  	[sflag:s19] =	ssyncset.done $0x0;
	(pc) =	sbr.rel @p0 .LBB2_4-.Ltmp2, $4  }
0x6a: {  	[sflag:s19] =	ssyncadd.s32 $0xFFFFE000  }
0x6b: {  	_ =	swait.ge [sflag:s19], $0x2000  }
0x6c: {  	[sflag:s19] =	ssyncset.done $0x0  }
0x6d: {  	[sflag:s19] =	ssyncadd.s32 $0xFFFFE000  }
.Ltmp3:
0x6e: {  	(pc) =	sbr.rel .LBB2_2-.Ltmp3, $4  }
0x6f: {  	s24 =	sadd.s32 $0x400, s23  }
0x70: {  	[tilespmem:s13], [sflag:$0x1] =	stream.indirect.gather [hbm4b:s3+s12], $0x80, s24, s12, $0xb8;
	[tilespmem:$0x1E800] =	vst v63  }
0x71: {  	s31 =	sadd.s32 $0x440, s23;
	s22 =	sadd.s32 $0x80, s22;
	s21 =	sadd.s32 $0x1000, s21  }
0x72: {  	[tilespmem:s14], [sflag:$0x1] =	stream.indirect.gather [hbm4b:s3+s12], $0x80, s31, s12, $0xb8;
	[tilespmem:$0x1E800] =	vst v63  }
.LBB2_5:
0x73: {  	_ =	sfence.sel $0x180000  }
0x74: {  	[bflag:$0x0] =	sbarrier.arrive $0xFFFF  }
0x75: {  	p0 =	sne.s32 s1, $0x0;
	_ =	strace $0x9000004A  }
0x76: {  	s0 =	sadd.s32 @!p0 $0x100000, s0;
	[bflag:$0x2] =	sbarrier.arrive $0xFFFF  }
0x77: {  	[sflag:s0] =	ssyncadd.tile.s32 @!p0 $0x1;
	_ =	shalt  }
.Lfunc_end2:
_tile_overlayer_lowered:
.L_overlay_start_2:
0x78: {  	(tag) =	ssettag $0x2  }
0x79: {  	s0 =	rddreg [dreg:$0x0];
	s2 =	stileid.u32  }
0x7a: {  	s1 =	rddreg [dreg:$0x1];
	p0 =	sne.s32 s2, $0x0  }
0x7b: {  	s3 =	rddreg [dreg:$0x2];
	[bflag:$0x3] =	sbarrier.arrive $0xFFFF;
	s2 =	simm.s32 @!p0 $0x1C03  }
0x7c: {  	[timem:s3], [sflag:s2] =	dma.local @!p0 [hbm:s0], s1  }
0x7d: {  	s0 =	simm.s32 @!p0 $0x3  }
0x7e: {  	_ =	swait.ge @!p0 [sflag:s0], s1  }
0x7f: {  	s1 =	ssub.s32 @!p0 $0x0, s1;
	[sflag:s0] =	ssyncset.done @!p0 $0x0  }
0x80: {  	[sflag:s0] =	ssyncadd.s32 @!p0 s1  }
0x81: {  	[bflag:$0x3] =	sbarrier.arrive $0xFFFF  }
0x82: {  	_ =	shalt  }

// kernel: kernel.17.cloned.1.call-start
scs
__scs_entry_jumppad:
0x0: {  	(pc) =	sbr.rel $0x88, $3  }
0x1: {  	(tag) =	ssettag $0x0;
	lr =	simm.s32 $0x1  }
0x2: {  	[smem:$0x3F84] =	sst lr;
	_ =	strace $0xD0000000  }
0x3: {  	_ = 	snop  }
0x4: {  	_ = 	snop  }
0x5: {  	_ = 	snop  }
0x6: {  	_ = 	snop  }
0x7: {  	_ = 	snop  }
__scs_overlays_trampoline_lowered:
0x8: {  	[smem:$0x3F93] =	sst s0  }
0x9: {  	[smem:$0x3F94] =	sst s1  }
0xa: {  	[smem:$0x3F95] =	sst s2  }
0xb: {  	[smem:$0x3F96] =	sst s3  }
0xc: {  	[smem:$0x3F97] =	sst s4  }
0xd: {  	[smem:$0x3F98] =	sst s5  }
0xe: {  	[smem:$0x3F99] =	sst s6  }
0xf: {  	[smem:$0x3F9A] =	sst s7  }
0x10: {  	[smem:$0x3F9B] =	sst s8  }
0x11: {  	[smem:$0x3F9C] =	sst s9;
	s0 =	simm.s32 @!p0 $0x0  }
0x12: {  	s1 =	sld [smem:$0x3F82];
	s0 =	simm.s32 @p0 $0x1  }
0x13: {  	[smem:$0x3F9D] =	sst s0;
	s0 =	simm.s32 @!p1 $0x0  }
0x14: {  	s2 =	sld [smem:$0x3F81];
	s0 =	simm.s32 @p1 $0x1  }
0x15: {  	[smem:$0x3F9E] =	sst s0;
	s0 =	simm.s32 @!p2 $0x0  }
0x16: {  	s3 =	sld [smem:$0x3FDB];
	s0 =	simm.s32 @p2 $0x1  }
0x17: {  	s4 =	simm.s32 $0x1BF5;
	[smem:$0x3FA0] =	sst s0  }
0x18: {  	s0 =	sld [smem:$0x3F83];
	_ =	swait.ge [sflag:s4], $0x0  }
0x19: {  	s7 =	sld [smem:$0x3F84]  }
0x1a: {  	s8 =	sadd.s32 $0xFFFFE003, lr  }
0x1b: {  	s9 =	sadd.s32 $0xFFFFFEF7, lr;
	s5 =	simm.s32 $0xFFFFFFFF;
	p2 =	slt.u32 s8, $0xFFFFF086  }
0x1c: {  	p1 =	slt.u32 s9, $0xF7A;
	s5 =	simm.s32 @!p2 $0x0  }
0x1d: {  	s5 =	simm.s32 @p1 $0x1;
	p0 =	seq.s32 s7, s2  }
0x1e: {  	s7 =	smul.u32 @!p0 $0xF7A, s2;
	p2 =	seq.s32 @!p0 s5, $0x0  }
0x1f: {  	s9 =	smul.u32 $0xF7A, s1;
	s8 =	simm.s32 @!p0 $0x1BF5;
	p2 =	por !p2, p0  }
0x20: {  	[sflag:s8] =	ssyncset.s32 @!p0 $0xFFFFF086;
	s6 =	sadd.s32 @!p0 s3, s7;
	s7 =	simm.s32 @!p0 $0x108  }
0x21: {  	s3 =	sadd.s32 s3, s9;
	s6 =	sadd.s32 @!p0 $0x88, s6;
	s7 =	simm.s32 @p2 $0x1082  }
0x22: {  	[simem:s7], [sflag:s8] =	dma.local @!p0 [hbm:s6], $0xF7A  }
0x23: {  	s9 =	sor.u32 $0xD0000000, s2;
	s6 =	simm.s32 $0x108;
	_ =	swait.ge @!p0 [sflag:s8], $0x0  }
0x24: {  	s3 =	sadd.s32 $0x88, s3;
	s6 =	simm.s32 @!p1 $0x1082;
	[sflag:s4] =	ssyncset.s32 $0xFFFFF086  }
0x25: {  	[simem:s6], [sflag:s4] =	dma.local [hbm:s3], $0xF7A  }
0x26: {  	[smem:$0x3F84] =	sst s1;
	(tag) =	ssettag s2;
	_ =	strace s9  }
0x27: {  	s1 =	sld [smem:$0x3F94]  }
0x28: {  	s2 =	sld [smem:$0x3F95]  }
0x29: {  	s4 =	sld [smem:$0x3F97]  }
0x2a: {  	p0 =	seq.s32 s5, $0x0;
	s5 =	sld [smem:$0x3F98]  }
0x2b: {  	s6 =	sld [smem:$0x3F99]  }
0x2c: {  	s7 =	sld [smem:$0x3F9A]  }
0x2d: {  	s3 =	simm.s32 $0x108;
	s8 =	sld [smem:$0x3F9B]  }
0x2e: {  	s3 =	simm.s32 @!p0 $0x1082;
	s9 =	sld [smem:$0x3F9C]  }
0x2f: {  	lr =	sadd.s32 s0, s3;
	s0 =	sld [smem:$0x3F93]  }
0x30: {  	s3 =	sld [smem:$0x3F96]  }
0x31: {  	[smem:$0x3F9F] =	sst s10  }
0x32: {  	s10 =	sld [smem:$0x3F9D];
	_ =	sdelay $0x3  }
0x33: {  	p0 =	seq.s32 s10, $0x1;
	s10 =	sld [smem:$0x3F9F];
	_ =	sdelay $0x3  }
0x34: {  	[smem:$0x3F9F] =	sst s10  }
0x35: {  	s10 =	sld [smem:$0x3F9E];
	_ =	sdelay $0x3  }
0x36: {  	p1 =	seq.s32 s10, $0x1;
	s10 =	sld [smem:$0x3F9F];
	_ =	sdelay $0x3  }
0x37: {  	[smem:$0x3F9F] =	sst s10  }
0x38: {  	s10 =	sld [smem:$0x3FA0]  }
0x39: {  	_ = 	snop;
	(pc) =	sbr.ind lr, $3  }
0x3a: {  	_ = 	snop  }
0x3b: {  	_ = 	snop  }
0x3c: {  	p2 =	seq.s32 s10, $0x1;
	s10 =	sld [smem:$0x3F9F]  }
0x3d: {  	_ =	shalt  }
0x3e: {  	_ =	shalt  }
0x3f: {  	_ =	shalt  }
0x40: {  	_ =	shalt  }
0x41: {  	_ =	shalt  }
0x42: {  	_ =	shalt  }
0x43: {  	_ =	shalt  }
0x44: {  	_ =	shalt  }
0x45: {  	_ =	shalt  }
0x46: {  	_ =	shalt  }
0x47: {  	_ =	shalt  }
0x48: {  	_ =	shalt  }
0x49: {  	_ =	shalt  }
0x4a: {  	_ =	shalt  }
0x4b: {  	_ =	shalt  }
0x4c: {  	_ =	shalt  }
0x4d: {  	_ =	shalt  }
0x4e: {  	_ =	shalt  }
0x4f: {  	_ =	shalt  }
0x50: {  	_ =	shalt  }
0x51: {  	_ =	shalt  }
0x52: {  	_ =	shalt  }
0x53: {  	_ =	shalt  }
0x54: {  	_ =	shalt  }
0x55: {  	_ =	shalt  }
0x56: {  	_ =	shalt  }
0x57: {  	_ =	shalt  }
0x58: {  	_ =	shalt  }
0x59: {  	_ =	shalt  }
0x5a: {  	_ =	shalt  }
0x5b: {  	_ =	shalt  }
0x5c: {  	_ =	shalt  }
0x5d: {  	_ =	shalt  }
0x5e: {  	_ =	shalt  }
0x5f: {  	_ =	shalt  }
0x60: {  	_ =	shalt  }
0x61: {  	_ =	shalt  }
0x62: {  	_ =	shalt  }
0x63: {  	_ =	shalt  }
0x64: {  	_ =	shalt  }
0x65: {  	_ =	shalt  }
0x66: {  	_ =	shalt  }
0x67: {  	_ =	shalt  }
0x68: {  	_ =	shalt  }
0x69: {  	_ =	shalt  }
0x6a: {  	_ =	shalt  }
0x6b: {  	_ =	shalt  }
0x6c: {  	_ =	shalt  }
0x6d: {  	_ =	shalt  }
0x6e: {  	_ =	shalt  }
0x6f: {  	_ =	shalt  }
0x70: {  	_ =	shalt  }
0x71: {  	_ =	shalt  }
0x72: {  	_ =	shalt  }
0x73: {  	_ =	shalt  }
0x74: {  	_ =	shalt  }
0x75: {  	_ =	shalt  }
0x76: {  	_ =	shalt  }
0x77: {  	_ =	shalt  }
0x78: {  	_ =	shalt  }
0x79: {  	_ =	shalt  }
0x7a: {  	_ =	shalt  }
0x7b: {  	_ =	shalt  }
0x7c: {  	_ =	shalt  }
0x7d: {  	_ =	shalt  }
0x7e: {  	_ =	shalt  }
0x7f: {  	_ =	shalt  }
0x80: {  	_ =	shalt  }
0x81: {  	_ =	shalt  }
0x82: {  	_ =	shalt  }
0x83: {  	_ =	shalt  }
0x84: {  	_ =	shalt  }
0x85: {  	_ =	shalt  }
0x86: {  	_ =	shalt  }
0x87: {  	_ =	shalt  }
.Lfunc_end0:
.L_simem_size_0:
called_computation.2_lowered:
.L_overlay_start_0:
0x88: {  	s2 =	sld [smem:$0x3FD9]  }
0x89: {  	s3 =	sld [smem:$0x3FFE];
	_ =	sdelay $0x1  }
0x8a: {  	s1 =	srdreg.scid  }
0x8b: {  	s0 =	sand.u32 $0x1, s1  }
0x8c: {  	s17 =	sshll.u32 s0, $0xA;
	s2 =	sadd.s32 s3, s2  }
0x8d: {  	s2 =	sadd.s32 s2, s17  }
0x8e: {  	[smem:$0x3FAB] =	sst s2  }
0x8f: {  	_ = 	snop  }
0x90: {  	s2 =	sld [smem:$0x3FD0];
	(tm) =	ssettm $0x1  }
0x91: {  	s18 =	sld [smem:$0x3FFB];
	_ =	sdelay $0x3  }
0x92: {  	_ =	strace s18  }
0x93: {  	s3 =	sld [smem:$0x3FFC];
	_ =	sdelay $0x3  }
0x94: {  	_ =	strace s3  }
0x95: {  	s3 =	sld [smem:$0x3FFD];
	_ =	sdelay $0x3  }
0x96: {  	_ =	strace s3  }
0x97: {  	_ =	strace $0x8FFFFFFF  }
0x98: {  	s19 =	sld [smem:$0x3FDB];
	_ =	sdelay $0x1  }
0x99: {  	s4 =	simm.s32 $_scs_section_size  }
0x9a: {  	s5 =	simm.s32 $_size__tile_overlayer_lowered;
	s6 =	simm.s32 $_tile_overlayer_lowered  }
0x9b: {  	s22 =	simm.s32 $0x1BFF;
	s21 =	sshll.u32 s6, $0x1;
	s3 =	sadd.s32 s4, s19  }
0x9c: {  	s7 =	simm.s32 $0x0;
	s20 =	sshll.u32 s5, $0x1;
	s5 =	sadd.s32 s21, s3  }
0x9d: {  	[timem:s7], [sflag:s22] =	dma.local [hbm:s5], s20  }
0x9e: {  	_ =	swait.ge [sflag:s22], s20  }
0x9f: {  	s4 =	ssub.s32 $0x0, s20;
	[sflag:s22] =	ssyncset.done $0x0  }
0xa0: {  	[sflag:s22] =	ssyncadd.s32 s4;
	_ =	sdelay $0x1  }
0xa1: {  	s23 =	simm.s32 $0x1B8B  }
0xa2: {  	_ =	swait.ge [sflag:s23], $0x1  }
0xa3: {  	[sflag:s23] =	ssyncset.done $0x0  }
0xa4: {  	s25 =	simm.s32 $0x1B8E;
	s24 =	sld [smem:$0x3FFE];
	[sflag:s23] =	ssyncadd.s32 $0xFFFFFFFF  }
0xa5: {  	s26 =	simm.s32 $execute0_lowered;
	[smem:$0x3FD2] =	sst s25  }
0xa6: {  	s5 =	sshll.u32 s26, $0x1;
	_ =	strace $0x8000004C;
	[dreg:$0x1] =	wrdreg $0xFFFFFFFF  }
0xa7: {  	s28 =	simm.s32 $_size_execute0_lowered;
	s3 =	sadd.s32 s3, s5;
	[dreg:$0x0] =	wrdreg $0x0  }
0xa8: {  	s5 =	sshll.u32 s28, $0x1;
	[dreg:$0x2] =	wrdreg s3  }
0xa9: {  	[dreg:$0x3] =	wrdreg s5  }
0xaa: {  	[dreg:$0x4] =	wrdreg $0xC0  }
0xab: {  	_ =	task [dreg:s7], $0x5FFFF  }
0xac: {  	[dreg:$0x1] =	wrdreg $0xFFFFFFFF  }
0xad: {  	[dreg:$0x0] =	wrdreg $0x60  }
0xae: {  	[dreg:$0x2] =	wrdreg s24  }
0xaf: {  	[dreg:$0x3] =	wrdreg s2  }
0xb0: {  	[dreg:$0x4] =	wrdreg $0xAC000  }
0xb1: {  	[dreg:$0x5] =	wrdreg $0x9  }
0xb2: {  	_ =	task.clear_ibuf [dreg:s7], $0x6FFFF;
	_ =	strace $0x9000004C  }
0xb3: {  	s29 =	simm.s32 $0x9;
	_ =	strace $0x8000004E  }
0xb4: {  	_ =	swait.ge [sflag:s29], $0x1  }
0xb5: {  	[sflag:s29] =	ssyncadd.s32 $0xFFFFFFFF  }
0xb6: {  	_ =	strace $0x9000004E  }
0xb7: {  	_ =	sfence  }
0xb8: {  	s30 =	sld [smem:$0x0];
	_ =	sdelay $0x2  }
0xb9: {  	s31 =	sshll.u32 s1, $0xD;
	s1 =	sshrl.u32 s1, $0x2  }
0xba: {  	s3 =	sand.u32 $0x4000, s31;
	s1 =	sadd.s32 s1, s30  }
0xbb: {  	s0 =	sor.u32 s3, s0;
	s1 =	sshll.u32 s1, $0x11  }
0xbc: {  	s0 =	sor.u32 s1, s0  }
0xbd: {  	s0 =	sadd.s32 $0x8F2B, s0  }
0xbe: {  	[sflag:s0] =	ssyncadd.remote.s32 $0x1  }
0xbf: {  	_ =	sfence.sel $0xFFFF  }
0xc0: {  	[dreg:$0x0] =	wrdreg $0xFFFFFFFF;
	(pc) =	sbr.abs _section_cstart, $3  }
0xc1: {  	[dreg:$0x1] =	wrdreg $0xFFFFFFFF  }
0xc2: {  	_ =	task.clear_ibuf [dreg:s7], $0x2FFFF;
	_ =	strace $0x9FFFFFFF  }
0xc3: {  	(tm) =	ssettm $0x7FFFFFFF  }
tec
execute0_lowered:
.L_overlay_start_1:
0x0: {  	(tag) =	ssettag $0x1  }
0x1: {  	s5 =	rddreg [dreg:$0x0]  }
0x2: {  	s7 =	rddreg [dreg:$0x1];
	s0 =	srdreg.scid  }
0x3: {  	s6 =	rddreg [dreg:$0x2];
	s1 =	stileid.u32;
	s2 =	simm.s32 $0x0  }
0x4: {  	s14 =	simm.s32 $0x4C00;
	s15 =	simm.s32 $0x2800;
	s4 =	smul.u32 $0x50, s1  }
0x5: {  	s16 =	simm.s32 $0x1;
	s17 =	simm.s32 $0x6C00;
	s9 =	smul.u32 $0x2780, s1  }
0x6: {  	s18 =	simm.s32 $0x8C00;
	s19 =	simm.s32 $0x2;
	s13 =	smul.u32 $0x4F000, s1  }
0x7: {  	s8 =	sand.u32 $0x1, s0;
	s0 =	rddreg [dreg:$0x3];
	s30 =	smul.u32 $0x500, s1  }
0x8: {  	s20 =	simm.s32 $0x0;
	[smem:$0x7FF] =	sst s2;
	s3 =	smul.u32 $0x500, s8  }
0x9: {  	s31 =	sshll.u32 s1, $0x6;
	s10 =	smul.u32 $0x27800, s8;
	s12 =	ssub.s32 $0x2, s8  }
0xa: {  	_ =	strace $0x8000004D;
	s8 =	smul.u32 $0x5000, s8;
	s28 =	sshrl.u32 s12, $0x1  }
0xb: {  	s29 =	sshrl.u32 s13, $0x2;
	s13 =	simm.s32 $0x2C00;
	s4 =	sadd.s32 s4, s3  }
0xc: {  	s3 =	sadd.s32 $0xE600, s5;
	s9 =	sadd.s32 s9, s10;
	s10 =	ssub.s32 s12, s28  }
.Ltmp0:
0xd: {  	s8 =	sadd.s32 s8, s7;
	s12 =	simm.s32 $0x40;
	(pc) =	sbr.rel .LBB2_1-.Ltmp0, $4  }
0xe: {  	s4 =	sshll.u32 s4, $0x4;
	s9 =	sadd.s32 s9, s5;
	s7 =	smax.u32 s10, $0x1  }
0xf: {  	s8 =	sadd.s32 s30, s8;
	s10 =	sor.u32 $0x1C03, s31;
	s11 =	sadd.s32 s4, s5  }
0x10: {  	s4 =	sadd.s32 $0x5D600, s5;
	s5 =	sadd.s32 $0x4600, s11;
	s11 =	sadd.s32 s29, s6  }
0x11: {  	s6 =	sadd.s32 $0x5FE00, s9;
	s9 =	simm.s32 $0x3;
	s11 =	sshrl.u32 s11, $0x3  }
.LBB2_4:
0x12: {  	s20 =	sadd.s32 $0x1, s20  }
0x13: {  	p0 =	sne.s32 s20, s7  }
.Ltmp1:
0x14: {  	[bflag:$0x0] =	sbarrier.arrive $0xFFFF;
	(pc) =	sbr.rel @!p0 .LBB2_5-.Ltmp1, $4  }
0x15: {  	[hbm:s6], [sflag:s10] =	dma.local [spmem:s11], $0x2780  }
0x16: {  	_ =	swait.ge [sflag:s9], $0x2780  }
0x17: {  	[sflag:s9] =	ssyncset.done $0x0  }
0x18: {  	[sflag:s9] =	ssyncadd.s32 $0xFFFFD880  }
.LBB2_1:
0x19: {  	[tilespmem:s2], [sflag:$0x3] =	stream.linear.gather [hbm4b:s5+s2], $0x2800, $0x38;
	[tilespmem:$0x1E800] =	vst v63  }
0x1a: {  	_ =	swait.ge [sflag:s9], $0x2800  }
0x1b: {  	[sflag:s9] =	ssyncset.done $0x0  }
0x1c: {  	[sflag:s9] =	ssyncadd.s32 $0xFFFFD800  }
0x1d: {  	[spmem:s11], [sflag:s10] =	dma.local [hbm:s4], $0x2780  }
0x1e: {  	_ =	swait.ge [sflag:s9], $0x2780  }
0x1f: {  	[sflag:s9] =	ssyncset.done $0x0  }
0x20: {  	[sflag:s9] =	ssyncadd.s32 $0xFFFFD880  }
0x21: {  	[bflag:$0x0] =	sbarrier.arrive $0xFFFF  }
0x22: {  	[tilespmem:s13], [sflag:$0x1] =	stream.indirect.gather [hbm4b:s3+s12], $0x80, s2, s12, $0xb8;
	[tilespmem:$0x1E800] =	vst v63  }
0x23: {  	s21 =	simm.s32 $0x0;
	s22 =	smov.u32 s8  }
0x24: {  	[tilespmem:s14], [sflag:$0x1] =	stream.indirect.gather [hbm4b:s3+s12], $0x80, s12, s12, $0xb8;
	[tilespmem:$0x1E800] =	vst v63  }
.LBB2_2:
0x25: {  	[tilespmem:s15], [sflag:$0x3] =	stream.linear.gather [hbm4b:s22+s2], $0x400, $0x38;
	[tilespmem:$0x1E800] =	vst v63  }
0x26: {  	_ =	swait.ge [sflag:s9], $0x400  }
0x27: {  	[sflag:s9] =	ssyncset.done $0x0  }
0x28: {  	[sflag:s9] =	ssyncadd.s32 $0xFFFFFC00  }
0x29: {  	_ =	swait.ge [sflag:s16], $0x2000  }
0x2a: {  	[sflag:s16] =	ssyncset.done $0x0  }
0x2b: {  	[sflag:s16] =	ssyncadd.s32 $0xFFFFE000  }
0x2c: {  	_ =	swait.ge [sflag:s16], $0x2000  }
0x2d: {  	s23 =	sshra.s32 s21, $0x2;
	[sflag:s16] =	ssyncset.done $0x0  }
0x2e: {  	s24 =	sadd.s32 $0x80, s23;
	[sflag:s16] =	ssyncadd.s32 $0xFFFFE000  }
0x2f: {  	[tilespmem:s17], [sflag:$0x2] =	stream.indirect.gather [hbm4b:s3+s12], $0x80, s24, s12, $0xb8;
	[tilespmem:$0x1E800] =	vst v63  }
0x30: {  	s31 =	sadd.s32 $0xC0, s23  }
0x31: {  	[tilespmem:s18], [sflag:$0x2] =	stream.indirect.gather [hbm4b:s3+s12], $0x80, s31, s12, $0xb8;
	[tilespmem:$0x1E800] =	vst v63  }
0x32: {  	_ =	swait.ge [sflag:s19], $0x2000  }
0x33: {  	[sflag:s19] =	ssyncset.done $0x0  }
0x34: {  	[sflag:s19] =	ssyncadd.s32 $0xFFFFE000  }
0x35: {  	_ =	swait.ge [sflag:s19], $0x2000  }
0x36: {  	[sflag:s19] =	ssyncset.done $0x0  }
0x37: {  	s25 =	sadd.s32 $0x100, s23;
	[sflag:s19] =	ssyncadd.s32 $0xFFFFE000  }
0x38: {  	[tilespmem:s13], [sflag:$0x1] =	stream.indirect.gather [hbm4b:s3+s12], $0x80, s25, s12, $0xb8;
	[tilespmem:$0x1E800] =	vst v63  }
0x39: {  	s26 =	sadd.s32 $0x140, s23  }
0x3a: {  	[tilespmem:s14], [sflag:$0x1] =	stream.indirect.gather [hbm4b:s3+s12], $0x80, s26, s12, $0xb8;
	[tilespmem:$0x1E800] =	vst v63  }
0x3b: {  	_ =	swait.ge [sflag:s16], $0x2000  }
0x3c: {  	[sflag:s16] =	ssyncset.done $0x0  }
0x3d: {  	[sflag:s16] =	ssyncadd.s32 $0xFFFFE000  }
0x3e: {  	_ =	swait.ge [sflag:s16], $0x2000  }
0x3f: {  	[sflag:s16] =	ssyncset.done $0x0  }
0x40: {  	s28 =	sadd.s32 $0x180, s23;
	[sflag:s16] =	ssyncadd.s32 $0xFFFFE000  }
0x41: {  	[tilespmem:s17], [sflag:$0x2] =	stream.indirect.gather [hbm4b:s3+s12], $0x80, s28, s12, $0xb8;
	[tilespmem:$0x1E800] =	vst v63  }
0x42: {  	s29 =	sadd.s32 $0x1C0, s23  }
0x43: {  	[tilespmem:s18], [sflag:$0x2] =	stream.indirect.gather [hbm4b:s3+s12], $0x80, s29, s12, $0xb8;
	[tilespmem:$0x1E800] =	vst v63  }
0x44: {  	_ =	swait.ge [sflag:s19], $0x2000  }
0x45: {  	[sflag:s19] =	ssyncset.done $0x0  }
0x46: {  	[sflag:s19] =	ssyncadd.s32 $0xFFFFE000  }
0x47: {  	_ =	swait.ge [sflag:s19], $0x2000  }
0x48: {  	[sflag:s19] =	ssyncset.done $0x0  }
0x49: {  	s30 =	sadd.s32 $0x200, s23;
	[sflag:s19] =	ssyncadd.s32 $0xFFFFE000  }
0x4a: {  	[tilespmem:s13], [sflag:$0x1] =	stream.indirect.gather [hbm4b:s3+s12], $0x80, s30, s12, $0xb8;
	[tilespmem:$0x1E800] =	vst v63  }
0x4b: {  	s31 =	sadd.s32 $0x240, s23  }
0x4c: {  	[tilespmem:s14], [sflag:$0x1] =	stream.indirect.gather [hbm4b:s3+s12], $0x80, s31, s12, $0xb8;
	[tilespmem:$0x1E800] =	vst v63  }
0x4d: {  	_ =	swait.ge [sflag:s16], $0x2000  }
0x4e: {  	[sflag:s16] =	ssyncset.done $0x0  }
0x4f: {  	[sflag:s16] =	ssyncadd.s32 $0xFFFFE000  }
0x50: {  	_ =	swait.ge [sflag:s16], $0x2000  }
0x51: {  	[sflag:s16] =	ssyncset.done $0x0  }
0x52: {  	s25 =	sadd.s32 $0x280, s23;
	[sflag:s16] =	ssyncadd.s32 $0xFFFFE000  }
0x53: {  	[tilespmem:s17], [sflag:$0x2] =	stream.indirect.gather [hbm4b:s3+s12], $0x80, s25, s12, $0xb8;
	[tilespmem:$0x1E800] =	vst v63  }
0x54: {  	s26 =	sadd.s32 $0x2C0, s23  }
0x55: {  	[tilespmem:s18], [sflag:$0x2] =	stream.indirect.gather [hbm4b:s3+s12], $0x80, s26, s12, $0xb8;
	[tilespmem:$0x1E800] =	vst v63  }
0x56: {  	_ =	swait.ge [sflag:s19], $0x2000  }
0x57: {  	[sflag:s19] =	ssyncset.done $0x0  }
0x58: {  	[sflag:s19] =	ssyncadd.s32 $0xFFFFE000  }
0x59: {  	_ =	swait.ge [sflag:s19], $0x2000  }
0x5a: {  	[sflag:s19] =	ssyncset.done $0x0  }
0x5b: {  	s28 =	sadd.s32 $0x300, s23;
	[sflag:s19] =	ssyncadd.s32 $0xFFFFE000  }
0x5c: {  	[tilespmem:s13], [sflag:$0x1] =	stream.indirect.gather [hbm4b:s3+s12], $0x80, s28, s12, $0xb8;
	[tilespmem:$0x1E800] =	vst v63  }
0x5d: {  	s29 =	sadd.s32 $0x340, s23  }
0x5e: {  	[tilespmem:s14], [sflag:$0x1] =	stream.indirect.gather [hbm4b:s3+s12], $0x80, s29, s12, $0xb8;
	[tilespmem:$0x1E800] =	vst v63  }
0x5f: {  	_ =	swait.ge [sflag:s16], $0x2000  }
0x60: {  	[sflag:s16] =	ssyncset.done $0x0  }
0x61: {  	[sflag:s16] =	ssyncadd.s32 $0xFFFFE000  }
0x62: {  	_ =	swait.ge [sflag:s16], $0x2000  }
0x63: {  	[sflag:s16] =	ssyncset.done $0x0  }
0x64: {  	s30 =	sadd.s32 $0x380, s23;
	[sflag:s16] =	ssyncadd.s32 $0xFFFFE000  }
0x65: {  	[tilespmem:s17], [sflag:$0x2] =	stream.indirect.gather [hbm4b:s3+s12], $0x80, s30, s12, $0xb8;
	[tilespmem:$0x1E800] =	vst v63  }
0x66: {  	s31 =	sadd.s32 $0x3C0, s23  }
0x67: {  	[tilespmem:s18], [sflag:$0x2] =	stream.indirect.gather [hbm4b:s3+s12], $0x80, s31, s12, $0xb8;
	[tilespmem:$0x1E800] =	vst v63  }
0x68: {  	p0 =	seq.s32 s21, $0x9000;
	_ =	swait.ge [sflag:s19], $0x2000  }
.Ltmp2:
0x69: {  	[sflag:s19] =	ssyncset.done $0x0;
	(pc) =	sbr.rel @p0 .LBB2_4-.Ltmp2, $4  }
0x6a: {  	[sflag:s19] =	ssyncadd.s32 $0xFFFFE000  }
0x6b: {  	_ =	swait.ge [sflag:s19], $0x2000  }
0x6c: {  	[sflag:s19] =	ssyncset.done $0x0  }
0x6d: {  	[sflag:s19] =	ssyncadd.s32 $0xFFFFE000  }
.Ltmp3:
0x6e: {  	(pc) =	sbr.rel .LBB2_2-.Ltmp3, $4  }
0x6f: {  	s24 =	sadd.s32 $0x400, s23  }
0x70: {  	[tilespmem:s13], [sflag:$0x1] =	stream.indirect.gather [hbm4b:s3+s12], $0x80, s24, s12, $0xb8;
	[tilespmem:$0x1E800] =	vst v63  }
0x71: {  	s31 =	sadd.s32 $0x440, s23;
	s22 =	sadd.s32 $0x80, s22;
	s21 =	sadd.s32 $0x1000, s21  }
0x72: {  	[tilespmem:s14], [sflag:$0x1] =	stream.indirect.gather [hbm4b:s3+s12], $0x80, s31, s12, $0xb8;
	[tilespmem:$0x1E800] =	vst v63  }
.LBB2_5:
0x73: {  	_ =	sfence.sel $0x180000  }
0x74: {  	[bflag:$0x0] =	sbarrier.arrive $0xFFFF  }
0x75: {  	p0 =	sne.s32 s1, $0x0;
	_ =	strace $0x9000004D  }
0x76: {  	s0 =	sadd.s32 @!p0 $0x100000, s0;
	[bflag:$0x2] =	sbarrier.arrive $0xFFFF  }
0x77: {  	[sflag:s0] =	ssyncadd.tile.s32 @!p0 $0x1;
	_ =	shalt  }
.Lfunc_end2:
_tile_overlayer_lowered:
.L_overlay_start_2:
0x78: {  	(tag) =	ssettag $0x2  }
0x79: {  	s0 =	rddreg [dreg:$0x0];
	s2 =	stileid.u32  }
0x7a: {  	s1 =	rddreg [dreg:$0x1];
	p0 =	sne.s32 s2, $0x0  }
0x7b: {  	s3 =	rddreg [dreg:$0x2];
	[bflag:$0x3] =	sbarrier.arrive $0xFFFF;
	s2 =	simm.s32 @!p0 $0x1C03  }
0x7c: {  	[timem:s3], [sflag:s2] =	dma.local @!p0 [hbm:s0], s1  }
0x7d: {  	s0 =	simm.s32 @!p0 $0x3  }
0x7e: {  	_ =	swait.ge @!p0 [sflag:s0], s1  }
0x7f: {  	s1 =	ssub.s32 @!p0 $0x0, s1;
	[sflag:s0] =	ssyncset.done @!p0 $0x0  }
0x80: {  	[sflag:s0] =	ssyncadd.s32 @!p0 s1  }
0x81: {  	[bflag:$0x3] =	sbarrier.arrive $0xFFFF  }
0x82: {  	_ =	shalt  }

</sc_bundles>
